<compile_context>
chip_gen: v7x
topology: tpu7x:2x2x1
jax: 0.10.2.dev20260603
libtpu: 0.0.44.dev20260713+nightly
codegen_flags: <defaults>
</compile_context>

<pallas_src>
import jax
import jax.numpy as jnp
from jax.experimental import pallas as pl
from jax.experimental.pallas import tpu as pltpu
from jax.experimental.pallas import tpu_sc as plsc

B, S, D = 1, 2048, 1024
H, KVH = 16, 8
HD = D // H
E, TOPK = 8, 2
DFF = 2048
EPS = 1e-6
TB = 256
NTB = S // TB
BF = jnp.bfloat16

MB = 256
NSLOT = TOPK * S + E * MB
NB = NSLOT // MB
NBP = NB
NA = TOPK * S
NC, NS, L = 2, 16, 16
NW = NC * NS
APW = NA // NW
TPW = S // NW
ACH = 32


def _qkv_kernel(x_ref, ln1_ref, cos_ref, sin_ref, wqkv_ref,
                q_ref, k_ref, v_ref):
    x = x_ref[...]
    var = jnp.mean(x * x, axis=1, keepdims=True)
    xn = (x * jax.lax.rsqrt(var + EPS)) * ln1_ref[...]
    xb = xn.astype(BF)
    qkv = jnp.dot(xb, wqkv_ref[...], preferred_element_type=jnp.float32)
    q = qkv[:, :H * HD] * 0.125
    k = qkv[:, H * HD:(H + KVH) * HD]
    v = qkv[:, (H + KVH) * HD:]
    c = cos_ref[...]
    s = sin_ref[...]
    hh = HD // 2
    for h in range(H):
        qh = q[:, h * HD:(h + 1) * HD]
        rot = jnp.concatenate([-qh[:, hh:], qh[:, :hh]], axis=1)
        q_ref[h] = (qh * c + rot * s).astype(BF)
    for h in range(KVH):
        kh = k[:, h * HD:(h + 1) * HD]
        rot = jnp.concatenate([-kh[:, hh:], kh[:, :hh]], axis=1)
        k_ref[h] = (kh * c + rot * s).astype(BF)
        v_ref[h] = v[:, h * HD:(h + 1) * HD].astype(BF)


TQ = 1024
NQB = S // TQ


def _attn_kernel(q_ref, k_ref, v_ref, o_ref):
    qb = pl.program_id(1)
    q = q_ref[0]
    m0 = jnp.full((TQ, 1), -1e30, jnp.float32)
    l0 = jnp.zeros((TQ, 1), jnp.float32)
    acc0 = jnp.zeros((TQ, HD), jnp.float32)

    def step(kb, carry, masked):
        m, l, acc = carry
        k = k_ref[0, pl.ds(kb * TQ, TQ), :]
        v = v_ref[0, pl.ds(kb * TQ, TQ), :]
        s = jax.lax.dot_general(q, k, (((1,), (1,)), ((), ())),
                                preferred_element_type=jnp.float32)
        if masked:
            rows = jax.lax.broadcasted_iota(jnp.int32, (TQ, TQ), 0)
            cols = jax.lax.broadcasted_iota(jnp.int32, (TQ, TQ), 1)
            s = jnp.where(rows >= cols, s, -1e9)
        mn = jnp.maximum(m, jnp.max(s, axis=1, keepdims=True))
        p = jnp.exp(s - mn)
        corr = jnp.exp(m - mn)
        l = l * corr + jnp.sum(p, axis=1, keepdims=True)
        acc = acc * corr + jnp.dot(p.astype(BF), v,
                                   preferred_element_type=jnp.float32)
        return mn, l, acc

    carry = jax.lax.fori_loop(0, qb, lambda kb, c: step(kb, c, False),
                              (m0, l0, acc0))
    m, l, acc = step(qb, carry, True)
    o_ref[0] = (acc / l).astype(BF)


def _post_kernel(o_ref, res_ref, wo_ref, ln2_ref, wg_ref,
                 h2_ref, hs_ref, t1_ref, t2_ref, g1_ref, g2_ref):
    o = jnp.concatenate([o_ref[h] for h in range(H)], axis=1)
    attn = jnp.dot(o, wo_ref[...], preferred_element_type=jnp.float32)
    h2 = res_ref[...] + attn
    h2_ref[...] = h2
    var = jnp.mean(h2 * h2, axis=1, keepdims=True)
    hs = (h2 * jax.lax.rsqrt(var + EPS)) * ln2_ref[...]
    hs_ref[...] = hs
    logits = jnp.dot(hs, wg_ref[...], preferred_element_type=jnp.float32)
    mx = jnp.max(logits, axis=1, keepdims=True)
    ex = jnp.exp(logits - mx)
    probs = ex / jnp.sum(ex, axis=1, keepdims=True)
    lane = jax.lax.broadcasted_iota(jnp.int32, (TB, E), 1)
    m1 = jnp.max(probs, axis=1, keepdims=True)
    i1 = jnp.min(jnp.where(probs == m1, lane, E), axis=1, keepdims=True)
    masked = jnp.where(lane == i1, -1.0, probs)
    m2 = jnp.max(masked, axis=1, keepdims=True)
    i2 = jnp.min(jnp.where(masked == m2, lane, E), axis=1, keepdims=True)
    denom = m1 + m2
    t1_ref[...] = i1
    t2_ref[...] = i2
    g1_ref[...] = m1 / denom
    g2_ref[...] = m2 / denom


def _route_kernel(tcat_ref, pos_ref, de_ref, da_ref):
    CH = 256
    NCH = NA // CH
    rows = jax.lax.broadcasted_iota(jnp.int32, (CH, CH), 0)
    cols = jax.lax.broadcasted_iota(jnp.int32, (CH, CH), 1)
    ltri = jnp.where(rows > cols, 1.0, 0.0).astype(BF)
    elane = jax.lax.broadcasted_iota(jnp.int32, (CH, E), 1)

    def count_chunk(ci, run):
        e = tcat_ref[pl.ds(ci * CH, CH), :]
        oh = (e == elane).astype(jnp.float32)
        return run + jnp.sum(oh, axis=0, keepdims=True)

    cnt = jax.lax.fori_loop(0, NCH, count_chunk,
                            jnp.zeros((1, E), jnp.float32))
    pc = jnp.ceil(cnt / MB) * MB
    r8 = jax.lax.broadcasted_iota(jnp.int32, (E, E), 0)
    c8 = jax.lax.broadcasted_iota(jnp.int32, (E, E), 1)
    tri8 = jnp.where(r8 <= c8, 1.0, 0.0)
    incl = jnp.dot(pc, tri8, preferred_element_type=jnp.float32)
    offp = incl - pc

    def pos_chunk(ci, run):
        e = tcat_ref[pl.ds(ci * CH, CH), :]
        ohf = (e == elane).astype(jnp.float32)
        rank = jax.lax.dot_general(
            ltri, ohf.astype(BF), (((1,), (0,)), ((), ())),
            preferred_element_type=jnp.float32)
        slot = jnp.sum(ohf * (offp + run + rank), axis=1, keepdims=True)
        pos_ref[pl.ds(ci * CH, CH), :] = slot.astype(jnp.int32)
        return run + jnp.sum(ohf, axis=0, keepdims=True)

    jax.lax.fori_loop(0, NCH, pos_chunk, jnp.zeros((1, E), jnp.float32))

    bs = (jax.lax.broadcasted_iota(jnp.int32, (NBP, 1), 0)
          * MB).astype(jnp.float32)
    eob = jnp.sum((bs >= incl).astype(jnp.int32), axis=1, keepdims=True)
    de_ref[...] = jnp.minimum(eob, E - 1)
    da_ref[...] = (bs < incl[:, E - 1:E]).astype(jnp.int32)


def _xscatter_kernel(pos_h, hs_h, xs_h, idx0_v, idx1_v, rows0_v, rows1_v,
                     sem):
    wid = jax.lax.axis_index("s") * NC + jax.lax.axis_index("c")
    bufs = ((idx0_v, rows0_v), (idx1_v, rows1_v))
    copies = [None] * (APW // ACH)
    for ci in range(APW // ACH):
        idx_v, rows_v = bufs[ci % 2]
        if ci >= 2:
            copies[ci - 2].wait()
        abase = wid * APW + ci * ACH
        tbase = abase % S
        pltpu.sync_copy(hs_h.at[pl.ds(tbase, ACH)], rows_v)
        pltpu.sync_copy(pos_h.at[pl.ds(abase, ACH)], idx_v)
        copies[ci] = pltpu.async_copy(rows_v, xs_h.at[idx_v], sem)
    copies[-2].wait()
    copies[-1].wait()


def _ygather_kernel(p1_h, p2_h, y_h, y1_h, y2_h, idx0_v, idx1_v,
                    rows0_v, rows1_v, sem):
    wid = jax.lax.axis_index("s") * NC + jax.lax.axis_index("c")
    base = wid * TPW
    bufs = ((idx0_v, rows0_v), (idx1_v, rows1_v))
    chunks = []
    for j, (p_h, yo_h) in enumerate(((p1_h, y1_h), (p2_h, y2_h))):
        for ck in range(TPW // ACH):
            chunks.append((p_h, yo_h, base + ck * ACH))
    copies = [None] * len(chunks)
    for ci, (p_h, yo_h, off) in enumerate(chunks):
        idx_v, rows_v = bufs[ci % 2]
        if ci >= 2:
            copies[ci - 2].wait()
            po, yoo, oo = chunks[ci - 2]
            pltpu.sync_copy(rows_v, yoo.at[pl.ds(oo, ACH)])
        pltpu.sync_copy(p_h.at[pl.ds(off, ACH)], idx_v)
        copies[ci] = pltpu.async_copy(y_h.at[idx_v], rows_v, sem)
    for ci in (len(chunks) - 2, len(chunks) - 1):
        copies[ci].wait()
        po, yoo, oo = chunks[ci]
        idx_v, rows_v = bufs[ci % 2]
        pltpu.sync_copy(rows_v, yoo.at[pl.ds(oo, ACH)])


def _moe_gemm_kernel(de_ref, da_ref, x_ref, w1_ref, w2_ref, w3_ref, y_ref):
    b = pl.program_id(0)

    @pl.when(da_ref[b] > 0)
    def _():
        x = x_ref[...].astype(BF)
        a = jnp.dot(x, w1_ref[0], preferred_element_type=jnp.float32)
        c = jnp.dot(x, w3_ref[0], preferred_element_type=jnp.float32)
        inter = (a * jax.nn.sigmoid(a) * c).astype(BF)
        y_ref[...] = jnp.dot(inter, w2_ref[0],
                             preferred_element_type=jnp.float32)


def _combine_kernel(h2_ref, g1_ref, g2_ref, y1_ref, y2_ref, out_ref):
    out_ref[...] = (h2_ref[...] + g1_ref[...] * y1_ref[...]
                    + g2_ref[...] * y2_ref[...])


def kernel(hidden_states, cos, sin, position_ids, k_cache, v_cache,
           ln1_w, ln2_w, wq, wk, wv, wo, w_gate, w1, w2, w3):
    del position_ids, k_cache, v_cache
    x = hidden_states[0]
    cos2 = cos[0, :, :HD]
    sin2 = sin[0, :, :HD]
    ln1 = ln1_w.reshape(1, D)
    ln2 = ln2_w.reshape(1, D)
    wqkv_b = jnp.concatenate([wq, wk, wv], axis=1).astype(BF)
    wo_b = wo.astype(BF)
    w1_b = w1.astype(BF)
    w2_b = w2.astype(BF)
    w3_b = w3.astype(BF)
    f32 = jnp.float32
    i32 = jnp.int32

    q, k, v = pl.pallas_call(
        _qkv_kernel,
        grid=(NTB,),
        in_specs=[
            pl.BlockSpec((TB, D), lambda t: (t, 0)),
            pl.BlockSpec((1, D), lambda t: (0, 0)),
            pl.BlockSpec((TB, HD), lambda t: (t, 0)),
            pl.BlockSpec((TB, HD), lambda t: (t, 0)),
            pl.BlockSpec((D, (H + 2 * KVH) * HD), lambda t: (0, 0)),
        ],
        out_specs=[
            pl.BlockSpec((H, TB, HD), lambda t: (0, t, 0)),
            pl.BlockSpec((KVH, TB, HD), lambda t: (0, t, 0)),
            pl.BlockSpec((KVH, TB, HD), lambda t: (0, t, 0)),
        ],
        out_shape=[
            jax.ShapeDtypeStruct((H, S, HD), BF),
            jax.ShapeDtypeStruct((KVH, S, HD), BF),
            jax.ShapeDtypeStruct((KVH, S, HD), BF),
        ],
    )(x, ln1, cos2, sin2, wqkv_b)

    o = pl.pallas_call(
        _attn_kernel,
        grid=(H, NQB),
        in_specs=[
            pl.BlockSpec((1, TQ, HD), lambda h, t: (h, t, 0)),
            pl.BlockSpec((1, S, HD), lambda h, t: (h // 2, 0, 0)),
            pl.BlockSpec((1, S, HD), lambda h, t: (h // 2, 0, 0)),
        ],
        out_specs=pl.BlockSpec((1, TQ, HD), lambda h, t: (h, t, 0)),
        out_shape=jax.ShapeDtypeStruct((H, S, HD), BF),
    )(q, k, v)

    h2, hs, t1, t2, g1, g2 = pl.pallas_call(
        _post_kernel,
        grid=(NTB,),
        in_specs=[
            pl.BlockSpec((H, TB, HD), lambda t: (0, t, 0)),
            pl.BlockSpec((TB, D), lambda t: (t, 0)),
            pl.BlockSpec((H * HD, D), lambda t: (0, 0)),
            pl.BlockSpec((1, D), lambda t: (0, 0)),
            pl.BlockSpec((D, E), lambda t: (0, 0)),
        ],
        out_specs=[
            pl.BlockSpec((TB, D), lambda t: (t, 0)),
            pl.BlockSpec((TB, D), lambda t: (t, 0)),
            pl.BlockSpec((TB, 1), lambda t: (t, 0)),
            pl.BlockSpec((TB, 1), lambda t: (t, 0)),
            pl.BlockSpec((TB, 1), lambda t: (t, 0)),
            pl.BlockSpec((TB, 1), lambda t: (t, 0)),
        ],
        out_shape=[
            jax.ShapeDtypeStruct((S, D), f32),
            jax.ShapeDtypeStruct((S, D), f32),
            jax.ShapeDtypeStruct((S, 1), i32),
            jax.ShapeDtypeStruct((S, 1), i32),
            jax.ShapeDtypeStruct((S, 1), f32),
            jax.ShapeDtypeStruct((S, 1), f32),
        ],
    )(o, x, wo_b, ln2, w_gate)

    tcat = jnp.concatenate([t1, t2], axis=0)

    pos, de, da = pl.pallas_call(
        _route_kernel,
        out_shape=[
            jax.ShapeDtypeStruct((NA, 1), i32),
            jax.ShapeDtypeStruct((NBP, 1), i32),
            jax.ShapeDtypeStruct((NBP, 1), i32),
        ],
    )(tcat)

    posf = pos.reshape(NA)
    pos1 = posf[:S]
    pos2 = posf[S:]
    de_s = de.reshape(NBP)
    da_s = da.reshape(NBP)

    mesh = plsc.VectorSubcoreMesh(core_axis_name="c", subcore_axis_name="s")

    xscatter = pl.kernel(
        _xscatter_kernel,
        mesh=mesh,
        out_type=jax.ShapeDtypeStruct((NSLOT, D), f32),
        scratch_types=[
            pltpu.VMEM((ACH,), i32),
            pltpu.VMEM((ACH,), i32),
            pltpu.VMEM((ACH, D), f32),
            pltpu.VMEM((ACH, D), f32),
            pltpu.SemaphoreType.DMA,
        ],
    )
    xs = xscatter(posf, hs)

    y = pl.pallas_call(
        _moe_gemm_kernel,
        grid_spec=pltpu.PrefetchScalarGridSpec(
            num_scalar_prefetch=2,
            grid=(NB,),
            in_specs=[
                pl.BlockSpec((MB, D), lambda b, de_r, da_r: (b, 0)),
                pl.BlockSpec((1, D, DFF),
                             lambda b, de_r, da_r: (de_r[b], 0, 0)),
                pl.BlockSpec((1, DFF, D),
                             lambda b, de_r, da_r: (de_r[b], 0, 0)),
                pl.BlockSpec((1, D, DFF),
                             lambda b, de_r, da_r: (de_r[b], 0, 0)),
            ],
            out_specs=pl.BlockSpec((MB, D), lambda b, de_r, da_r: (b, 0)),
        ),
        out_shape=jax.ShapeDtypeStruct((NSLOT, D), f32),
        compiler_params=pltpu.CompilerParams(
            dimension_semantics=("arbitrary",)),
    )(de_s, da_s, xs, w1_b, w2_b, w3_b)

    ygather = pl.kernel(
        _ygather_kernel,
        mesh=mesh,
        out_type=[
            jax.ShapeDtypeStruct((S, D), f32),
            jax.ShapeDtypeStruct((S, D), f32),
        ],
        scratch_types=[
            pltpu.VMEM((ACH,), i32),
            pltpu.VMEM((ACH,), i32),
            pltpu.VMEM((ACH, D), f32),
            pltpu.VMEM((ACH, D), f32),
            pltpu.SemaphoreType.DMA,
        ],
    )
    y1, y2 = ygather(pos1, pos2, y)

    out = pl.pallas_call(
        _combine_kernel,
        grid=(NTB,),
        in_specs=[
            pl.BlockSpec((TB, D), lambda t: (t, 0)),
            pl.BlockSpec((TB, 1), lambda t: (t, 0)),
            pl.BlockSpec((TB, 1), lambda t: (t, 0)),
            pl.BlockSpec((TB, D), lambda t: (t, 0)),
            pl.BlockSpec((TB, D), lambda t: (t, 0)),
        ],
        out_specs=pl.BlockSpec((TB, D), lambda t: (t, 0)),
        out_shape=jax.ShapeDtypeStruct((S, D), f32),
    )(h2, g1, g2, y1, y2)

    return out.reshape(B, S, D)

# --- scband reference (transcript-rebuilt; emitter-appended) ---
"""Pipeline reference for scband-mixtral-block-42949672960150 (READ-ONLY COPY).

The authoritative reference and input builder live on the scoring server;
editing this copy changes nothing except your own understanding.
"""

import jax, jax.numpy as jnp
import numpy as np

B, S, D = 1, 2048, 1024
H, KVH = 16, 8
HD = D // H
E, TOPK = 8, 2
DFF = 2048
EPS = 1e-6


def setup_inputs(seed: int = 0) -> dict:
    key = jax.random.key(seed)
    ks = jax.random.split(key, 12)
    scale = 0.02
    inp = {}
    inp['hidden_states'] = jax.random.normal(ks[0], (B, S, D), dtype=jnp.float32)
    inv_freq = 1.0 / (10000.0 ** (np.arange(0, HD, 2, dtype=np.float64) / HD))
    pos = np.arange(S, dtype=np.float64)
    freqs = np.outer(pos, inv_freq)
    emb = np.concatenate([freqs, freqs], axis=-1)
    inp['cos'] = jnp.asarray(np.cos(emb)[None].astype(np.float32))
    inp['sin'] = jnp.asarray(np.sin(emb)[None].astype(np.float32))
    inp['position_ids'] = jnp.broadcast_to(jnp.arange(S, dtype=jnp.int32)[None, :], (B, S))
    inp['k_cache'] = jnp.zeros((B, S, KVH, HD), dtype=jnp.float32)
    inp['v_cache'] = jnp.zeros((B, S, KVH, HD), dtype=jnp.float32)
    inp['ln1_w'] = jnp.ones((D,), dtype=jnp.float32)
    inp['ln2_w'] = jnp.ones((D,), dtype=jnp.float32)
    inp['wq'] = jax.random.normal(ks[1], (D, H * HD), dtype=jnp.float32) * scale
    inp['wk'] = jax.random.normal(ks[2], (D, KVH * HD), dtype=jnp.float32) * scale
    inp['wv'] = jax.random.normal(ks[3], (D, KVH * HD), dtype=jnp.float32) * scale
    inp['wo'] = jax.random.normal(ks[4], (H * HD, D), dtype=jnp.float32) * scale
    inp['w_gate'] = jax.random.normal(ks[5], (D, E), dtype=jnp.float32) * scale
    inp['w1'] = jax.random.normal(ks[6], (E, D, DFF), dtype=jnp.float32) * scale
    inp['w2'] = jax.random.normal(ks[7], (E, DFF, D), dtype=jnp.float32) * scale
    inp['w3'] = jax.random.normal(ks[8], (E, D, DFF), dtype=jnp.float32) * scale
    return inp


def _rmsnorm(x, w):
    xf = x.astype(jnp.float32)
    var = jnp.mean(xf * xf, axis=-1, keepdims=True)
    return w * (xf * jax.lax.rsqrt(var + EPS))


def _rotate_half(x):
    x1, x2 = jnp.split(x, 2, axis=-1)
    return jnp.concatenate([-x2, x1], axis=-1)


def _apply_rope(q, k, cos, sin):
    c = cos[:, :, None, :]
    s = sin[:, :, None, :]
    return q * c + _rotate_half(q) * s, k * c + _rotate_half(k) * s


def reference(hidden_states, cos, sin, position_ids, k_cache, v_cache, ln1_w, ln2_w, wq, wk, wv, wo, w_gate, w1, w2, w3):
    # ---- attention sub-block ----
    residual = hidden_states
    h = _rmsnorm(hidden_states, ln1_w)
    q = (h @ wq).reshape(B, S, H, HD)
    k = (h @ wk).reshape(B, S, KVH, HD)
    v = (h @ wv).reshape(B, S, KVH, HD)
    q, k = _apply_rope(q, k, cos, sin)
    bidx = jnp.arange(B)[:, None]
    k_cache = k_cache.at[bidx, position_ids].set(k)
    v_cache = v_cache.at[bidx, position_ids].set(v)
    rep = H // KVH
    kk = jnp.repeat(k_cache, rep, axis=2)
    vv = jnp.repeat(v_cache, rep, axis=2)
    qh = q.transpose(0, 2, 1, 3)
    kh = kk.transpose(0, 2, 1, 3)
    vh = vv.transpose(0, 2, 1, 3)
    scores = (qh @ kh.transpose(0, 1, 3, 2)) / jnp.sqrt(jnp.float32(HD))
    mask = position_ids[:, None, :, None] >= jnp.arange(S, dtype=jnp.int32)[None, None, None, :]
    scores = jnp.where(mask, scores, jnp.float32(-1e9))
    attn = jax.nn.softmax(scores, axis=-1)
    o = (attn @ vh).transpose(0, 2, 1, 3).reshape(B, S, H * HD)
    h = residual + o @ wo
    # ---- sparse MoE sub-block ----
    residual2 = h
    hs = _rmsnorm(h, ln2_w)
    router_logits = hs @ w_gate
    probs = jax.nn.softmax(router_logits.astype(jnp.float32), axis=-1)
    topw, topi = jax.lax.top_k(probs, TOPK)
    topw = topw / jnp.sum(topw, axis=-1, keepdims=True)
    onehot = jax.nn.one_hot(topi, E, dtype=hs.dtype)  # [B,S,K,E]
    gates = jnp.einsum('bsk,bske->bse', topw.astype(hs.dtype), onehot)
    x = hs.reshape(-1, D)
    g = gates.reshape(-1, E)
    a = jnp.einsum('td,edf->etf', x, w1)
    c = jnp.einsum('td,edf->etf', x, w3)
    eo = jnp.einsum('etf,efd->etd', jax.nn.silu(a) * c, w2)
    moe_out = jnp.einsum('te,etd->td', g, eo)
    out = residual2 + moe_out.reshape(B, S, D)
    return out

if __name__ == "__main__":
    import jax
    _d = setup_inputs()
    print(jax.jit(kernel)(*tuple(_d.values())))

</pallas_src>

<mosaic_0001>
#map = affine_map<(d0, d1) -> (0)>
#map1 = affine_map<(d0, d1) -> (0, 0)>
module attributes {stable_mosaic.version = 14 : i64} {
  func.func @_ygather_kernel(%arg0: i32, %arg1: i32, %arg2: memref<2048xi32, #tpu.memory_space<hbm>>, %arg3: memref<2048xi32, #tpu.memory_space<hbm>>, %arg4: memref<6144x1024xf32, #tpu.memory_space<hbm>>, %arg5: memref<2048x1024xf32, #tpu.memory_space<hbm>>, %arg6: memref<2048x1024xf32, #tpu.memory_space<hbm>>, %arg7: memref<32xi32, #tpu.memory_space<vmem>>, %arg8: memref<32xi32, #tpu.memory_space<vmem>>, %arg9: memref<32x1024xf32, #tpu.memory_space<vmem>>, %arg10: memref<32x1024xf32, #tpu.memory_space<vmem>>, %arg11: memref<!tpu.dma_semaphore, #tpu.memory_space<semaphore_mem>>) attributes {dimension_semantics = [#tpu.dimension_semantics<core_parallel>, #tpu.dimension_semantics<subcore_parallel>], iteration_bounds = array<i64: 2, 16>, scalar_prefetch = 0 : i64, scratch_operands = 5 : i64, tpu.core_type = #tpu.core_type<sc_vector_subcore>, window_params = [{transform_indices = #map}, {transform_indices = #map}, {transform_indices = #map1}, {transform_indices = #map1}, {transform_indices = #map1}]} {
    %mul3A = arith.constant 2 : i32
    %mul3A_0 = arith.muli %arg1, %mul3A : i32
    %add3A = arith.addi %mul3A_0, %arg0 : i32
    %mul3A_1 = arith.constant 64 : i32
    %mul3A_2 = arith.muli %add3A, %mul3A_1 : i32
    %add3A_3 = arith.constant 0 : i32
    %add3A_4 = arith.addi %mul3A_2, %add3A_3 : i32
    %add3A_5 = arith.constant 32 : i32
    %add3A_6 = arith.addi %mul3A_2, %add3A_5 : i32
    %add3A_7 = arith.constant 0 : i32
    %add3A_8 = arith.addi %mul3A_2, %add3A_7 : i32
    %add3A_9 = arith.constant 32 : i32
    %add3A_10 = arith.addi %mul3A_2, %add3A_9 : i32
    "tpu.region"() ({
      %run_scoped3A = tpu.sem_alloc : memref<!tpu.dma_semaphore, #tpu.memory_space<semaphore_mem>>
      %dma_start3A_33 = tpu.memref_slice %arg2[%add3A_4] : memref<2048xi32, #tpu.memory_space<hbm>> -> memref<32xi32, #tpu.memory_space<hbm>>
      %dma_start3A_34 = tpu.memref_slice %arg2[%add3A_4] : memref<2048xi32, #tpu.memory_space<hbm>> -> memref<32xi32, #tpu.memory_space<hbm>>
      tpu.enqueue_dma source(%dma_start3A_34 : memref<32xi32, #tpu.memory_space<hbm>>) target(%arg7 : memref<32xi32, #tpu.memory_space<vmem>>) target_semaphore(%run_scoped3A : memref<!tpu.dma_semaphore, #tpu.memory_space<semaphore_mem>>)
      %dma_wait3A_35 = tpu.memref_slice %arg2[%add3A_4] : memref<2048xi32, #tpu.memory_space<hbm>> -> memref<32xi32, #tpu.memory_space<hbm>>
      %dma_wait3A_36 = tpu.memref_slice %arg2[%add3A_4] : memref<2048xi32, #tpu.memory_space<hbm>> -> memref<32xi32, #tpu.memory_space<hbm>>
      tpu.wait_dma2 semaphore(%run_scoped3A : memref<!tpu.dma_semaphore, #tpu.memory_space<semaphore_mem>>) src(%dma_wait3A_36 : memref<32xi32, #tpu.memory_space<hbm>>) dst(%arg7 : memref<32xi32, #tpu.memory_space<vmem>>)
      tpu.yield
    }) : () -> ()
    %dma_start3A = arith.constant 0 : i32
    %dma_start3A_11 = arith.constant 0 : i32
    %dma_start3A_12 = tpu.memref_slice %arg4[%dma_start3A, %dma_start3A_11] : memref<6144x1024xf32, #tpu.memory_space<hbm>> -> memref<6144x1024xf32, #tpu.memory_space<hbm>>
    tpu.enqueue_indirect_dma source(%dma_start3A_12 : memref<6144x1024xf32, #tpu.memory_space<hbm>>) target(%arg9 : memref<32x1024xf32, #tpu.memory_space<vmem>>) offsets(%arg7 : memref<32xi32, #tpu.memory_space<vmem>>) semaphore(%arg11 : memref<!tpu.dma_semaphore, #tpu.memory_space<semaphore_mem>>)
    "tpu.region"() ({
      %run_scoped3A = tpu.sem_alloc : memref<!tpu.dma_semaphore, #tpu.memory_space<semaphore_mem>>
      %dma_start3A_33 = tpu.memref_slice %arg2[%add3A_6] : memref<2048xi32, #tpu.memory_space<hbm>> -> memref<32xi32, #tpu.memory_space<hbm>>
      %dma_start3A_34 = tpu.memref_slice %arg2[%add3A_6] : memref<2048xi32, #tpu.memory_space<hbm>> -> memref<32xi32, #tpu.memory_space<hbm>>
      tpu.enqueue_dma source(%dma_start3A_34 : memref<32xi32, #tpu.memory_space<hbm>>) target(%arg8 : memref<32xi32, #tpu.memory_space<vmem>>) target_semaphore(%run_scoped3A : memref<!tpu.dma_semaphore, #tpu.memory_space<semaphore_mem>>)
      %dma_wait3A_35 = tpu.memref_slice %arg2[%add3A_6] : memref<2048xi32, #tpu.memory_space<hbm>> -> memref<32xi32, #tpu.memory_space<hbm>>
      %dma_wait3A_36 = tpu.memref_slice %arg2[%add3A_6] : memref<2048xi32, #tpu.memory_space<hbm>> -> memref<32xi32, #tpu.memory_space<hbm>>
      tpu.wait_dma2 semaphore(%run_scoped3A : memref<!tpu.dma_semaphore, #tpu.memory_space<semaphore_mem>>) src(%dma_wait3A_36 : memref<32xi32, #tpu.memory_space<hbm>>) dst(%arg8 : memref<32xi32, #tpu.memory_space<vmem>>)
      tpu.yield
    }) : () -> ()
    %dma_start3A_13 = arith.constant 0 : i32
    %dma_start3A_14 = arith.constant 0 : i32
    %dma_start3A_15 = tpu.memref_slice %arg4[%dma_start3A_13, %dma_start3A_14] : memref<6144x1024xf32, #tpu.memory_space<hbm>> -> memref<6144x1024xf32, #tpu.memory_space<hbm>>
    tpu.enqueue_indirect_dma source(%dma_start3A_15 : memref<6144x1024xf32, #tpu.memory_space<hbm>>) target(%arg10 : memref<32x1024xf32, #tpu.memory_space<vmem>>) offsets(%arg8 : memref<32xi32, #tpu.memory_space<vmem>>) semaphore(%arg11 : memref<!tpu.dma_semaphore, #tpu.memory_space<semaphore_mem>>)
    %dma_wait3A = arith.constant 0 : i32
    %dma_wait3A_16 = arith.constant 0 : i32
    %dma_wait3A_17 = tpu.memref_slice %arg4[%dma_wait3A, %dma_wait3A_16] : memref<6144x1024xf32, #tpu.memory_space<hbm>> -> memref<6144x1024xf32, #tpu.memory_space<hbm>>
    tpu.wait_indirect_dma semaphore(%arg11 : memref<!tpu.dma_semaphore, #tpu.memory_space<semaphore_mem>>) src(%dma_wait3A_17 : memref<6144x1024xf32, #tpu.memory_space<hbm>>) dst(%arg9 : memref<32x1024xf32, #tpu.memory_space<vmem>>)
    "tpu.region"() ({
      %run_scoped3A = tpu.sem_alloc : memref<!tpu.dma_semaphore, #tpu.memory_space<semaphore_mem>>
      %dma_start3A_33 = arith.constant 0 : i32
      %dma_start3A_34 = tpu.memref_slice %arg5[%add3A_4, %dma_start3A_33] : memref<2048x1024xf32, #tpu.memory_space<hbm>> -> memref<32x1024xf32, #tpu.memory_space<hbm>>
      %dma_start3A_35 = arith.constant 0 : i32
      %dma_start3A_36 = tpu.memref_slice %arg5[%add3A_4, %dma_start3A_35] : memref<2048x1024xf32, #tpu.memory_space<hbm>> -> memref<32x1024xf32, #tpu.memory_space<hbm>>
      tpu.enqueue_dma source(%arg9 : memref<32x1024xf32, #tpu.memory_space<vmem>>) target(%dma_start3A_36 : memref<32x1024xf32, #tpu.memory_space<hbm>>) target_semaphore(%run_scoped3A : memref<!tpu.dma_semaphore, #tpu.memory_space<semaphore_mem>>)
      %dma_wait3A_37 = arith.constant 0 : i32
      %dma_wait3A_38 = tpu.memref_slice %arg5[%add3A_4, %dma_wait3A_37] : memref<2048x1024xf32, #tpu.memory_space<hbm>> -> memref<32x1024xf32, #tpu.memory_space<hbm>>
      %dma_wait3A_39 = arith.constant 0 : i32
      %dma_wait3A_40 = tpu.memref_slice %arg5[%add3A_4, %dma_wait3A_39] : memref<2048x1024xf32, #tpu.memory_space<hbm>> -> memref<32x1024xf32, #tpu.memory_space<hbm>>
      tpu.wait_dma2 semaphore(%run_scoped3A : memref<!tpu.dma_semaphore, #tpu.memory_space<semaphore_mem>>) src(%arg9 : memref<32x1024xf32, #tpu.memory_space<vmem>>) dst(%dma_wait3A_40 : memref<32x1024xf32, #tpu.memory_space<hbm>>)
      tpu.yield
    }) : () -> ()
    "tpu.region"() ({
      %run_scoped3A = tpu.sem_alloc : memref<!tpu.dma_semaphore, #tpu.memory_space<semaphore_mem>>
      %dma_start3A_33 = tpu.memref_slice %arg3[%add3A_8] : memref<2048xi32, #tpu.memory_space<hbm>> -> memref<32xi32, #tpu.memory_space<hbm>>
      %dma_start3A_34 = tpu.memref_slice %arg3[%add3A_8] : memref<2048xi32, #tpu.memory_space<hbm>> -> memref<32xi32, #tpu.memory_space<hbm>>
      tpu.enqueue_dma source(%dma_start3A_34 : memref<32xi32, #tpu.memory_space<hbm>>) target(%arg7 : memref<32xi32, #tpu.memory_space<vmem>>) target_semaphore(%run_scoped3A : memref<!tpu.dma_semaphore, #tpu.memory_space<semaphore_mem>>)
      %dma_wait3A_35 = tpu.memref_slice %arg3[%add3A_8] : memref<2048xi32, #tpu.memory_space<hbm>> -> memref<32xi32, #tpu.memory_space<hbm>>
      %dma_wait3A_36 = tpu.memref_slice %arg3[%add3A_8] : memref<2048xi32, #tpu.memory_space<hbm>> -> memref<32xi32, #tpu.memory_space<hbm>>
      tpu.wait_dma2 semaphore(%run_scoped3A : memref<!tpu.dma_semaphore, #tpu.memory_space<semaphore_mem>>) src(%dma_wait3A_36 : memref<32xi32, #tpu.memory_space<hbm>>) dst(%arg7 : memref<32xi32, #tpu.memory_space<vmem>>)
      tpu.yield
    }) : () -> ()
    %dma_start3A_18 = arith.constant 0 : i32
    %dma_start3A_19 = arith.constant 0 : i32
    %dma_start3A_20 = tpu.memref_slice %arg4[%dma_start3A_18, %dma_start3A_19] : memref<6144x1024xf32, #tpu.memory_space<hbm>> -> memref<6144x1024xf32, #tpu.memory_space<hbm>>
    tpu.enqueue_indirect_dma source(%dma_start3A_20 : memref<6144x1024xf32, #tpu.memory_space<hbm>>) target(%arg9 : memref<32x1024xf32, #tpu.memory_space<vmem>>) offsets(%arg7 : memref<32xi32, #tpu.memory_space<vmem>>) semaphore(%arg11 : memref<!tpu.dma_semaphore, #tpu.memory_space<semaphore_mem>>)
    %dma_wait3A_21 = arith.constant 0 : i32
    %dma_wait3A_22 = arith.constant 0 : i32
    %dma_wait3A_23 = tpu.memref_slice %arg4[%dma_wait3A_21, %dma_wait3A_22] : memref<6144x1024xf32, #tpu.memory_space<hbm>> -> memref<6144x1024xf32, #tpu.memory_space<hbm>>
    tpu.wait_indirect_dma semaphore(%arg11 : memref<!tpu.dma_semaphore, #tpu.memory_space<semaphore_mem>>) src(%dma_wait3A_23 : memref<6144x1024xf32, #tpu.memory_space<hbm>>) dst(%arg10 : memref<32x1024xf32, #tpu.memory_space<vmem>>)
    "tpu.region"() ({
      %run_scoped3A = tpu.sem_alloc : memref<!tpu.dma_semaphore, #tpu.memory_space<semaphore_mem>>
      %dma_start3A_33 = arith.constant 0 : i32
      %dma_start3A_34 = tpu.memref_slice %arg5[%add3A_6, %dma_start3A_33] : memref<2048x1024xf32, #tpu.memory_space<hbm>> -> memref<32x1024xf32, #tpu.memory_space<hbm>>
      %dma_start3A_35 = arith.constant 0 : i32
      %dma_start3A_36 = tpu.memref_slice %arg5[%add3A_6, %dma_start3A_35] : memref<2048x1024xf32, #tpu.memory_space<hbm>> -> memref<32x1024xf32, #tpu.memory_space<hbm>>
      tpu.enqueue_dma source(%arg10 : memref<32x1024xf32, #tpu.memory_space<vmem>>) target(%dma_start3A_36 : memref<32x1024xf32, #tpu.memory_space<hbm>>) target_semaphore(%run_scoped3A : memref<!tpu.dma_semaphore, #tpu.memory_space<semaphore_mem>>)
      %dma_wait3A_37 = arith.constant 0 : i32
      %dma_wait3A_38 = tpu.memref_slice %arg5[%add3A_6, %dma_wait3A_37] : memref<2048x1024xf32, #tpu.memory_space<hbm>> -> memref<32x1024xf32, #tpu.memory_space<hbm>>
      %dma_wait3A_39 = arith.constant 0 : i32
      %dma_wait3A_40 = tpu.memref_slice %arg5[%add3A_6, %dma_wait3A_39] : memref<2048x1024xf32, #tpu.memory_space<hbm>> -> memref<32x1024xf32, #tpu.memory_space<hbm>>
      tpu.wait_dma2 semaphore(%run_scoped3A : memref<!tpu.dma_semaphore, #tpu.memory_space<semaphore_mem>>) src(%arg10 : memref<32x1024xf32, #tpu.memory_space<vmem>>) dst(%dma_wait3A_40 : memref<32x1024xf32, #tpu.memory_space<hbm>>)
      tpu.yield
    }) : () -> ()
    "tpu.region"() ({
      %run_scoped3A = tpu.sem_alloc : memref<!tpu.dma_semaphore, #tpu.memory_space<semaphore_mem>>
      %dma_start3A_33 = tpu.memref_slice %arg3[%add3A_10] : memref<2048xi32, #tpu.memory_space<hbm>> -> memref<32xi32, #tpu.memory_space<hbm>>
      %dma_start3A_34 = tpu.memref_slice %arg3[%add3A_10] : memref<2048xi32, #tpu.memory_space<hbm>> -> memref<32xi32, #tpu.memory_space<hbm>>
      tpu.enqueue_dma source(%dma_start3A_34 : memref<32xi32, #tpu.memory_space<hbm>>) target(%arg8 : memref<32xi32, #tpu.memory_space<vmem>>) target_semaphore(%run_scoped3A : memref<!tpu.dma_semaphore, #tpu.memory_space<semaphore_mem>>)
      %dma_wait3A_35 = tpu.memref_slice %arg3[%add3A_10] : memref<2048xi32, #tpu.memory_space<hbm>> -> memref<32xi32, #tpu.memory_space<hbm>>
      %dma_wait3A_36 = tpu.memref_slice %arg3[%add3A_10] : memref<2048xi32, #tpu.memory_space<hbm>> -> memref<32xi32, #tpu.memory_space<hbm>>
      tpu.wait_dma2 semaphore(%run_scoped3A : memref<!tpu.dma_semaphore, #tpu.memory_space<semaphore_mem>>) src(%dma_wait3A_36 : memref<32xi32, #tpu.memory_space<hbm>>) dst(%arg8 : memref<32xi32, #tpu.memory_space<vmem>>)
      tpu.yield
    }) : () -> ()
    %dma_start3A_24 = arith.constant 0 : i32
    %dma_start3A_25 = arith.constant 0 : i32
    %dma_start3A_26 = tpu.memref_slice %arg4[%dma_start3A_24, %dma_start3A_25] : memref<6144x1024xf32, #tpu.memory_space<hbm>> -> memref<6144x1024xf32, #tpu.memory_space<hbm>>
    tpu.enqueue_indirect_dma source(%dma_start3A_26 : memref<6144x1024xf32, #tpu.memory_space<hbm>>) target(%arg10 : memref<32x1024xf32, #tpu.memory_space<vmem>>) offsets(%arg8 : memref<32xi32, #tpu.memory_space<vmem>>) semaphore(%arg11 : memref<!tpu.dma_semaphore, #tpu.memory_space<semaphore_mem>>)
    %dma_wait3A_27 = arith.constant 0 : i32
    %dma_wait3A_28 = arith.constant 0 : i32
    %dma_wait3A_29 = tpu.memref_slice %arg4[%dma_wait3A_27, %dma_wait3A_28] : memref<6144x1024xf32, #tpu.memory_space<hbm>> -> memref<6144x1024xf32, #tpu.memory_space<hbm>>
    tpu.wait_indirect_dma semaphore(%arg11 : memref<!tpu.dma_semaphore, #tpu.memory_space<semaphore_mem>>) src(%dma_wait3A_29 : memref<6144x1024xf32, #tpu.memory_space<hbm>>) dst(%arg9 : memref<32x1024xf32, #tpu.memory_space<vmem>>)
    "tpu.region"() ({
      %run_scoped3A = tpu.sem_alloc : memref<!tpu.dma_semaphore, #tpu.memory_space<semaphore_mem>>
      %dma_start3A_33 = arith.constant 0 : i32
      %dma_start3A_34 = tpu.memref_slice %arg6[%add3A_8, %dma_start3A_33] : memref<2048x1024xf32, #tpu.memory_space<hbm>> -> memref<32x1024xf32, #tpu.memory_space<hbm>>
      %dma_start3A_35 = arith.constant 0 : i32
      %dma_start3A_36 = tpu.memref_slice %arg6[%add3A_8, %dma_start3A_35] : memref<2048x1024xf32, #tpu.memory_space<hbm>> -> memref<32x1024xf32, #tpu.memory_space<hbm>>
      tpu.enqueue_dma source(%arg9 : memref<32x1024xf32, #tpu.memory_space<vmem>>) target(%dma_start3A_36 : memref<32x1024xf32, #tpu.memory_space<hbm>>) target_semaphore(%run_scoped3A : memref<!tpu.dma_semaphore, #tpu.memory_space<semaphore_mem>>)
      %dma_wait3A_37 = arith.constant 0 : i32
      %dma_wait3A_38 = tpu.memref_slice %arg6[%add3A_8, %dma_wait3A_37] : memref<2048x1024xf32, #tpu.memory_space<hbm>> -> memref<32x1024xf32, #tpu.memory_space<hbm>>
      %dma_wait3A_39 = arith.constant 0 : i32
      %dma_wait3A_40 = tpu.memref_slice %arg6[%add3A_8, %dma_wait3A_39] : memref<2048x1024xf32, #tpu.memory_space<hbm>> -> memref<32x1024xf32, #tpu.memory_space<hbm>>
      tpu.wait_dma2 semaphore(%run_scoped3A : memref<!tpu.dma_semaphore, #tpu.memory_space<semaphore_mem>>) src(%arg9 : memref<32x1024xf32, #tpu.memory_space<vmem>>) dst(%dma_wait3A_40 : memref<32x1024xf32, #tpu.memory_space<hbm>>)
      tpu.yield
    }) : () -> ()
    %dma_wait3A_30 = arith.constant 0 : i32
    %dma_wait3A_31 = arith.constant 0 : i32
    %dma_wait3A_32 = tpu.memref_slice %arg4[%dma_wait3A_30, %dma_wait3A_31] : memref<6144x1024xf32, #tpu.memory_space<hbm>> -> memref<6144x1024xf32, #tpu.memory_space<hbm>>
    tpu.wait_indirect_dma semaphore(%arg11 : memref<!tpu.dma_semaphore, #tpu.memory_space<semaphore_mem>>) src(%dma_wait3A_32 : memref<6144x1024xf32, #tpu.memory_space<hbm>>) dst(%arg10 : memref<32x1024xf32, #tpu.memory_space<vmem>>)
    "tpu.region"() ({
      %run_scoped3A = tpu.sem_alloc : memref<!tpu.dma_semaphore, #tpu.memory_space<semaphore_mem>>
      %dma_start3A_33 = arith.constant 0 : i32
      %dma_start3A_34 = tpu.memref_slice %arg6[%add3A_10, %dma_start3A_33] : memref<2048x1024xf32, #tpu.memory_space<hbm>> -> memref<32x1024xf32, #tpu.memory_space<hbm>>
      %dma_start3A_35 = arith.constant 0 : i32
      %dma_start3A_36 = tpu.memref_slice %arg6[%add3A_10, %dma_start3A_35] : memref<2048x1024xf32, #tpu.memory_space<hbm>> -> memref<32x1024xf32, #tpu.memory_space<hbm>>
      tpu.enqueue_dma source(%arg10 : memref<32x1024xf32, #tpu.memory_space<vmem>>) target(%dma_start3A_36 : memref<32x1024xf32, #tpu.memory_space<hbm>>) target_semaphore(%run_scoped3A : memref<!tpu.dma_semaphore, #tpu.memory_space<semaphore_mem>>)
      %dma_wait3A_37 = arith.constant 0 : i32
      %dma_wait3A_38 = tpu.memref_slice %arg6[%add3A_10, %dma_wait3A_37] : memref<2048x1024xf32, #tpu.memory_space<hbm>> -> memref<32x1024xf32, #tpu.memory_space<hbm>>
      %dma_wait3A_39 = arith.constant 0 : i32
      %dma_wait3A_40 = tpu.memref_slice %arg6[%add3A_10, %dma_wait3A_39] : memref<2048x1024xf32, #tpu.memory_space<hbm>> -> memref<32x1024xf32, #tpu.memory_space<hbm>>
      tpu.wait_dma2 semaphore(%run_scoped3A : memref<!tpu.dma_semaphore, #tpu.memory_space<semaphore_mem>>) src(%arg10 : memref<32x1024xf32, #tpu.memory_space<vmem>>) dst(%dma_wait3A_40 : memref<32x1024xf32, #tpu.memory_space<hbm>>)
      tpu.yield
    }) : () -> ()
    return
  }
}

#map = affine_map<(d0, d1) -> (0)>
#map1 = affine_map<(d0, d1) -> (0, 0)>
module attributes {stable_mosaic.version = 14 : i64} {
  func.func @_xscatter_kernel(%arg0: i32, %arg1: i32, %arg2: memref<4096xi32, #tpu.memory_space<hbm>>, %arg3: memref<2048x1024xf32, #tpu.memory_space<hbm>>, %arg4: memref<6144x1024xf32, #tpu.memory_space<hbm>>, %arg5: memref<32xi32, #tpu.memory_space<vmem>>, %arg6: memref<32xi32, #tpu.memory_space<vmem>>, %arg7: memref<32x1024xf32, #tpu.memory_space<vmem>>, %arg8: memref<32x1024xf32, #tpu.memory_space<vmem>>, %arg9: memref<!tpu.dma_semaphore, #tpu.memory_space<semaphore_mem>>) attributes {dimension_semantics = [#tpu.dimension_semantics<core_parallel>, #tpu.dimension_semantics<subcore_parallel>], iteration_bounds = array<i64: 2, 16>, scalar_prefetch = 0 : i64, scratch_operands = 5 : i64, tpu.core_type = #tpu.core_type<sc_vector_subcore>, window_params = [{transform_indices = #map}, {transform_indices = #map1}, {transform_indices = #map1}]} {
    %mul3A = arith.constant 2 : i32
    %mul3A_0 = arith.muli %arg1, %mul3A : i32
    %add3A = arith.addi %mul3A_0, %arg0 : i32
    %mul3A_1 = arith.constant 128 : i32
    %mul3A_2 = arith.muli %add3A, %mul3A_1 : i32
    %add3A_3 = arith.constant 0 : i32
    %add3A_4 = arith.addi %mul3A_2, %add3A_3 : i32
    %jit3A = arith.constant 2048 : i32
    %eq3A = arith.constant 0 : i32
    %eq3A_5 = arith.cmpi eq, %jit3A, %eq3A : i32
    %jit3A_6 = arith.constant 1 : i32
    %select_n3A = arith.select %eq3A_5, %jit3A_6, %jit3A : i32
    %rem3A = arith.remsi %add3A_4, %select_n3A : i32
    %ne3A = arith.constant 0 : i32
    %ne3A_7 = arith.cmpi ne, %rem3A, %ne3A : i32
    %lt3A = arith.constant 0 : i32
    %lt3A_8 = arith.cmpi slt, %rem3A, %lt3A : i32
    %lt3A_9 = arith.constant 0 : i32
    %lt3A_10 = arith.cmpi slt, %select_n3A, %lt3A_9 : i32
    %ne3A_11 = arith.xori %lt3A_8, %lt3A_10 : i1
    %and3A = arith.andi %ne3A_11, %ne3A_7 : i1
    %add3A_12 = arith.addi %rem3A, %select_n3A : i32
    %select_n3A_13 = arith.select %and3A, %add3A_12, %rem3A : i32
    "tpu.region"() ({
      %run_scoped3A = tpu.sem_alloc : memref<!tpu.dma_semaphore, #tpu.memory_space<semaphore_mem>>
      %dma_start3A_96 = arith.constant 0 : i32
      %dma_start3A_97 = tpu.memref_slice %arg3[%select_n3A_13, %dma_start3A_96] : memref<2048x1024xf32, #tpu.memory_space<hbm>> -> memref<32x1024xf32, #tpu.memory_space<hbm>>
      %dma_start3A_98 = arith.constant 0 : i32
      %dma_start3A_99 = tpu.memref_slice %arg3[%select_n3A_13, %dma_start3A_98] : memref<2048x1024xf32, #tpu.memory_space<hbm>> -> memref<32x1024xf32, #tpu.memory_space<hbm>>
      tpu.enqueue_dma source(%dma_start3A_99 : memref<32x1024xf32, #tpu.memory_space<hbm>>) target(%arg7 : memref<32x1024xf32, #tpu.memory_space<vmem>>) target_semaphore(%run_scoped3A : memref<!tpu.dma_semaphore, #tpu.memory_space<semaphore_mem>>)
      %dma_wait3A_100 = arith.constant 0 : i32
      %dma_wait3A_101 = tpu.memref_slice %arg3[%select_n3A_13, %dma_wait3A_100] : memref<2048x1024xf32, #tpu.memory_space<hbm>> -> memref<32x1024xf32, #tpu.memory_space<hbm>>
      %dma_wait3A_102 = arith.constant 0 : i32
      %dma_wait3A_103 = tpu.memref_slice %arg3[%select_n3A_13, %dma_wait3A_102] : memref<2048x1024xf32, #tpu.memory_space<hbm>> -> memref<32x1024xf32, #tpu.memory_space<hbm>>
      tpu.wait_dma2 semaphore(%run_scoped3A : memref<!tpu.dma_semaphore, #tpu.memory_space<semaphore_mem>>) src(%dma_wait3A_103 : memref<32x1024xf32, #tpu.memory_space<hbm>>) dst(%arg7 : memref<32x1024xf32, #tpu.memory_space<vmem>>)
      tpu.yield
    }) : () -> ()
    "tpu.region"() ({
      %run_scoped3A = tpu.sem_alloc : memref<!tpu.dma_semaphore, #tpu.memory_space<semaphore_mem>>
      %dma_start3A_96 = tpu.memref_slice %arg2[%add3A_4] : memref<4096xi32, #tpu.memory_space<hbm>> -> memref<32xi32, #tpu.memory_space<hbm>>
      %dma_start3A_97 = tpu.memref_slice %arg2[%add3A_4] : memref<4096xi32, #tpu.memory_space<hbm>> -> memref<32xi32, #tpu.memory_space<hbm>>
      tpu.enqueue_dma source(%dma_start3A_97 : memref<32xi32, #tpu.memory_space<hbm>>) target(%arg5 : memref<32xi32, #tpu.memory_space<vmem>>) target_semaphore(%run_scoped3A : memref<!tpu.dma_semaphore, #tpu.memory_space<semaphore_mem>>)
      %dma_wait3A_98 = tpu.memref_slice %arg2[%add3A_4] : memref<4096xi32, #tpu.memory_space<hbm>> -> memref<32xi32, #tpu.memory_space<hbm>>
      %dma_wait3A_99 = tpu.memref_slice %arg2[%add3A_4] : memref<4096xi32, #tpu.memory_space<hbm>> -> memref<32xi32, #tpu.memory_space<hbm>>
      tpu.wait_dma2 semaphore(%run_scoped3A : memref<!tpu.dma_semaphore, #tpu.memory_space<semaphore_mem>>) src(%dma_wait3A_99 : memref<32xi32, #tpu.memory_space<hbm>>) dst(%arg5 : memref<32xi32, #tpu.memory_space<vmem>>)
      tpu.yield
    }) : () -> ()
    %dma_start3A = arith.constant 0 : i32
    %dma_start3A_14 = arith.constant 0 : i32
    %dma_start3A_15 = tpu.memref_slice %arg4[%dma_start3A, %dma_start3A_14] : memref<6144x1024xf32, #tpu.memory_space<hbm>> -> memref<6144x1024xf32, #tpu.memory_space<hbm>>
    tpu.enqueue_indirect_dma source(%arg7 : memref<32x1024xf32, #tpu.memory_space<vmem>>) target(%dma_start3A_15 : memref<6144x1024xf32, #tpu.memory_space<hbm>>) offsets(%arg5 : memref<32xi32, #tpu.memory_space<vmem>>) semaphore(%arg9 : memref<!tpu.dma_semaphore, #tpu.memory_space<semaphore_mem>>)
    %mul3A_16 = arith.constant 128 : i32
    %mul3A_17 = arith.muli %add3A, %mul3A_16 : i32
    %add3A_18 = arith.constant 32 : i32
    %add3A_19 = arith.addi %mul3A_17, %add3A_18 : i32
    %jit3A_20 = arith.constant 2048 : i32
    %eq3A_21 = arith.constant 0 : i32
    %eq3A_22 = arith.cmpi eq, %jit3A_20, %eq3A_21 : i32
    %jit3A_23 = arith.constant 1 : i32
    %select_n3A_24 = arith.select %eq3A_22, %jit3A_23, %jit3A_20 : i32
    %rem3A_25 = arith.remsi %add3A_19, %select_n3A_24 : i32
    %ne3A_26 = arith.constant 0 : i32
    %ne3A_27 = arith.cmpi ne, %rem3A_25, %ne3A_26 : i32
    %lt3A_28 = arith.constant 0 : i32
    %lt3A_29 = arith.cmpi slt, %rem3A_25, %lt3A_28 : i32
    %lt3A_30 = arith.constant 0 : i32
    %lt3A_31 = arith.cmpi slt, %select_n3A_24, %lt3A_30 : i32
    %ne3A_32 = arith.xori %lt3A_29, %lt3A_31 : i1
    %and3A_33 = arith.andi %ne3A_32, %ne3A_27 : i1
    %add3A_34 = arith.addi %rem3A_25, %select_n3A_24 : i32
    %select_n3A_35 = arith.select %and3A_33, %add3A_34, %rem3A_25 : i32
    "tpu.region"() ({
      %run_scoped3A = tpu.sem_alloc : memref<!tpu.dma_semaphore, #tpu.memory_space<semaphore_mem>>
      %dma_start3A_96 = arith.constant 0 : i32
      %dma_start3A_97 = tpu.memref_slice %arg3[%select_n3A_35, %dma_start3A_96] : memref<2048x1024xf32, #tpu.memory_space<hbm>> -> memref<32x1024xf32, #tpu.memory_space<hbm>>
      %dma_start3A_98 = arith.constant 0 : i32
      %dma_start3A_99 = tpu.memref_slice %arg3[%select_n3A_35, %dma_start3A_98] : memref<2048x1024xf32, #tpu.memory_space<hbm>> -> memref<32x1024xf32, #tpu.memory_space<hbm>>
      tpu.enqueue_dma source(%dma_start3A_99 : memref<32x1024xf32, #tpu.memory_space<hbm>>) target(%arg8 : memref<32x1024xf32, #tpu.memory_space<vmem>>) target_semaphore(%run_scoped3A : memref<!tpu.dma_semaphore, #tpu.memory_space<semaphore_mem>>)
      %dma_wait3A_100 = arith.constant 0 : i32
      %dma_wait3A_101 = tpu.memref_slice %arg3[%select_n3A_35, %dma_wait3A_100] : memref<2048x1024xf32, #tpu.memory_space<hbm>> -> memref<32x1024xf32, #tpu.memory_space<hbm>>
      %dma_wait3A_102 = arith.constant 0 : i32
      %dma_wait3A_103 = tpu.memref_slice %arg3[%select_n3A_35, %dma_wait3A_102] : memref<2048x1024xf32, #tpu.memory_space<hbm>> -> memref<32x1024xf32, #tpu.memory_space<hbm>>
      tpu.wait_dma2 semaphore(%run_scoped3A : memref<!tpu.dma_semaphore, #tpu.memory_space<semaphore_mem>>) src(%dma_wait3A_103 : memref<32x1024xf32, #tpu.memory_space<hbm>>) dst(%arg8 : memref<32x1024xf32, #tpu.memory_space<vmem>>)
      tpu.yield
    }) : () -> ()
    "tpu.region"() ({
      %run_scoped3A = tpu.sem_alloc : memref<!tpu.dma_semaphore, #tpu.memory_space<semaphore_mem>>
      %dma_start3A_96 = tpu.memref_slice %arg2[%add3A_19] : memref<4096xi32, #tpu.memory_space<hbm>> -> memref<32xi32, #tpu.memory_space<hbm>>
      %dma_start3A_97 = tpu.memref_slice %arg2[%add3A_19] : memref<4096xi32, #tpu.memory_space<hbm>> -> memref<32xi32, #tpu.memory_space<hbm>>
      tpu.enqueue_dma source(%dma_start3A_97 : memref<32xi32, #tpu.memory_space<hbm>>) target(%arg6 : memref<32xi32, #tpu.memory_space<vmem>>) target_semaphore(%run_scoped3A : memref<!tpu.dma_semaphore, #tpu.memory_space<semaphore_mem>>)
      %dma_wait3A_98 = tpu.memref_slice %arg2[%add3A_19] : memref<4096xi32, #tpu.memory_space<hbm>> -> memref<32xi32, #tpu.memory_space<hbm>>
      %dma_wait3A_99 = tpu.memref_slice %arg2[%add3A_19] : memref<4096xi32, #tpu.memory_space<hbm>> -> memref<32xi32, #tpu.memory_space<hbm>>
      tpu.wait_dma2 semaphore(%run_scoped3A : memref<!tpu.dma_semaphore, #tpu.memory_space<semaphore_mem>>) src(%dma_wait3A_99 : memref<32xi32, #tpu.memory_space<hbm>>) dst(%arg6 : memref<32xi32, #tpu.memory_space<vmem>>)
      tpu.yield
    }) : () -> ()
    %dma_start3A_36 = arith.constant 0 : i32
    %dma_start3A_37 = arith.constant 0 : i32
    %dma_start3A_38 = tpu.memref_slice %arg4[%dma_start3A_36, %dma_start3A_37] : memref<6144x1024xf32, #tpu.memory_space<hbm>> -> memref<6144x1024xf32, #tpu.memory_space<hbm>>
    tpu.enqueue_indirect_dma source(%arg8 : memref<32x1024xf32, #tpu.memory_space<vmem>>) target(%dma_start3A_38 : memref<6144x1024xf32, #tpu.memory_space<hbm>>) offsets(%arg6 : memref<32xi32, #tpu.memory_space<vmem>>) semaphore(%arg9 : memref<!tpu.dma_semaphore, #tpu.memory_space<semaphore_mem>>)
    %dma_wait3A = arith.constant 0 : i32
    %dma_wait3A_39 = arith.constant 0 : i32
    %dma_wait3A_40 = tpu.memref_slice %arg4[%dma_wait3A, %dma_wait3A_39] : memref<6144x1024xf32, #tpu.memory_space<hbm>> -> memref<6144x1024xf32, #tpu.memory_space<hbm>>
    tpu.wait_indirect_dma semaphore(%arg9 : memref<!tpu.dma_semaphore, #tpu.memory_space<semaphore_mem>>) src(%arg7 : memref<32x1024xf32, #tpu.memory_space<vmem>>) dst(%dma_wait3A_40 : memref<6144x1024xf32, #tpu.memory_space<hbm>>)
    %mul3A_41 = arith.constant 128 : i32
    %mul3A_42 = arith.muli %add3A, %mul3A_41 : i32
    %add3A_43 = arith.constant 64 : i32
    %add3A_44 = arith.addi %mul3A_42, %add3A_43 : i32
    %jit3A_45 = arith.constant 2048 : i32
    %eq3A_46 = arith.constant 0 : i32
    %eq3A_47 = arith.cmpi eq, %jit3A_45, %eq3A_46 : i32
    %jit3A_48 = arith.constant 1 : i32
    %select_n3A_49 = arith.select %eq3A_47, %jit3A_48, %jit3A_45 : i32
    %rem3A_50 = arith.remsi %add3A_44, %select_n3A_49 : i32
    %ne3A_51 = arith.constant 0 : i32
    %ne3A_52 = arith.cmpi ne, %rem3A_50, %ne3A_51 : i32
    %lt3A_53 = arith.constant 0 : i32
    %lt3A_54 = arith.cmpi slt, %rem3A_50, %lt3A_53 : i32
    %lt3A_55 = arith.constant 0 : i32
    %lt3A_56 = arith.cmpi slt, %select_n3A_49, %lt3A_55 : i32
    %ne3A_57 = arith.xori %lt3A_54, %lt3A_56 : i1
    %and3A_58 = arith.andi %ne3A_57, %ne3A_52 : i1
    %add3A_59 = arith.addi %rem3A_50, %select_n3A_49 : i32
    %select_n3A_60 = arith.select %and3A_58, %add3A_59, %rem3A_50 : i32
    "tpu.region"() ({
      %run_scoped3A = tpu.sem_alloc : memref<!tpu.dma_semaphore, #tpu.memory_space<semaphore_mem>>
      %dma_start3A_96 = arith.constant 0 : i32
      %dma_start3A_97 = tpu.memref_slice %arg3[%select_n3A_60, %dma_start3A_96] : memref<2048x1024xf32, #tpu.memory_space<hbm>> -> memref<32x1024xf32, #tpu.memory_space<hbm>>
      %dma_start3A_98 = arith.constant 0 : i32
      %dma_start3A_99 = tpu.memref_slice %arg3[%select_n3A_60, %dma_start3A_98] : memref<2048x1024xf32, #tpu.memory_space<hbm>> -> memref<32x1024xf32, #tpu.memory_space<hbm>>
      tpu.enqueue_dma source(%dma_start3A_99 : memref<32x1024xf32, #tpu.memory_space<hbm>>) target(%arg7 : memref<32x1024xf32, #tpu.memory_space<vmem>>) target_semaphore(%run_scoped3A : memref<!tpu.dma_semaphore, #tpu.memory_space<semaphore_mem>>)
      %dma_wait3A_100 = arith.constant 0 : i32
      %dma_wait3A_101 = tpu.memref_slice %arg3[%select_n3A_60, %dma_wait3A_100] : memref<2048x1024xf32, #tpu.memory_space<hbm>> -> memref<32x1024xf32, #tpu.memory_space<hbm>>
      %dma_wait3A_102 = arith.constant 0 : i32
      %dma_wait3A_103 = tpu.memref_slice %arg3[%select_n3A_60, %dma_wait3A_102] : memref<2048x1024xf32, #tpu.memory_space<hbm>> -> memref<32x1024xf32, #tpu.memory_space<hbm>>
      tpu.wait_dma2 semaphore(%run_scoped3A : memref<!tpu.dma_semaphore, #tpu.memory_space<semaphore_mem>>) src(%dma_wait3A_103 : memref<32x1024xf32, #tpu.memory_space<hbm>>) dst(%arg7 : memref<32x1024xf32, #tpu.memory_space<vmem>>)
      tpu.yield
    }) : () -> ()
    "tpu.region"() ({
      %run_scoped3A = tpu.sem_alloc : memref<!tpu.dma_semaphore, #tpu.memory_space<semaphore_mem>>
      %dma_start3A_96 = tpu.memref_slice %arg2[%add3A_44] : memref<4096xi32, #tpu.memory_space<hbm>> -> memref<32xi32, #tpu.memory_space<hbm>>
      %dma_start3A_97 = tpu.memref_slice %arg2[%add3A_44] : memref<4096xi32, #tpu.memory_space<hbm>> -> memref<32xi32, #tpu.memory_space<hbm>>
      tpu.enqueue_dma source(%dma_start3A_97 : memref<32xi32, #tpu.memory_space<hbm>>) target(%arg5 : memref<32xi32, #tpu.memory_space<vmem>>) target_semaphore(%run_scoped3A : memref<!tpu.dma_semaphore, #tpu.memory_space<semaphore_mem>>)
      %dma_wait3A_98 = tpu.memref_slice %arg2[%add3A_44] : memref<4096xi32, #tpu.memory_space<hbm>> -> memref<32xi32, #tpu.memory_space<hbm>>
      %dma_wait3A_99 = tpu.memref_slice %arg2[%add3A_44] : memref<4096xi32, #tpu.memory_space<hbm>> -> memref<32xi32, #tpu.memory_space<hbm>>
      tpu.wait_dma2 semaphore(%run_scoped3A : memref<!tpu.dma_semaphore, #tpu.memory_space<semaphore_mem>>) src(%dma_wait3A_99 : memref<32xi32, #tpu.memory_space<hbm>>) dst(%arg5 : memref<32xi32, #tpu.memory_space<vmem>>)
      tpu.yield
    }) : () -> ()
    %dma_start3A_61 = arith.constant 0 : i32
    %dma_start3A_62 = arith.constant 0 : i32
    %dma_start3A_63 = tpu.memref_slice %arg4[%dma_start3A_61, %dma_start3A_62] : memref<6144x1024xf32, #tpu.memory_space<hbm>> -> memref<6144x1024xf32, #tpu.memory_space<hbm>>
    tpu.enqueue_indirect_dma source(%arg7 : memref<32x1024xf32, #tpu.memory_space<vmem>>) target(%dma_start3A_63 : memref<6144x1024xf32, #tpu.memory_space<hbm>>) offsets(%arg5 : memref<32xi32, #tpu.memory_space<vmem>>) semaphore(%arg9 : memref<!tpu.dma_semaphore, #tpu.memory_space<semaphore_mem>>)
    %dma_wait3A_64 = arith.constant 0 : i32
    %dma_wait3A_65 = arith.constant 0 : i32
    %dma_wait3A_66 = tpu.memref_slice %arg4[%dma_wait3A_64, %dma_wait3A_65] : memref<6144x1024xf32, #tpu.memory_space<hbm>> -> memref<6144x1024xf32, #tpu.memory_space<hbm>>
    tpu.wait_indirect_dma semaphore(%arg9 : memref<!tpu.dma_semaphore, #tpu.memory_space<semaphore_mem>>) src(%arg8 : memref<32x1024xf32, #tpu.memory_space<vmem>>) dst(%dma_wait3A_66 : memref<6144x1024xf32, #tpu.memory_space<hbm>>)
    %mul3A_67 = arith.constant 128 : i32
    %mul3A_68 = arith.muli %add3A, %mul3A_67 : i32
    %add3A_69 = arith.constant 96 : i32
    %add3A_70 = arith.addi %mul3A_68, %add3A_69 : i32
    %jit3A_71 = arith.constant 2048 : i32
    %eq3A_72 = arith.constant 0 : i32
    %eq3A_73 = arith.cmpi eq, %jit3A_71, %eq3A_72 : i32
    %jit3A_74 = arith.constant 1 : i32
    %select_n3A_75 = arith.select %eq3A_73, %jit3A_74, %jit3A_71 : i32
    %rem3A_76 = arith.remsi %add3A_70, %select_n3A_75 : i32
    %ne3A_77 = arith.constant 0 : i32
    %ne3A_78 = arith.cmpi ne, %rem3A_76, %ne3A_77 : i32
    %lt3A_79 = arith.constant 0 : i32
    %lt3A_80 = arith.cmpi slt, %rem3A_76, %lt3A_79 : i32
    %lt3A_81 = arith.constant 0 : i32
    %lt3A_82 = arith.cmpi slt, %select_n3A_75, %lt3A_81 : i32
    %ne3A_83 = arith.xori %lt3A_80, %lt3A_82 : i1
    %and3A_84 = arith.andi %ne3A_83, %ne3A_78 : i1
    %add3A_85 = arith.addi %rem3A_76, %select_n3A_75 : i32
    %select_n3A_86 = arith.select %and3A_84, %add3A_85, %rem3A_76 : i32
    "tpu.region"() ({
      %run_scoped3A = tpu.sem_alloc : memref<!tpu.dma_semaphore, #tpu.memory_space<semaphore_mem>>
      %dma_start3A_96 = arith.constant 0 : i32
      %dma_start3A_97 = tpu.memref_slice %arg3[%select_n3A_86, %dma_start3A_96] : memref<2048x1024xf32, #tpu.memory_space<hbm>> -> memref<32x1024xf32, #tpu.memory_space<hbm>>
      %dma_start3A_98 = arith.constant 0 : i32
      %dma_start3A_99 = tpu.memref_slice %arg3[%select_n3A_86, %dma_start3A_98] : memref<2048x1024xf32, #tpu.memory_space<hbm>> -> memref<32x1024xf32, #tpu.memory_space<hbm>>
      tpu.enqueue_dma source(%dma_start3A_99 : memref<32x1024xf32, #tpu.memory_space<hbm>>) target(%arg8 : memref<32x1024xf32, #tpu.memory_space<vmem>>) target_semaphore(%run_scoped3A : memref<!tpu.dma_semaphore, #tpu.memory_space<semaphore_mem>>)
      %dma_wait3A_100 = arith.constant 0 : i32
      %dma_wait3A_101 = tpu.memref_slice %arg3[%select_n3A_86, %dma_wait3A_100] : memref<2048x1024xf32, #tpu.memory_space<hbm>> -> memref<32x1024xf32, #tpu.memory_space<hbm>>
      %dma_wait3A_102 = arith.constant 0 : i32
      %dma_wait3A_103 = tpu.memref_slice %arg3[%select_n3A_86, %dma_wait3A_102] : memref<2048x1024xf32, #tpu.memory_space<hbm>> -> memref<32x1024xf32, #tpu.memory_space<hbm>>
      tpu.wait_dma2 semaphore(%run_scoped3A : memref<!tpu.dma_semaphore, #tpu.memory_space<semaphore_mem>>) src(%dma_wait3A_103 : memref<32x1024xf32, #tpu.memory_space<hbm>>) dst(%arg8 : memref<32x1024xf32, #tpu.memory_space<vmem>>)
      tpu.yield
    }) : () -> ()
    "tpu.region"() ({
      %run_scoped3A = tpu.sem_alloc : memref<!tpu.dma_semaphore, #tpu.memory_space<semaphore_mem>>
      %dma_start3A_96 = tpu.memref_slice %arg2[%add3A_70] : memref<4096xi32, #tpu.memory_space<hbm>> -> memref<32xi32, #tpu.memory_space<hbm>>
      %dma_start3A_97 = tpu.memref_slice %arg2[%add3A_70] : memref<4096xi32, #tpu.memory_space<hbm>> -> memref<32xi32, #tpu.memory_space<hbm>>
      tpu.enqueue_dma source(%dma_start3A_97 : memref<32xi32, #tpu.memory_space<hbm>>) target(%arg6 : memref<32xi32, #tpu.memory_space<vmem>>) target_semaphore(%run_scoped3A : memref<!tpu.dma_semaphore, #tpu.memory_space<semaphore_mem>>)
      %dma_wait3A_98 = tpu.memref_slice %arg2[%add3A_70] : memref<4096xi32, #tpu.memory_space<hbm>> -> memref<32xi32, #tpu.memory_space<hbm>>
      %dma_wait3A_99 = tpu.memref_slice %arg2[%add3A_70] : memref<4096xi32, #tpu.memory_space<hbm>> -> memref<32xi32, #tpu.memory_space<hbm>>
      tpu.wait_dma2 semaphore(%run_scoped3A : memref<!tpu.dma_semaphore, #tpu.memory_space<semaphore_mem>>) src(%dma_wait3A_99 : memref<32xi32, #tpu.memory_space<hbm>>) dst(%arg6 : memref<32xi32, #tpu.memory_space<vmem>>)
      tpu.yield
    }) : () -> ()
    %dma_start3A_87 = arith.constant 0 : i32
    %dma_start3A_88 = arith.constant 0 : i32
    %dma_start3A_89 = tpu.memref_slice %arg4[%dma_start3A_87, %dma_start3A_88] : memref<6144x1024xf32, #tpu.memory_space<hbm>> -> memref<6144x1024xf32, #tpu.memory_space<hbm>>
    tpu.enqueue_indirect_dma source(%arg8 : memref<32x1024xf32, #tpu.memory_space<vmem>>) target(%dma_start3A_89 : memref<6144x1024xf32, #tpu.memory_space<hbm>>) offsets(%arg6 : memref<32xi32, #tpu.memory_space<vmem>>) semaphore(%arg9 : memref<!tpu.dma_semaphore, #tpu.memory_space<semaphore_mem>>)
    %dma_wait3A_90 = arith.constant 0 : i32
    %dma_wait3A_91 = arith.constant 0 : i32
    %dma_wait3A_92 = tpu.memref_slice %arg4[%dma_wait3A_90, %dma_wait3A_91] : memref<6144x1024xf32, #tpu.memory_space<hbm>> -> memref<6144x1024xf32, #tpu.memory_space<hbm>>
    tpu.wait_indirect_dma semaphore(%arg9 : memref<!tpu.dma_semaphore, #tpu.memory_space<semaphore_mem>>) src(%arg7 : memref<32x1024xf32, #tpu.memory_space<vmem>>) dst(%dma_wait3A_92 : memref<6144x1024xf32, #tpu.memory_space<hbm>>)
    %dma_wait3A_93 = arith.constant 0 : i32
    %dma_wait3A_94 = arith.constant 0 : i32
    %dma_wait3A_95 = tpu.memref_slice %arg4[%dma_wait3A_93, %dma_wait3A_94] : memref<6144x1024xf32, #tpu.memory_space<hbm>> -> memref<6144x1024xf32, #tpu.memory_space<hbm>>
    tpu.wait_indirect_dma semaphore(%arg9 : memref<!tpu.dma_semaphore, #tpu.memory_space<semaphore_mem>>) src(%arg8 : memref<32x1024xf32, #tpu.memory_space<vmem>>) dst(%dma_wait3A_95 : memref<6144x1024xf32, #tpu.memory_space<hbm>>)
    return
  }
}

module attributes {stable_mosaic.version = 14 : i64} {
  func.func @_qkv_kernel(%arg0: i32, %arg1: memref<256x1024xf32, #tpu.memory_space<vmem>>, %arg2: memref<1x1024xf32, #tpu.memory_space<vmem>>, %arg3: memref<256x64xf32, #tpu.memory_space<vmem>>, %arg4: memref<256x64xf32, #tpu.memory_space<vmem>>, %arg5: memref<1024x2048xbf16, #tpu.memory_space<vmem>>, %arg6: memref<16x256x64xbf16, #tpu.memory_space<vmem>>, %arg7: memref<8x256x64xbf16, #tpu.memory_space<vmem>>, %arg8: memref<8x256x64xbf16, #tpu.memory_space<vmem>>) attributes {dimension_semantics = [#tpu.dimension_semantics<arbitrary>], iteration_bounds = array<i64: 8>, scalar_prefetch = 0 : i64, scratch_operands = 0 : i64, tpu.core_type = #tpu.core_type<tc>, window_params = [{transform_indices = @transform_0, window_bounds = array<i64: 256, 1024>}, {pipeline_mode = #tpu.pipeline_mode<synchronous>, transform_indices = @transform_1, window_bounds = array<i64: 1, 1024>}, {transform_indices = @transform_2, window_bounds = array<i64: 256, 64>}, {transform_indices = @transform_3, window_bounds = array<i64: 256, 64>}, {pipeline_mode = #tpu.pipeline_mode<synchronous>, transform_indices = @transform_4, window_bounds = array<i64: 1024, 2048>}, {transform_indices = @transform_5, window_bounds = array<i64: 16, 256, 64>}, {transform_indices = @transform_6, window_bounds = array<i64: 8, 256, 64>}, {transform_indices = @transform_7, window_bounds = array<i64: 8, 256, 64>}]} {
    %get3A = arith.constant 0 : index
    %get3A_0 = arith.constant 0 : index
    %get3A_1 = vector.load %arg1[%get3A, %get3A_0] : memref<256x1024xf32, #tpu.memory_space<vmem>>, vector<256x1024xf32>
    %mul3A = arith.mulf %get3A_1, %get3A_1 : vector<256x1024xf32>
    %reduce_sum3A = arith.constant dense<0.000000e+00> : vector<256xf32>
    %reduce_sum3A_2 = vector.multi_reduction <add>, %mul3A, %reduce_sum3A [1] : vector<256x1024xf32> to vector<256xf32>
    %broadcast_in_dim3A = vector.shape_cast %reduce_sum3A_2 : vector<256xf32> to vector<256x1xf32>
    %div3A = arith.constant 1.024000e+03 : f32
    %div3A_3 = vector.broadcast %div3A : f32 to vector<256x1xf32>
    %div3A_4 = arith.divf %broadcast_in_dim3A, %div3A_3 : vector<256x1xf32>
    %add3A = arith.constant 9.99999997E-7 : f32
    %add3A_5 = vector.broadcast %add3A : f32 to vector<256x1xf32>
    %add3A_6 = arith.addf %div3A_4, %add3A_5 : vector<256x1xf32>
    %rsqrt3A = math.rsqrt %add3A_6 : vector<256x1xf32>
    %mul3A_7 = vector.broadcast %rsqrt3A : vector<256x1xf32> to vector<256x1024xf32>
    %mul3A_8 = arith.mulf %get3A_1, %mul3A_7 : vector<256x1024xf32>
    %get3A_9 = arith.constant 0 : index
    %get3A_10 = arith.constant 0 : index
    %get3A_11 = vector.load %arg2[%get3A_9, %get3A_10] : memref<1x1024xf32, #tpu.memory_space<vmem>>, vector<1x1024xf32>
    %mul3A_12 = vector.broadcast %get3A_11 : vector<1x1024xf32> to vector<256x1024xf32>
    %mul3A_13 = arith.mulf %mul3A_8, %mul3A_12 : vector<256x1024xf32>
    %convert_element_type3A = arith.truncf %mul3A_13 : vector<256x1024xf32> to vector<256x1024xbf16>
    %get3A_14 = arith.constant 0 : index
    %get3A_15 = arith.constant 0 : index
    %get3A_16 = vector.load %arg5[%get3A_14, %get3A_15] : memref<1024x2048xbf16, #tpu.memory_space<vmem>>, vector<1024x2048xbf16>
    %dot_general3A = arith.constant dense<0.000000e+00> : vector<256x2048xf32>
    %dot_general3A_17 = tpu.matmul %convert_element_type3A, %get3A_16, %dot_general3A {dimension_numbers = #tpu.dot_dimension_numbers<[1], [0], [0], [1], [0, 0, 1, 1], [], []>, transpose_lhs_hint = false} : vector<256x1024xbf16>, vector<1024x2048xbf16>, vector<256x2048xf32> -> vector<256x2048xf32>
    %slice3A = vector.extract_strided_slice %dot_general3A_17 {offsets = [0, 0], sizes = [256, 1024], strides = [1, 1]} : vector<256x2048xf32> to vector<256x1024xf32>
    %mul3A_18 = arith.constant 1.250000e-01 : f32
    %mul3A_19 = vector.broadcast %mul3A_18 : f32 to vector<256x1024xf32>
    %mul3A_20 = arith.mulf %slice3A, %mul3A_19 : vector<256x1024xf32>
    %slice3A_21 = vector.extract_strided_slice %dot_general3A_17 {offsets = [0, 1024], sizes = [256, 512], strides = [1, 1]} : vector<256x2048xf32> to vector<256x512xf32>
    %slice3A_22 = vector.extract_strided_slice %dot_general3A_17 {offsets = [0, 1536], sizes = [256, 512], strides = [1, 1]} : vector<256x2048xf32> to vector<256x512xf32>
    %get3A_23 = arith.constant 0 : index
    %get3A_24 = arith.constant 0 : index
    %get3A_25 = vector.load %arg3[%get3A_23, %get3A_24] : memref<256x64xf32, #tpu.memory_space<vmem>>, vector<256x64xf32>
    %get3A_26 = arith.constant 0 : index
    %get3A_27 = arith.constant 0 : index
    %get3A_28 = vector.load %arg4[%get3A_26, %get3A_27] : memref<256x64xf32, #tpu.memory_space<vmem>>, vector<256x64xf32>
    %slice3A_29 = vector.extract_strided_slice %mul3A_20 {offsets = [0, 0], sizes = [256, 64], strides = [1, 1]} : vector<256x1024xf32> to vector<256x64xf32>
    %slice3A_30 = vector.extract_strided_slice %slice3A_29 {offsets = [0, 32], sizes = [256, 32], strides = [1, 1]} : vector<256x64xf32> to vector<256x32xf32>
    %neg3A = arith.constant 0.000000e+00 : f32
    %neg3A_31 = vector.broadcast %neg3A : f32 to vector<256x32xf32>
    %neg3A_32 = arith.subf %neg3A_31, %slice3A_30 : vector<256x32xf32>
    %slice3A_33 = vector.extract_strided_slice %slice3A_29 {offsets = [0, 0], sizes = [256, 32], strides = [1, 1]} : vector<256x64xf32> to vector<256x32xf32>
    %concatenate3A = tpu.concatenate %neg3A_32, %slice3A_33 in 1 : vector<256x32xf32>, vector<256x32xf32> -> vector<256x64xf32>
    %mul3A_34 = arith.mulf %slice3A_29, %get3A_25 : vector<256x64xf32>
    %mul3A_35 = arith.mulf %concatenate3A, %get3A_28 : vector<256x64xf32>
    %add3A_36 = arith.addf %mul3A_34, %mul3A_35 : vector<256x64xf32>
    %convert_element_type3A_37 = arith.truncf %add3A_36 : vector<256x64xf32> to vector<256x64xbf16>
    %swap3A = arith.constant 0 : index
    %swap3A_38 = arith.constant 0 : index
    %swap3A_39 = arith.constant 0 : index
    %swap3A_40 = vector.load %arg6[%swap3A, %swap3A_38, %swap3A_39] : memref<16x256x64xbf16, #tpu.memory_space<vmem>>, vector<1x256x64xbf16>
    %swap3A_41 = vector.shape_cast %swap3A_40 : vector<1x256x64xbf16> to vector<256x64xbf16>
    %swap3A_42 = vector.shape_cast %convert_element_type3A_37 : vector<256x64xbf16> to vector<1x256x64xbf16>
    tpu.vector_store %arg6[%swap3A, %swap3A_38, %swap3A_39], %swap3A_42 {strides = array<i32>} : memref<16x256x64xbf16, #tpu.memory_space<vmem>>, vector<1x256x64xbf16>,
    %slice3A_43 = vector.extract_strided_slice %mul3A_20 {offsets = [0, 64], sizes = [256, 64], strides = [1, 1]} : vector<256x1024xf32> to vector<256x64xf32>
    %slice3A_44 = vector.extract_strided_slice %slice3A_43 {offsets = [0, 32], sizes = [256, 32], strides = [1, 1]} : vector<256x64xf32> to vector<256x32xf32>
    %neg3A_45 = arith.constant 0.000000e+00 : f32
    %neg3A_46 = vector.broadcast %neg3A_45 : f32 to vector<256x32xf32>
    %neg3A_47 = arith.subf %neg3A_46, %slice3A_44 : vector<256x32xf32>
    %slice3A_48 = vector.extract_strided_slice %slice3A_43 {offsets = [0, 0], sizes = [256, 32], strides = [1, 1]} : vector<256x64xf32> to vector<256x32xf32>
    %concatenate3A_49 = tpu.concatenate %neg3A_47, %slice3A_48 in 1 : vector<256x32xf32>, vector<256x32xf32> -> vector<256x64xf32>
    %mul3A_50 = arith.mulf %slice3A_43, %get3A_25 : vector<256x64xf32>
    %mul3A_51 = arith.mulf %concatenate3A_49, %get3A_28 : vector<256x64xf32>
    %add3A_52 = arith.addf %mul3A_50, %mul3A_51 : vector<256x64xf32>
    %convert_element_type3A_53 = arith.truncf %add3A_52 : vector<256x64xf32> to vector<256x64xbf16>
    %swap3A_54 = arith.constant 1 : index
    %swap3A_55 = arith.constant 0 : index
    %swap3A_56 = arith.constant 0 : index
    %swap3A_57 = vector.load %arg6[%swap3A_54, %swap3A_55, %swap3A_56] : memref<16x256x64xbf16, #tpu.memory_space<vmem>>, vector<1x256x64xbf16>
    %swap3A_58 = vector.shape_cast %swap3A_57 : vector<1x256x64xbf16> to vector<256x64xbf16>
    %swap3A_59 = vector.shape_cast %convert_element_type3A_53 : vector<256x64xbf16> to vector<1x256x64xbf16>
    tpu.vector_store %arg6[%swap3A_54, %swap3A_55, %swap3A_56], %swap3A_59 {strides = array<i32>} : memref<16x256x64xbf16, #tpu.memory_space<vmem>>, vector<1x256x64xbf16>,
    %slice3A_60 = vector.extract_strided_slice %mul3A_20 {offsets = [0, 128], sizes = [256, 64], strides = [1, 1]} : vector<256x1024xf32> to vector<256x64xf32>
    %slice3A_61 = vector.extract_strided_slice %slice3A_60 {offsets = [0, 32], sizes = [256, 32], strides = [1, 1]} : vector<256x64xf32> to vector<256x32xf32>
    %neg3A_62 = arith.constant 0.000000e+00 : f32
    %neg3A_63 = vector.broadcast %neg3A_62 : f32 to vector<256x32xf32>
    %neg3A_64 = arith.subf %neg3A_63, %slice3A_61 : vector<256x32xf32>
    %slice3A_65 = vector.extract_strided_slice %slice3A_60 {offsets = [0, 0], sizes = [256, 32], strides = [1, 1]} : vector<256x64xf32> to vector<256x32xf32>
    %concatenate3A_66 = tpu.concatenate %neg3A_64, %slice3A_65 in 1 : vector<256x32xf32>, vector<256x32xf32> -> vector<256x64xf32>
    %mul3A_67 = arith.mulf %slice3A_60, %get3A_25 : vector<256x64xf32>
    %mul3A_68 = arith.mulf %concatenate3A_66, %get3A_28 : vector<256x64xf32>
    %add3A_69 = arith.addf %mul3A_67, %mul3A_68 : vector<256x64xf32>
    %convert_element_type3A_70 = arith.truncf %add3A_69 : vector<256x64xf32> to vector<256x64xbf16>
    %swap3A_71 = arith.constant 2 : index
    %swap3A_72 = arith.constant 0 : index
    %swap3A_73 = arith.constant 0 : index
    %swap3A_74 = vector.load %arg6[%swap3A_71, %swap3A_72, %swap3A_73] : memref<16x256x64xbf16, #tpu.memory_space<vmem>>, vector<1x256x64xbf16>
    %swap3A_75 = vector.shape_cast %swap3A_74 : vector<1x256x64xbf16> to vector<256x64xbf16>
    %swap3A_76 = vector.shape_cast %convert_element_type3A_70 : vector<256x64xbf16> to vector<1x256x64xbf16>
    tpu.vector_store %arg6[%swap3A_71, %swap3A_72, %swap3A_73], %swap3A_76 {strides = array<i32>} : memref<16x256x64xbf16, #tpu.memory_space<vmem>>, vector<1x256x64xbf16>,
    %slice3A_77 = vector.extract_strided_slice %mul3A_20 {offsets = [0, 192], sizes = [256, 64], strides = [1, 1]} : vector<256x1024xf32> to vector<256x64xf32>
    %slice3A_78 = vector.extract_strided_slice %slice3A_77 {offsets = [0, 32], sizes = [256, 32], strides = [1, 1]} : vector<256x64xf32> to vector<256x32xf32>
    %neg3A_79 = arith.constant 0.000000e+00 : f32
    %neg3A_80 = vector.broadcast %neg3A_79 : f32 to vector<256x32xf32>
    %neg3A_81 = arith.subf %neg3A_80, %slice3A_78 : vector<256x32xf32>
    %slice3A_82 = vector.extract_strided_slice %slice3A_77 {offsets = [0, 0], sizes = [256, 32], strides = [1, 1]} : vector<256x64xf32> to vector<256x32xf32>
    %concatenate3A_83 = tpu.concatenate %neg3A_81, %slice3A_82 in 1 : vector<256x32xf32>, vector<256x32xf32> -> vector<256x64xf32>
    %mul3A_84 = arith.mulf %slice3A_77, %get3A_25 : vector<256x64xf32>
    %mul3A_85 = arith.mulf %concatenate3A_83, %get3A_28 : vector<256x64xf32>
    %add3A_86 = arith.addf %mul3A_84, %mul3A_85 : vector<256x64xf32>
    %convert_element_type3A_87 = arith.truncf %add3A_86 : vector<256x64xf32> to vector<256x64xbf16>
    %swap3A_88 = arith.constant 3 : index
    %swap3A_89 = arith.constant 0 : index
    %swap3A_90 = arith.constant 0 : index
    %swap3A_91 = vector.load %arg6[%swap3A_88, %swap3A_89, %swap3A_90] : memref<16x256x64xbf16, #tpu.memory_space<vmem>>, vector<1x256x64xbf16>
    %swap3A_92 = vector.shape_cast %swap3A_91 : vector<1x256x64xbf16> to vector<256x64xbf16>
    %swap3A_93 = vector.shape_cast %convert_element_type3A_87 : vector<256x64xbf16> to vector<1x256x64xbf16>
    tpu.vector_store %arg6[%swap3A_88, %swap3A_89, %swap3A_90], %swap3A_93 {strides = array<i32>} : memref<16x256x64xbf16, #tpu.memory_space<vmem>>, vector<1x256x64xbf16>,
    %slice3A_94 = vector.extract_strided_slice %mul3A_20 {offsets = [0, 256], sizes = [256, 64], strides = [1, 1]} : vector<256x1024xf32> to vector<256x64xf32>
    %slice3A_95 = vector.extract_strided_slice %slice3A_94 {offsets = [0, 32], sizes = [256, 32], strides = [1, 1]} : vector<256x64xf32> to vector<256x32xf32>
    %neg3A_96 = arith.constant 0.000000e+00 : f32
    %neg3A_97 = vector.broadcast %neg3A_96 : f32 to vector<256x32xf32>
    %neg3A_98 = arith.subf %neg3A_97, %slice3A_95 : vector<256x32xf32>
    %slice3A_99 = vector.extract_strided_slice %slice3A_94 {offsets = [0, 0], sizes = [256, 32], strides = [1, 1]} : vector<256x64xf32> to vector<256x32xf32>
    %concatenate3A_100 = tpu.concatenate %neg3A_98, %slice3A_99 in 1 : vector<256x32xf32>, vector<256x32xf32> -> vector<256x64xf32>
    %mul3A_101 = arith.mulf %slice3A_94, %get3A_25 : vector<256x64xf32>
    %mul3A_102 = arith.mulf %concatenate3A_100, %get3A_28 : vector<256x64xf32>
    %add3A_103 = arith.addf %mul3A_101, %mul3A_102 : vector<256x64xf32>
    %convert_element_type3A_104 = arith.truncf %add3A_103 : vector<256x64xf32> to vector<256x64xbf16>
    %swap3A_105 = arith.constant 4 : index
    %swap3A_106 = arith.constant 0 : index
    %swap3A_107 = arith.constant 0 : index
    %swap3A_108 = vector.load %arg6[%swap3A_105, %swap3A_106, %swap3A_107] : memref<16x256x64xbf16, #tpu.memory_space<vmem>>, vector<1x256x64xbf16>
    %swap3A_109 = vector.shape_cast %swap3A_108 : vector<1x256x64xbf16> to vector<256x64xbf16>
    %swap3A_110 = vector.shape_cast %convert_element_type3A_104 : vector<256x64xbf16> to vector<1x256x64xbf16>
    tpu.vector_store %arg6[%swap3A_105, %swap3A_106, %swap3A_107], %swap3A_110 {strides = array<i32>} : memref<16x256x64xbf16, #tpu.memory_space<vmem>>, vector<1x256x64xbf16>,
    %slice3A_111 = vector.extract_strided_slice %mul3A_20 {offsets = [0, 320], sizes = [256, 64], strides = [1, 1]} : vector<256x1024xf32> to vector<256x64xf32>
    %slice3A_112 = vector.extract_strided_slice %slice3A_111 {offsets = [0, 32], sizes = [256, 32], strides = [1, 1]} : vector<256x64xf32> to vector<256x32xf32>
    %neg3A_113 = arith.constant 0.000000e+00 : f32
    %neg3A_114 = vector.broadcast %neg3A_113 : f32 to vector<256x32xf32>
    %neg3A_115 = arith.subf %neg3A_114, %slice3A_112 : vector<256x32xf32>
    %slice3A_116 = vector.extract_strided_slice %slice3A_111 {offsets = [0, 0], sizes = [256, 32], strides = [1, 1]} : vector<256x64xf32> to vector<256x32xf32>
    %concatenate3A_117 = tpu.concatenate %neg3A_115, %slice3A_116 in 1 : vector<256x32xf32>, vector<256x32xf32> -> vector<256x64xf32>
    %mul3A_118 = arith.mulf %slice3A_111, %get3A_25 : vector<256x64xf32>
    %mul3A_119 = arith.mulf %concatenate3A_117, %get3A_28 : vector<256x64xf32>
    %add3A_120 = arith.addf %mul3A_118, %mul3A_119 : vector<256x64xf32>
    %convert_element_type3A_121 = arith.truncf %add3A_120 : vector<256x64xf32> to vector<256x64xbf16>
    %swap3A_122 = arith.constant 5 : index
    %swap3A_123 = arith.constant 0 : index
    %swap3A_124 = arith.constant 0 : index
    %swap3A_125 = vector.load %arg6[%swap3A_122, %swap3A_123, %swap3A_124] : memref<16x256x64xbf16, #tpu.memory_space<vmem>>, vector<1x256x64xbf16>
    %swap3A_126 = vector.shape_cast %swap3A_125 : vector<1x256x64xbf16> to vector<256x64xbf16>
    %swap3A_127 = vector.shape_cast %convert_element_type3A_121 : vector<256x64xbf16> to vector<1x256x64xbf16>
    tpu.vector_store %arg6[%swap3A_122, %swap3A_123, %swap3A_124], %swap3A_127 {strides = array<i32>} : memref<16x256x64xbf16, #tpu.memory_space<vmem>>, vector<1x256x64xbf16>,
    %slice3A_128 = vector.extract_strided_slice %mul3A_20 {offsets = [0, 384], sizes = [256, 64], strides = [1, 1]} : vector<256x1024xf32> to vector<256x64xf32>
    %slice3A_129 = vector.extract_strided_slice %slice3A_128 {offsets = [0, 32], sizes = [256, 32], strides = [1, 1]} : vector<256x64xf32> to vector<256x32xf32>
    %neg3A_130 = arith.constant 0.000000e+00 : f32
    %neg3A_131 = vector.broadcast %neg3A_130 : f32 to vector<256x32xf32>
    %neg3A_132 = arith.subf %neg3A_131, %slice3A_129 : vector<256x32xf32>
    %slice3A_133 = vector.extract_strided_slice %slice3A_128 {offsets = [0, 0], sizes = [256, 32], strides = [1, 1]} : vector<256x64xf32> to vector<256x32xf32>
    %concatenate3A_134 = tpu.concatenate %neg3A_132, %slice3A_133 in 1 : vector<256x32xf32>, vector<256x32xf32> -> vector<256x64xf32>
    %mul3A_135 = arith.mulf %slice3A_128, %get3A_25 : vector<256x64xf32>
    %mul3A_136 = arith.mulf %concatenate3A_134, %get3A_28 : vector<256x64xf32>
    %add3A_137 = arith.addf %mul3A_135, %mul3A_136 : vector<256x64xf32>
    %convert_element_type3A_138 = arith.truncf %add3A_137 : vector<256x64xf32> to vector<256x64xbf16>
    %swap3A_139 = arith.constant 6 : index
    %swap3A_140 = arith.constant 0 : index
    %swap3A_141 = arith.constant 0 : index
    %swap3A_142 = vector.load %arg6[%swap3A_139, %swap3A_140, %swap3A_141] : memref<16x256x64xbf16, #tpu.memory_space<vmem>>, vector<1x256x64xbf16>
    %swap3A_143 = vector.shape_cast %swap3A_142 : vector<1x256x64xbf16> to vector<256x64xbf16>
    %swap3A_144 = vector.shape_cast %convert_element_type3A_138 : vector<256x64xbf16> to vector<1x256x64xbf16>
    tpu.vector_store %arg6[%swap3A_139, %swap3A_140, %swap3A_141], %swap3A_144 {strides = array<i32>} : memref<16x256x64xbf16, #tpu.memory_space<vmem>>, vector<1x256x64xbf16>,
    %slice3A_145 = vector.extract_strided_slice %mul3A_20 {offsets = [0, 448], sizes = [256, 64], strides = [1, 1]} : vector<256x1024xf32> to vector<256x64xf32>
    %slice3A_146 = vector.extract_strided_slice %slice3A_145 {offsets = [0, 32], sizes = [256, 32], strides = [1, 1]} : vector<256x64xf32> to vector<256x32xf32>
    %neg3A_147 = arith.constant 0.000000e+00 : f32
    %neg3A_148 = vector.broadcast %neg3A_147 : f32 to vector<256x32xf32>
    %neg3A_149 = arith.subf %neg3A_148, %slice3A_146 : vector<256x32xf32>
    %slice3A_150 = vector.extract_strided_slice %slice3A_145 {offsets = [0, 0], sizes = [256, 32], strides = [1, 1]} : vector<256x64xf32> to vector<256x32xf32>
    %concatenate3A_151 = tpu.concatenate %neg3A_149, %slice3A_150 in 1 : vector<256x32xf32>, vector<256x32xf32> -> vector<256x64xf32>
    %mul3A_152 = arith.mulf %slice3A_145, %get3A_25 : vector<256x64xf32>
    %mul3A_153 = arith.mulf %concatenate3A_151, %get3A_28 : vector<256x64xf32>
    %add3A_154 = arith.addf %mul3A_152, %mul3A_153 : vector<256x64xf32>
    %convert_element_type3A_155 = arith.truncf %add3A_154 : vector<256x64xf32> to vector<256x64xbf16>
    %swap3A_156 = arith.constant 7 : index
    %swap3A_157 = arith.constant 0 : index
    %swap3A_158 = arith.constant 0 : index
    %swap3A_159 = vector.load %arg6[%swap3A_156, %swap3A_157, %swap3A_158] : memref<16x256x64xbf16, #tpu.memory_space<vmem>>, vector<1x256x64xbf16>
    %swap3A_160 = vector.shape_cast %swap3A_159 : vector<1x256x64xbf16> to vector<256x64xbf16>
    %swap3A_161 = vector.shape_cast %convert_element_type3A_155 : vector<256x64xbf16> to vector<1x256x64xbf16>
    tpu.vector_store %arg6[%swap3A_156, %swap3A_157, %swap3A_158], %swap3A_161 {strides = array<i32>} : memref<16x256x64xbf16, #tpu.memory_space<vmem>>, vector<1x256x64xbf16>,
    %slice3A_162 = vector.extract_strided_slice %mul3A_20 {offsets = [0, 512], sizes = [256, 64], strides = [1, 1]} : vector<256x1024xf32> to vector<256x64xf32>
    %slice3A_163 = vector.extract_strided_slice %slice3A_162 {offsets = [0, 32], sizes = [256, 32], strides = [1, 1]} : vector<256x64xf32> to vector<256x32xf32>
    %neg3A_164 = arith.constant 0.000000e+00 : f32
    %neg3A_165 = vector.broadcast %neg3A_164 : f32 to vector<256x32xf32>
    %neg3A_166 = arith.subf %neg3A_165, %slice3A_163 : vector<256x32xf32>
    %slice3A_167 = vector.extract_strided_slice %slice3A_162 {offsets = [0, 0], sizes = [256, 32], strides = [1, 1]} : vector<256x64xf32> to vector<256x32xf32>
    %concatenate3A_168 = tpu.concatenate %neg3A_166, %slice3A_167 in 1 : vector<256x32xf32>, vector<256x32xf32> -> vector<256x64xf32>
    %mul3A_169 = arith.mulf %slice3A_162, %get3A_25 : vector<256x64xf32>
    %mul3A_170 = arith.mulf %concatenate3A_168, %get3A_28 : vector<256x64xf32>
    %add3A_171 = arith.addf %mul3A_169, %mul3A_170 : vector<256x64xf32>
    %convert_element_type3A_172 = arith.truncf %add3A_171 : vector<256x64xf32> to vector<256x64xbf16>
    %swap3A_173 = arith.constant 8 : index
    %swap3A_174 = arith.constant 0 : index
    %swap3A_175 = arith.constant 0 : index
    %swap3A_176 = vector.load %arg6[%swap3A_173, %swap3A_174, %swap3A_175] : memref<16x256x64xbf16, #tpu.memory_space<vmem>>, vector<1x256x64xbf16>
    %swap3A_177 = vector.shape_cast %swap3A_176 : vector<1x256x64xbf16> to vector<256x64xbf16>
    %swap3A_178 = vector.shape_cast %convert_element_type3A_172 : vector<256x64xbf16> to vector<1x256x64xbf16>
    tpu.vector_store %arg6[%swap3A_173, %swap3A_174, %swap3A_175], %swap3A_178 {strides = array<i32>} : memref<16x256x64xbf16, #tpu.memory_space<vmem>>, vector<1x256x64xbf16>,
    %slice3A_179 = vector.extract_strided_slice %mul3A_20 {offsets = [0, 576], sizes = [256, 64], strides = [1, 1]} : vector<256x1024xf32> to vector<256x64xf32>
    %slice3A_180 = vector.extract_strided_slice %slice3A_179 {offsets = [0, 32], sizes = [256, 32], strides = [1, 1]} : vector<256x64xf32> to vector<256x32xf32>
    %neg3A_181 = arith.constant 0.000000e+00 : f32
    %neg3A_182 = vector.broadcast %neg3A_181 : f32 to vector<256x32xf32>
    %neg3A_183 = arith.subf %neg3A_182, %slice3A_180 : vector<256x32xf32>
    %slice3A_184 = vector.extract_strided_slice %slice3A_179 {offsets = [0, 0], sizes = [256, 32], strides = [1, 1]} : vector<256x64xf32> to vector<256x32xf32>
    %concatenate3A_185 = tpu.concatenate %neg3A_183, %slice3A_184 in 1 : vector<256x32xf32>, vector<256x32xf32> -> vector<256x64xf32>
    %mul3A_186 = arith.mulf %slice3A_179, %get3A_25 : vector<256x64xf32>
    %mul3A_187 = arith.mulf %concatenate3A_185, %get3A_28 : vector<256x64xf32>
    %add3A_188 = arith.addf %mul3A_186, %mul3A_187 : vector<256x64xf32>
    %convert_element_type3A_189 = arith.truncf %add3A_188 : vector<256x64xf32> to vector<256x64xbf16>
    %swap3A_190 = arith.constant 9 : index
    %swap3A_191 = arith.constant 0 : index
    %swap3A_192 = arith.constant 0 : index
    %swap3A_193 = vector.load %arg6[%swap3A_190, %swap3A_191, %swap3A_192] : memref<16x256x64xbf16, #tpu.memory_space<vmem>>, vector<1x256x64xbf16>
    %swap3A_194 = vector.shape_cast %swap3A_193 : vector<1x256x64xbf16> to vector<256x64xbf16>
    %swap3A_195 = vector.shape_cast %convert_element_type3A_189 : vector<256x64xbf16> to vector<1x256x64xbf16>
    tpu.vector_store %arg6[%swap3A_190, %swap3A_191, %swap3A_192], %swap3A_195 {strides = array<i32>} : memref<16x256x64xbf16, #tpu.memory_space<vmem>>, vector<1x256x64xbf16>,
    %slice3A_196 = vector.extract_strided_slice %mul3A_20 {offsets = [0, 640], sizes = [256, 64], strides = [1, 1]} : vector<256x1024xf32> to vector<256x64xf32>
    %slice3A_197 = vector.extract_strided_slice %slice3A_196 {offsets = [0, 32], sizes = [256, 32], strides = [1, 1]} : vector<256x64xf32> to vector<256x32xf32>
    %neg3A_198 = arith.constant 0.000000e+00 : f32
    %neg3A_199 = vector.broadcast %neg3A_198 : f32 to vector<256x32xf32>
    %neg3A_200 = arith.subf %neg3A_199, %slice3A_197 : vector<256x32xf32>
    %slice3A_201 = vector.extract_strided_slice %slice3A_196 {offsets = [0, 0], sizes = [256, 32], strides = [1, 1]} : vector<256x64xf32> to vector<256x32xf32>
    %concatenate3A_202 = tpu.concatenate %neg3A_200, %slice3A_201 in 1 : vector<256x32xf32>, vector<256x32xf32> -> vector<256x64xf32>
    %mul3A_203 = arith.mulf %slice3A_196, %get3A_25 : vector<256x64xf32>
    %mul3A_204 = arith.mulf %concatenate3A_202, %get3A_28 : vector<256x64xf32>
    %add3A_205 = arith.addf %mul3A_203, %mul3A_204 : vector<256x64xf32>
    %convert_element_type3A_206 = arith.truncf %add3A_205 : vector<256x64xf32> to vector<256x64xbf16>
    %swap3A_207 = arith.constant 10 : index
    %swap3A_208 = arith.constant 0 : index
    %swap3A_209 = arith.constant 0 : index
    %swap3A_210 = vector.load %arg6[%swap3A_207, %swap3A_208, %swap3A_209] : memref<16x256x64xbf16, #tpu.memory_space<vmem>>, vector<1x256x64xbf16>
    %swap3A_211 = vector.shape_cast %swap3A_210 : vector<1x256x64xbf16> to vector<256x64xbf16>
    %swap3A_212 = vector.shape_cast %convert_element_type3A_206 : vector<256x64xbf16> to vector<1x256x64xbf16>
    tpu.vector_store %arg6[%swap3A_207, %swap3A_208, %swap3A_209], %swap3A_212 {strides = array<i32>} : memref<16x256x64xbf16, #tpu.memory_space<vmem>>, vector<1x256x64xbf16>,
    %slice3A_213 = vector.extract_strided_slice %mul3A_20 {offsets = [0, 704], sizes = [256, 64], strides = [1, 1]} : vector<256x1024xf32> to vector<256x64xf32>
    %slice3A_214 = vector.extract_strided_slice %slice3A_213 {offsets = [0, 32], sizes = [256, 32], strides = [1, 1]} : vector<256x64xf32> to vector<256x32xf32>
    %neg3A_215 = arith.constant 0.000000e+00 : f32
    %neg3A_216 = vector.broadcast %neg3A_215 : f32 to vector<256x32xf32>
    %neg3A_217 = arith.subf %neg3A_216, %slice3A_214 : vector<256x32xf32>
    %slice3A_218 = vector.extract_strided_slice %slice3A_213 {offsets = [0, 0], sizes = [256, 32], strides = [1, 1]} : vector<256x64xf32> to vector<256x32xf32>
    %concatenate3A_219 = tpu.concatenate %neg3A_217, %slice3A_218 in 1 : vector<256x32xf32>, vector<256x32xf32> -> vector<256x64xf32>
    %mul3A_220 = arith.mulf %slice3A_213, %get3A_25 : vector<256x64xf32>
    %mul3A_221 = arith.mulf %concatenate3A_219, %get3A_28 : vector<256x64xf32>
    %add3A_222 = arith.addf %mul3A_220, %mul3A_221 : vector<256x64xf32>
    %convert_element_type3A_223 = arith.truncf %add3A_222 : vector<256x64xf32> to vector<256x64xbf16>
    %swap3A_224 = arith.constant 11 : index
    %swap3A_225 = arith.constant 0 : index
    %swap3A_226 = arith.constant 0 : index
    %swap3A_227 = vector.load %arg6[%swap3A_224, %swap3A_225, %swap3A_226] : memref<16x256x64xbf16, #tpu.memory_space<vmem>>, vector<1x256x64xbf16>
    %swap3A_228 = vector.shape_cast %swap3A_227 : vector<1x256x64xbf16> to vector<256x64xbf16>
    %swap3A_229 = vector.shape_cast %convert_element_type3A_223 : vector<256x64xbf16> to vector<1x256x64xbf16>
    tpu.vector_store %arg6[%swap3A_224, %swap3A_225, %swap3A_226], %swap3A_229 {strides = array<i32>} : memref<16x256x64xbf16, #tpu.memory_space<vmem>>, vector<1x256x64xbf16>,
    %slice3A_230 = vector.extract_strided_slice %mul3A_20 {offsets = [0, 768], sizes = [256, 64], strides = [1, 1]} : vector<256x1024xf32> to vector<256x64xf32>
    %slice3A_231 = vector.extract_strided_slice %slice3A_230 {offsets = [0, 32], sizes = [256, 32], strides = [1, 1]} : vector<256x64xf32> to vector<256x32xf32>
    %neg3A_232 = arith.constant 0.000000e+00 : f32
    %neg3A_233 = vector.broadcast %neg3A_232 : f32 to vector<256x32xf32>
    %neg3A_234 = arith.subf %neg3A_233, %slice3A_231 : vector<256x32xf32>
    %slice3A_235 = vector.extract_strided_slice %slice3A_230 {offsets = [0, 0], sizes = [256, 32], strides = [1, 1]} : vector<256x64xf32> to vector<256x32xf32>
    %concatenate3A_236 = tpu.concatenate %neg3A_234, %slice3A_235 in 1 : vector<256x32xf32>, vector<256x32xf32> -> vector<256x64xf32>
    %mul3A_237 = arith.mulf %slice3A_230, %get3A_25 : vector<256x64xf32>
    %mul3A_238 = arith.mulf %concatenate3A_236, %get3A_28 : vector<256x64xf32>
    %add3A_239 = arith.addf %mul3A_237, %mul3A_238 : vector<256x64xf32>
    %convert_element_type3A_240 = arith.truncf %add3A_239 : vector<256x64xf32> to vector<256x64xbf16>
    %swap3A_241 = arith.constant 12 : index
    %swap3A_242 = arith.constant 0 : index
    %swap3A_243 = arith.constant 0 : index
    %swap3A_244 = vector.load %arg6[%swap3A_241, %swap3A_242, %swap3A_243] : memref<16x256x64xbf16, #tpu.memory_space<vmem>>, vector<1x256x64xbf16>
    %swap3A_245 = vector.shape_cast %swap3A_244 : vector<1x256x64xbf16> to vector<256x64xbf16>
    %swap3A_246 = vector.shape_cast %convert_element_type3A_240 : vector<256x64xbf16> to vector<1x256x64xbf16>
    tpu.vector_store %arg6[%swap3A_241, %swap3A_242, %swap3A_243], %swap3A_246 {strides = array<i32>} : memref<16x256x64xbf16, #tpu.memory_space<vmem>>, vector<1x256x64xbf16>,
    %slice3A_247 = vector.extract_strided_slice %mul3A_20 {offsets = [0, 832], sizes = [256, 64], strides = [1, 1]} : vector<256x1024xf32> to vector<256x64xf32>
    %slice3A_248 = vector.extract_strided_slice %slice3A_247 {offsets = [0, 32], sizes = [256, 32], strides = [1, 1]} : vector<256x64xf32> to vector<256x32xf32>
    %neg3A_249 = arith.constant 0.000000e+00 : f32
    %neg3A_250 = vector.broadcast %neg3A_249 : f32 to vector<256x32xf32>
    %neg3A_251 = arith.subf %neg3A_250, %slice3A_248 : vector<256x32xf32>
    %slice3A_252 = vector.extract_strided_slice %slice3A_247 {offsets = [0, 0], sizes = [256, 32], strides = [1, 1]} : vector<256x64xf32> to vector<256x32xf32>
    %concatenate3A_253 = tpu.concatenate %neg3A_251, %slice3A_252 in 1 : vector<256x32xf32>, vector<256x32xf32> -> vector<256x64xf32>
    %mul3A_254 = arith.mulf %slice3A_247, %get3A_25 : vector<256x64xf32>
    %mul3A_255 = arith.mulf %concatenate3A_253, %get3A_28 : vector<256x64xf32>
    %add3A_256 = arith.addf %mul3A_254, %mul3A_255 : vector<256x64xf32>
    %convert_element_type3A_257 = arith.truncf %add3A_256 : vector<256x64xf32> to vector<256x64xbf16>
    %swap3A_258 = arith.constant 13 : index
    %swap3A_259 = arith.constant 0 : index
    %swap3A_260 = arith.constant 0 : index
    %swap3A_261 = vector.load %arg6[%swap3A_258, %swap3A_259, %swap3A_260] : memref<16x256x64xbf16, #tpu.memory_space<vmem>>, vector<1x256x64xbf16>
    %swap3A_262 = vector.shape_cast %swap3A_261 : vector<1x256x64xbf16> to vector<256x64xbf16>
    %swap3A_263 = vector.shape_cast %convert_element_type3A_257 : vector<256x64xbf16> to vector<1x256x64xbf16>
    tpu.vector_store %arg6[%swap3A_258, %swap3A_259, %swap3A_260], %swap3A_263 {strides = array<i32>} : memref<16x256x64xbf16, #tpu.memory_space<vmem>>, vector<1x256x64xbf16>,
    %slice3A_264 = vector.extract_strided_slice %mul3A_20 {offsets = [0, 896], sizes = [256, 64], strides = [1, 1]} : vector<256x1024xf32> to vector<256x64xf32>
    %slice3A_265 = vector.extract_strided_slice %slice3A_264 {offsets = [0, 32], sizes = [256, 32], strides = [1, 1]} : vector<256x64xf32> to vector<256x32xf32>
    %neg3A_266 = arith.constant 0.000000e+00 : f32
    %neg3A_267 = vector.broadcast %neg3A_266 : f32 to vector<256x32xf32>
    %neg3A_268 = arith.subf %neg3A_267, %slice3A_265 : vector<256x32xf32>
    %slice3A_269 = vector.extract_strided_slice %slice3A_264 {offsets = [0, 0], sizes = [256, 32], strides = [1, 1]} : vector<256x64xf32> to vector<256x32xf32>
    %concatenate3A_270 = tpu.concatenate %neg3A_268, %slice3A_269 in 1 : vector<256x32xf32>, vector<256x32xf32> -> vector<256x64xf32>
    %mul3A_271 = arith.mulf %slice3A_264, %get3A_25 : vector<256x64xf32>
    %mul3A_272 = arith.mulf %concatenate3A_270, %get3A_28 : vector<256x64xf32>
    %add3A_273 = arith.addf %mul3A_271, %mul3A_272 : vector<256x64xf32>
    %convert_element_type3A_274 = arith.truncf %add3A_273 : vector<256x64xf32> to vector<256x64xbf16>
    %swap3A_275 = arith.constant 14 : index
    %swap3A_276 = arith.constant 0 : index
    %swap3A_277 = arith.constant 0 : index
    %swap3A_278 = vector.load %arg6[%swap3A_275, %swap3A_276, %swap3A_277] : memref<16x256x64xbf16, #tpu.memory_space<vmem>>, vector<1x256x64xbf16>
    %swap3A_279 = vector.shape_cast %swap3A_278 : vector<1x256x64xbf16> to vector<256x64xbf16>
    %swap3A_280 = vector.shape_cast %convert_element_type3A_274 : vector<256x64xbf16> to vector<1x256x64xbf16>
    tpu.vector_store %arg6[%swap3A_275, %swap3A_276, %swap3A_277], %swap3A_280 {strides = array<i32>} : memref<16x256x64xbf16, #tpu.memory_space<vmem>>, vector<1x256x64xbf16>,
    %slice3A_281 = vector.extract_strided_slice %mul3A_20 {offsets = [0, 960], sizes = [256, 64], strides = [1, 1]} : vector<256x1024xf32> to vector<256x64xf32>
    %slice3A_282 = vector.extract_strided_slice %slice3A_281 {offsets = [0, 32], sizes = [256, 32], strides = [1, 1]} : vector<256x64xf32> to vector<256x32xf32>
    %neg3A_283 = arith.constant 0.000000e+00 : f32
    %neg3A_284 = vector.broadcast %neg3A_283 : f32 to vector<256x32xf32>
    %neg3A_285 = arith.subf %neg3A_284, %slice3A_282 : vector<256x32xf32>
    %slice3A_286 = vector.extract_strided_slice %slice3A_281 {offsets = [0, 0], sizes = [256, 32], strides = [1, 1]} : vector<256x64xf32> to vector<256x32xf32>
    %concatenate3A_287 = tpu.concatenate %neg3A_285, %slice3A_286 in 1 : vector<256x32xf32>, vector<256x32xf32> -> vector<256x64xf32>
    %mul3A_288 = arith.mulf %slice3A_281, %get3A_25 : vector<256x64xf32>
    %mul3A_289 = arith.mulf %concatenate3A_287, %get3A_28 : vector<256x64xf32>
    %add3A_290 = arith.addf %mul3A_288, %mul3A_289 : vector<256x64xf32>
    %convert_element_type3A_291 = arith.truncf %add3A_290 : vector<256x64xf32> to vector<256x64xbf16>
    %swap3A_292 = arith.constant 15 : index
    %swap3A_293 = arith.constant 0 : index
    %swap3A_294 = arith.constant 0 : index
    %swap3A_295 = vector.load %arg6[%swap3A_292, %swap3A_293, %swap3A_294] : memref<16x256x64xbf16, #tpu.memory_space<vmem>>, vector<1x256x64xbf16>
    %swap3A_296 = vector.shape_cast %swap3A_295 : vector<1x256x64xbf16> to vector<256x64xbf16>
    %swap3A_297 = vector.shape_cast %convert_element_type3A_291 : vector<256x64xbf16> to vector<1x256x64xbf16>
    tpu.vector_store %arg6[%swap3A_292, %swap3A_293, %swap3A_294], %swap3A_297 {strides = array<i32>} : memref<16x256x64xbf16, #tpu.memory_space<vmem>>, vector<1x256x64xbf16>,
    %slice3A_298 = vector.extract_strided_slice %slice3A_21 {offsets = [0, 0], sizes = [256, 64], strides = [1, 1]} : vector<256x512xf32> to vector<256x64xf32>
    %slice3A_299 = vector.extract_strided_slice %slice3A_298 {offsets = [0, 32], sizes = [256, 32], strides = [1, 1]} : vector<256x64xf32> to vector<256x32xf32>
    %neg3A_300 = arith.constant 0.000000e+00 : f32
    %neg3A_301 = vector.broadcast %neg3A_300 : f32 to vector<256x32xf32>
    %neg3A_302 = arith.subf %neg3A_301, %slice3A_299 : vector<256x32xf32>
    %slice3A_303 = vector.extract_strided_slice %slice3A_298 {offsets = [0, 0], sizes = [256, 32], strides = [1, 1]} : vector<256x64xf32> to vector<256x32xf32>
    %concatenate3A_304 = tpu.concatenate %neg3A_302, %slice3A_303 in 1 : vector<256x32xf32>, vector<256x32xf32> -> vector<256x64xf32>
    %mul3A_305 = arith.mulf %slice3A_298, %get3A_25 : vector<256x64xf32>
    %mul3A_306 = arith.mulf %concatenate3A_304, %get3A_28 : vector<256x64xf32>
    %add3A_307 = arith.addf %mul3A_305, %mul3A_306 : vector<256x64xf32>
    %convert_element_type3A_308 = arith.truncf %add3A_307 : vector<256x64xf32> to vector<256x64xbf16>
    %swap3A_309 = arith.constant 0 : index
    %swap3A_310 = arith.constant 0 : index
    %swap3A_311 = arith.constant 0 : index
    %swap3A_312 = vector.load %arg7[%swap3A_309, %swap3A_310, %swap3A_311] : memref<8x256x64xbf16, #tpu.memory_space<vmem>>, vector<1x256x64xbf16>
    %swap3A_313 = vector.shape_cast %swap3A_312 : vector<1x256x64xbf16> to vector<256x64xbf16>
    %swap3A_314 = vector.shape_cast %convert_element_type3A_308 : vector<256x64xbf16> to vector<1x256x64xbf16>
    tpu.vector_store %arg7[%swap3A_309, %swap3A_310, %swap3A_311], %swap3A_314 {strides = array<i32>} : memref<8x256x64xbf16, #tpu.memory_space<vmem>>, vector<1x256x64xbf16>,
    %slice3A_315 = vector.extract_strided_slice %slice3A_22 {offsets = [0, 0], sizes = [256, 64], strides = [1, 1]} : vector<256x512xf32> to vector<256x64xf32>
    %convert_element_type3A_316 = arith.truncf %slice3A_315 : vector<256x64xf32> to vector<256x64xbf16>
    %swap3A_317 = arith.constant 0 : index
    %swap3A_318 = arith.constant 0 : index
    %swap3A_319 = arith.constant 0 : index
    %swap3A_320 = vector.load %arg8[%swap3A_317, %swap3A_318, %swap3A_319] : memref<8x256x64xbf16, #tpu.memory_space<vmem>>, vector<1x256x64xbf16>
    %swap3A_321 = vector.shape_cast %swap3A_320 : vector<1x256x64xbf16> to vector<256x64xbf16>
    %swap3A_322 = vector.shape_cast %convert_element_type3A_316 : vector<256x64xbf16> to vector<1x256x64xbf16>
    tpu.vector_store %arg8[%swap3A_317, %swap3A_318, %swap3A_319], %swap3A_322 {strides = array<i32>} : memref<8x256x64xbf16, #tpu.memory_space<vmem>>, vector<1x256x64xbf16>,
    %slice3A_323 = vector.extract_strided_slice %slice3A_21 {offsets = [0, 64], sizes = [256, 64], strides = [1, 1]} : vector<256x512xf32> to vector<256x64xf32>
    %slice3A_324 = vector.extract_strided_slice %slice3A_323 {offsets = [0, 32], sizes = [256, 32], strides = [1, 1]} : vector<256x64xf32> to vector<256x32xf32>
    %neg3A_325 = arith.constant 0.000000e+00 : f32
    %neg3A_326 = vector.broadcast %neg3A_325 : f32 to vector<256x32xf32>
    %neg3A_327 = arith.subf %neg3A_326, %slice3A_324 : vector<256x32xf32>
    %slice3A_328 = vector.extract_strided_slice %slice3A_323 {offsets = [0, 0], sizes = [256, 32], strides = [1, 1]} : vector<256x64xf32> to vector<256x32xf32>
    %concatenate3A_329 = tpu.concatenate %neg3A_327, %slice3A_328 in 1 : vector<256x32xf32>, vector<256x32xf32> -> vector<256x64xf32>
    %mul3A_330 = arith.mulf %slice3A_323, %get3A_25 : vector<256x64xf32>
    %mul3A_331 = arith.mulf %concatenate3A_329, %get3A_28 : vector<256x64xf32>
    %add3A_332 = arith.addf %mul3A_330, %mul3A_331 : vector<256x64xf32>
    %convert_element_type3A_333 = arith.truncf %add3A_332 : vector<256x64xf32> to vector<256x64xbf16>
    %swap3A_334 = arith.constant 1 : index
    %swap3A_335 = arith.constant 0 : index
    %swap3A_336 = arith.constant 0 : index
    %swap3A_337 = vector.load %arg7[%swap3A_334, %swap3A_335, %swap3A_336] : memref<8x256x64xbf16, #tpu.memory_space<vmem>>, vector<1x256x64xbf16>
    %swap3A_338 = vector.shape_cast %swap3A_337 : vector<1x256x64xbf16> to vector<256x64xbf16>
    %swap3A_339 = vector.shape_cast %convert_element_type3A_333 : vector<256x64xbf16> to vector<1x256x64xbf16>
    tpu.vector_store %arg7[%swap3A_334, %swap3A_335, %swap3A_336], %swap3A_339 {strides = array<i32>} : memref<8x256x64xbf16, #tpu.memory_space<vmem>>, vector<1x256x64xbf16>,
    %slice3A_340 = vector.extract_strided_slice %slice3A_22 {offsets = [0, 64], sizes = [256, 64], strides = [1, 1]} : vector<256x512xf32> to vector<256x64xf32>
    %convert_element_type3A_341 = arith.truncf %slice3A_340 : vector<256x64xf32> to vector<256x64xbf16>
    %swap3A_342 = arith.constant 1 : index
    %swap3A_343 = arith.constant 0 : index
    %swap3A_344 = arith.constant 0 : index
    %swap3A_345 = vector.load %arg8[%swap3A_342, %swap3A_343, %swap3A_344] : memref<8x256x64xbf16, #tpu.memory_space<vmem>>, vector<1x256x64xbf16>
    %swap3A_346 = vector.shape_cast %swap3A_345 : vector<1x256x64xbf16> to vector<256x64xbf16>
    %swap3A_347 = vector.shape_cast %convert_element_type3A_341 : vector<256x64xbf16> to vector<1x256x64xbf16>
    tpu.vector_store %arg8[%swap3A_342, %swap3A_343, %swap3A_344], %swap3A_347 {strides = array<i32>} : memref<8x256x64xbf16, #tpu.memory_space<vmem>>, vector<1x256x64xbf16>,
    %slice3A_348 = vector.extract_strided_slice %slice3A_21 {offsets = [0, 128], sizes = [256, 64], strides = [1, 1]} : vector<256x512xf32> to vector<256x64xf32>
    %slice3A_349 = vector.extract_strided_slice %slice3A_348 {offsets = [0, 32], sizes = [256, 32], strides = [1, 1]} : vector<256x64xf32> to vector<256x32xf32>
    %neg3A_350 = arith.constant 0.000000e+00 : f32
    %neg3A_351 = vector.broadcast %neg3A_350 : f32 to vector<256x32xf32>
    %neg3A_352 = arith.subf %neg3A_351, %slice3A_349 : vector<256x32xf32>
    %slice3A_353 = vector.extract_strided_slice %slice3A_348 {offsets = [0, 0], sizes = [256, 32], strides = [1, 1]} : vector<256x64xf32> to vector<256x32xf32>
    %concatenate3A_354 = tpu.concatenate %neg3A_352, %slice3A_353 in 1 : vector<256x32xf32>, vector<256x32xf32> -> vector<256x64xf32>
    %mul3A_355 = arith.mulf %slice3A_348, %get3A_25 : vector<256x64xf32>
    %mul3A_356 = arith.mulf %concatenate3A_354, %get3A_28 : vector<256x64xf32>
    %add3A_357 = arith.addf %mul3A_355, %mul3A_356 : vector<256x64xf32>
    %convert_element_type3A_358 = arith.truncf %add3A_357 : vector<256x64xf32> to vector<256x64xbf16>
    %swap3A_359 = arith.constant 2 : index
    %swap3A_360 = arith.constant 0 : index
    %swap3A_361 = arith.constant 0 : index
    %swap3A_362 = vector.load %arg7[%swap3A_359, %swap3A_360, %swap3A_361] : memref<8x256x64xbf16, #tpu.memory_space<vmem>>, vector<1x256x64xbf16>
    %swap3A_363 = vector.shape_cast %swap3A_362 : vector<1x256x64xbf16> to vector<256x64xbf16>
    %swap3A_364 = vector.shape_cast %convert_element_type3A_358 : vector<256x64xbf16> to vector<1x256x64xbf16>
    tpu.vector_store %arg7[%swap3A_359, %swap3A_360, %swap3A_361], %swap3A_364 {strides = array<i32>} : memref<8x256x64xbf16, #tpu.memory_space<vmem>>, vector<1x256x64xbf16>,
    %slice3A_365 = vector.extract_strided_slice %slice3A_22 {offsets = [0, 128], sizes = [256, 64], strides = [1, 1]} : vector<256x512xf32> to vector<256x64xf32>
    %convert_element_type3A_366 = arith.truncf %slice3A_365 : vector<256x64xf32> to vector<256x64xbf16>
    %swap3A_367 = arith.constant 2 : index
    %swap3A_368 = arith.constant 0 : index
    %swap3A_369 = arith.constant 0 : index
    %swap3A_370 = vector.load %arg8[%swap3A_367, %swap3A_368, %swap3A_369] : memref<8x256x64xbf16, #tpu.memory_space<vmem>>, vector<1x256x64xbf16>
    %swap3A_371 = vector.shape_cast %swap3A_370 : vector<1x256x64xbf16> to vector<256x64xbf16>
    %swap3A_372 = vector.shape_cast %convert_element_type3A_366 : vector<256x64xbf16> to vector<1x256x64xbf16>
    tpu.vector_store %arg8[%swap3A_367, %swap3A_368, %swap3A_369], %swap3A_372 {strides = array<i32>} : memref<8x256x64xbf16, #tpu.memory_space<vmem>>, vector<1x256x64xbf16>,
    %slice3A_373 = vector.extract_strided_slice %slice3A_21 {offsets = [0, 192], sizes = [256, 64], strides = [1, 1]} : vector<256x512xf32> to vector<256x64xf32>
    %slice3A_374 = vector.extract_strided_slice %slice3A_373 {offsets = [0, 32], sizes = [256, 32], strides = [1, 1]} : vector<256x64xf32> to vector<256x32xf32>
    %neg3A_375 = arith.constant 0.000000e+00 : f32
    %neg3A_376 = vector.broadcast %neg3A_375 : f32 to vector<256x32xf32>
    %neg3A_377 = arith.subf %neg3A_376, %slice3A_374 : vector<256x32xf32>
    %slice3A_378 = vector.extract_strided_slice %slice3A_373 {offsets = [0, 0], sizes = [256, 32], strides = [1, 1]} : vector<256x64xf32> to vector<256x32xf32>
    %concatenate3A_379 = tpu.concatenate %neg3A_377, %slice3A_378 in 1 : vector<256x32xf32>, vector<256x32xf32> -> vector<256x64xf32>
    %mul3A_380 = arith.mulf %slice3A_373, %get3A_25 : vector<256x64xf32>
    %mul3A_381 = arith.mulf %concatenate3A_379, %get3A_28 : vector<256x64xf32>
    %add3A_382 = arith.addf %mul3A_380, %mul3A_381 : vector<256x64xf32>
    %convert_element_type3A_383 = arith.truncf %add3A_382 : vector<256x64xf32> to vector<256x64xbf16>
    %swap3A_384 = arith.constant 3 : index
    %swap3A_385 = arith.constant 0 : index
    %swap3A_386 = arith.constant 0 : index
    %swap3A_387 = vector.load %arg7[%swap3A_384, %swap3A_385, %swap3A_386] : memref<8x256x64xbf16, #tpu.memory_space<vmem>>, vector<1x256x64xbf16>
    %swap3A_388 = vector.shape_cast %swap3A_387 : vector<1x256x64xbf16> to vector<256x64xbf16>
    %swap3A_389 = vector.shape_cast %convert_element_type3A_383 : vector<256x64xbf16> to vector<1x256x64xbf16>
    tpu.vector_store %arg7[%swap3A_384, %swap3A_385, %swap3A_386], %swap3A_389 {strides = array<i32>} : memref<8x256x64xbf16, #tpu.memory_space<vmem>>, vector<1x256x64xbf16>,
    %slice3A_390 = vector.extract_strided_slice %slice3A_22 {offsets = [0, 192], sizes = [256, 64], strides = [1, 1]} : vector<256x512xf32> to vector<256x64xf32>
    %convert_element_type3A_391 = arith.truncf %slice3A_390 : vector<256x64xf32> to vector<256x64xbf16>
    %swap3A_392 = arith.constant 3 : index
    %swap3A_393 = arith.constant 0 : index
    %swap3A_394 = arith.constant 0 : index
    %swap3A_395 = vector.load %arg8[%swap3A_392, %swap3A_393, %swap3A_394] : memref<8x256x64xbf16, #tpu.memory_space<vmem>>, vector<1x256x64xbf16>
    %swap3A_396 = vector.shape_cast %swap3A_395 : vector<1x256x64xbf16> to vector<256x64xbf16>
    %swap3A_397 = vector.shape_cast %convert_element_type3A_391 : vector<256x64xbf16> to vector<1x256x64xbf16>
    tpu.vector_store %arg8[%swap3A_392, %swap3A_393, %swap3A_394], %swap3A_397 {strides = array<i32>} : memref<8x256x64xbf16, #tpu.memory_space<vmem>>, vector<1x256x64xbf16>,
    %slice3A_398 = vector.extract_strided_slice %slice3A_21 {offsets = [0, 256], sizes = [256, 64], strides = [1, 1]} : vector<256x512xf32> to vector<256x64xf32>
    %slice3A_399 = vector.extract_strided_slice %slice3A_398 {offsets = [0, 32], sizes = [256, 32], strides = [1, 1]} : vector<256x64xf32> to vector<256x32xf32>
    %neg3A_400 = arith.constant 0.000000e+00 : f32
    %neg3A_401 = vector.broadcast %neg3A_400 : f32 to vector<256x32xf32>
    %neg3A_402 = arith.subf %neg3A_401, %slice3A_399 : vector<256x32xf32>
    %slice3A_403 = vector.extract_strided_slice %slice3A_398 {offsets = [0, 0], sizes = [256, 32], strides = [1, 1]} : vector<256x64xf32> to vector<256x32xf32>
    %concatenate3A_404 = tpu.concatenate %neg3A_402, %slice3A_403 in 1 : vector<256x32xf32>, vector<256x32xf32> -> vector<256x64xf32>
    %mul3A_405 = arith.mulf %slice3A_398, %get3A_25 : vector<256x64xf32>
    %mul3A_406 = arith.mulf %concatenate3A_404, %get3A_28 : vector<256x64xf32>
    %add3A_407 = arith.addf %mul3A_405, %mul3A_406 : vector<256x64xf32>
    %convert_element_type3A_408 = arith.truncf %add3A_407 : vector<256x64xf32> to vector<256x64xbf16>
    %swap3A_409 = arith.constant 4 : index
    %swap3A_410 = arith.constant 0 : index
    %swap3A_411 = arith.constant 0 : index
    %swap3A_412 = vector.load %arg7[%swap3A_409, %swap3A_410, %swap3A_411] : memref<8x256x64xbf16, #tpu.memory_space<vmem>>, vector<1x256x64xbf16>
    %swap3A_413 = vector.shape_cast %swap3A_412 : vector<1x256x64xbf16> to vector<256x64xbf16>
    %swap3A_414 = vector.shape_cast %convert_element_type3A_408 : vector<256x64xbf16> to vector<1x256x64xbf16>
    tpu.vector_store %arg7[%swap3A_409, %swap3A_410, %swap3A_411], %swap3A_414 {strides = array<i32>} : memref<8x256x64xbf16, #tpu.memory_space<vmem>>, vector<1x256x64xbf16>,
    %slice3A_415 = vector.extract_strided_slice %slice3A_22 {offsets = [0, 256], sizes = [256, 64], strides = [1, 1]} : vector<256x512xf32> to vector<256x64xf32>
    %convert_element_type3A_416 = arith.truncf %slice3A_415 : vector<256x64xf32> to vector<256x64xbf16>
    %swap3A_417 = arith.constant 4 : index
    %swap3A_418 = arith.constant 0 : index
    %swap3A_419 = arith.constant 0 : index
    %swap3A_420 = vector.load %arg8[%swap3A_417, %swap3A_418, %swap3A_419] : memref<8x256x64xbf16, #tpu.memory_space<vmem>>, vector<1x256x64xbf16>
    %swap3A_421 = vector.shape_cast %swap3A_420 : vector<1x256x64xbf16> to vector<256x64xbf16>
    %swap3A_422 = vector.shape_cast %convert_element_type3A_416 : vector<256x64xbf16> to vector<1x256x64xbf16>
    tpu.vector_store %arg8[%swap3A_417, %swap3A_418, %swap3A_419], %swap3A_422 {strides = array<i32>} : memref<8x256x64xbf16, #tpu.memory_space<vmem>>, vector<1x256x64xbf16>,
    %slice3A_423 = vector.extract_strided_slice %slice3A_21 {offsets = [0, 320], sizes = [256, 64], strides = [1, 1]} : vector<256x512xf32> to vector<256x64xf32>
    %slice3A_424 = vector.extract_strided_slice %slice3A_423 {offsets = [0, 32], sizes = [256, 32], strides = [1, 1]} : vector<256x64xf32> to vector<256x32xf32>
    %neg3A_425 = arith.constant 0.000000e+00 : f32
    %neg3A_426 = vector.broadcast %neg3A_425 : f32 to vector<256x32xf32>
    %neg3A_427 = arith.subf %neg3A_426, %slice3A_424 : vector<256x32xf32>
    %slice3A_428 = vector.extract_strided_slice %slice3A_423 {offsets = [0, 0], sizes = [256, 32], strides = [1, 1]} : vector<256x64xf32> to vector<256x32xf32>
    %concatenate3A_429 = tpu.concatenate %neg3A_427, %slice3A_428 in 1 : vector<256x32xf32>, vector<256x32xf32> -> vector<256x64xf32>
    %mul3A_430 = arith.mulf %slice3A_423, %get3A_25 : vector<256x64xf32>
    %mul3A_431 = arith.mulf %concatenate3A_429, %get3A_28 : vector<256x64xf32>
    %add3A_432 = arith.addf %mul3A_430, %mul3A_431 : vector<256x64xf32>
    %convert_element_type3A_433 = arith.truncf %add3A_432 : vector<256x64xf32> to vector<256x64xbf16>
    %swap3A_434 = arith.constant 5 : index
    %swap3A_435 = arith.constant 0 : index
    %swap3A_436 = arith.constant 0 : index
    %swap3A_437 = vector.load %arg7[%swap3A_434, %swap3A_435, %swap3A_436] : memref<8x256x64xbf16, #tpu.memory_space<vmem>>, vector<1x256x64xbf16>
    %swap3A_438 = vector.shape_cast %swap3A_437 : vector<1x256x64xbf16> to vector<256x64xbf16>
    %swap3A_439 = vector.shape_cast %convert_element_type3A_433 : vector<256x64xbf16> to vector<1x256x64xbf16>
    tpu.vector_store %arg7[%swap3A_434, %swap3A_435, %swap3A_436], %swap3A_439 {strides = array<i32>} : memref<8x256x64xbf16, #tpu.memory_space<vmem>>, vector<1x256x64xbf16>,
    %slice3A_440 = vector.extract_strided_slice %slice3A_22 {offsets = [0, 320], sizes = [256, 64], strides = [1, 1]} : vector<256x512xf32> to vector<256x64xf32>
    %convert_element_type3A_441 = arith.truncf %slice3A_440 : vector<256x64xf32> to vector<256x64xbf16>
    %swap3A_442 = arith.constant 5 : index
    %swap3A_443 = arith.constant 0 : index
    %swap3A_444 = arith.constant 0 : index
    %swap3A_445 = vector.load %arg8[%swap3A_442, %swap3A_443, %swap3A_444] : memref<8x256x64xbf16, #tpu.memory_space<vmem>>, vector<1x256x64xbf16>
    %swap3A_446 = vector.shape_cast %swap3A_445 : vector<1x256x64xbf16> to vector<256x64xbf16>
    %swap3A_447 = vector.shape_cast %convert_element_type3A_441 : vector<256x64xbf16> to vector<1x256x64xbf16>
    tpu.vector_store %arg8[%swap3A_442, %swap3A_443, %swap3A_444], %swap3A_447 {strides = array<i32>} : memref<8x256x64xbf16, #tpu.memory_space<vmem>>, vector<1x256x64xbf16>,
    %slice3A_448 = vector.extract_strided_slice %slice3A_21 {offsets = [0, 384], sizes = [256, 64], strides = [1, 1]} : vector<256x512xf32> to vector<256x64xf32>
    %slice3A_449 = vector.extract_strided_slice %slice3A_448 {offsets = [0, 32], sizes = [256, 32], strides = [1, 1]} : vector<256x64xf32> to vector<256x32xf32>
    %neg3A_450 = arith.constant 0.000000e+00 : f32
    %neg3A_451 = vector.broadcast %neg3A_450 : f32 to vector<256x32xf32>
    %neg3A_452 = arith.subf %neg3A_451, %slice3A_449 : vector<256x32xf32>
    %slice3A_453 = vector.extract_strided_slice %slice3A_448 {offsets = [0, 0], sizes = [256, 32], strides = [1, 1]} : vector<256x64xf32> to vector<256x32xf32>
    %concatenate3A_454 = tpu.concatenate %neg3A_452, %slice3A_453 in 1 : vector<256x32xf32>, vector<256x32xf32> -> vector<256x64xf32>
    %mul3A_455 = arith.mulf %slice3A_448, %get3A_25 : vector<256x64xf32>
    %mul3A_456 = arith.mulf %concatenate3A_454, %get3A_28 : vector<256x64xf32>
    %add3A_457 = arith.addf %mul3A_455, %mul3A_456 : vector<256x64xf32>
    %convert_element_type3A_458 = arith.truncf %add3A_457 : vector<256x64xf32> to vector<256x64xbf16>
    %swap3A_459 = arith.constant 6 : index
    %swap3A_460 = arith.constant 0 : index
    %swap3A_461 = arith.constant 0 : index
    %swap3A_462 = vector.load %arg7[%swap3A_459, %swap3A_460, %swap3A_461] : memref<8x256x64xbf16, #tpu.memory_space<vmem>>, vector<1x256x64xbf16>
    %swap3A_463 = vector.shape_cast %swap3A_462 : vector<1x256x64xbf16> to vector<256x64xbf16>
    %swap3A_464 = vector.shape_cast %convert_element_type3A_458 : vector<256x64xbf16> to vector<1x256x64xbf16>
    tpu.vector_store %arg7[%swap3A_459, %swap3A_460, %swap3A_461], %swap3A_464 {strides = array<i32>} : memref<8x256x64xbf16, #tpu.memory_space<vmem>>, vector<1x256x64xbf16>,
    %slice3A_465 = vector.extract_strided_slice %slice3A_22 {offsets = [0, 384], sizes = [256, 64], strides = [1, 1]} : vector<256x512xf32> to vector<256x64xf32>
    %convert_element_type3A_466 = arith.truncf %slice3A_465 : vector<256x64xf32> to vector<256x64xbf16>
    %swap3A_467 = arith.constant 6 : index
    %swap3A_468 = arith.constant 0 : index
    %swap3A_469 = arith.constant 0 : index
    %swap3A_470 = vector.load %arg8[%swap3A_467, %swap3A_468, %swap3A_469] : memref<8x256x64xbf16, #tpu.memory_space<vmem>>, vector<1x256x64xbf16>
    %swap3A_471 = vector.shape_cast %swap3A_470 : vector<1x256x64xbf16> to vector<256x64xbf16>
    %swap3A_472 = vector.shape_cast %convert_element_type3A_466 : vector<256x64xbf16> to vector<1x256x64xbf16>
    tpu.vector_store %arg8[%swap3A_467, %swap3A_468, %swap3A_469], %swap3A_472 {strides = array<i32>} : memref<8x256x64xbf16, #tpu.memory_space<vmem>>, vector<1x256x64xbf16>,
    %slice3A_473 = vector.extract_strided_slice %slice3A_21 {offsets = [0, 448], sizes = [256, 64], strides = [1, 1]} : vector<256x512xf32> to vector<256x64xf32>
    %slice3A_474 = vector.extract_strided_slice %slice3A_473 {offsets = [0, 32], sizes = [256, 32], strides = [1, 1]} : vector<256x64xf32> to vector<256x32xf32>
    %neg3A_475 = arith.constant 0.000000e+00 : f32
    %neg3A_476 = vector.broadcast %neg3A_475 : f32 to vector<256x32xf32>
    %neg3A_477 = arith.subf %neg3A_476, %slice3A_474 : vector<256x32xf32>
    %slice3A_478 = vector.extract_strided_slice %slice3A_473 {offsets = [0, 0], sizes = [256, 32], strides = [1, 1]} : vector<256x64xf32> to vector<256x32xf32>
    %concatenate3A_479 = tpu.concatenate %neg3A_477, %slice3A_478 in 1 : vector<256x32xf32>, vector<256x32xf32> -> vector<256x64xf32>
    %mul3A_480 = arith.mulf %slice3A_473, %get3A_25 : vector<256x64xf32>
    %mul3A_481 = arith.mulf %concatenate3A_479, %get3A_28 : vector<256x64xf32>
    %add3A_482 = arith.addf %mul3A_480, %mul3A_481 : vector<256x64xf32>
    %convert_element_type3A_483 = arith.truncf %add3A_482 : vector<256x64xf32> to vector<256x64xbf16>
    %swap3A_484 = arith.constant 7 : index
    %swap3A_485 = arith.constant 0 : index
    %swap3A_486 = arith.constant 0 : index
    %swap3A_487 = vector.load %arg7[%swap3A_484, %swap3A_485, %swap3A_486] : memref<8x256x64xbf16, #tpu.memory_space<vmem>>, vector<1x256x64xbf16>
    %swap3A_488 = vector.shape_cast %swap3A_487 : vector<1x256x64xbf16> to vector<256x64xbf16>
    %swap3A_489 = vector.shape_cast %convert_element_type3A_483 : vector<256x64xbf16> to vector<1x256x64xbf16>
    tpu.vector_store %arg7[%swap3A_484, %swap3A_485, %swap3A_486], %swap3A_489 {strides = array<i32>} : memref<8x256x64xbf16, #tpu.memory_space<vmem>>, vector<1x256x64xbf16>,
    %slice3A_490 = vector.extract_strided_slice %slice3A_22 {offsets = [0, 448], sizes = [256, 64], strides = [1, 1]} : vector<256x512xf32> to vector<256x64xf32>
    %convert_element_type3A_491 = arith.truncf %slice3A_490 : vector<256x64xf32> to vector<256x64xbf16>
    %swap3A_492 = arith.constant 7 : index
    %swap3A_493 = arith.constant 0 : index
    %swap3A_494 = arith.constant 0 : index
    %swap3A_495 = vector.load %arg8[%swap3A_492, %swap3A_493, %swap3A_494] : memref<8x256x64xbf16, #tpu.memory_space<vmem>>, vector<1x256x64xbf16>
    %swap3A_496 = vector.shape_cast %swap3A_495 : vector<1x256x64xbf16> to vector<256x64xbf16>
    %swap3A_497 = vector.shape_cast %convert_element_type3A_491 : vector<256x64xbf16> to vector<1x256x64xbf16>
    tpu.vector_store %arg8[%swap3A_492, %swap3A_493, %swap3A_494], %swap3A_497 {strides = array<i32>} : memref<8x256x64xbf16, #tpu.memory_space<vmem>>, vector<1x256x64xbf16>,
    return
  }
  func.func @transform_0(%arg0: i32) -> (i32, i32) {
    %c0_i32 = arith.constant 0 : i32
    %c0_i32_0 = arith.constant 0 : i32
    return %arg0, %c0_i32 : i32, i32
  }
  func.func @transform_1(%arg0: i32) -> (i32, i32) {
    %c0_i32 = arith.constant 0 : i32
    %c0_i32_0 = arith.constant 0 : i32
    %c0_i32_1 = arith.constant 0 : i32
    return %c0_i32, %c0_i32_0 : i32, i32
  }
  func.func @transform_2(%arg0: i32) -> (i32, i32) {
    %c0_i32 = arith.constant 0 : i32
    %c0_i32_0 = arith.constant 0 : i32
    return %arg0, %c0_i32 : i32, i32
  }
  func.func @transform_3(%arg0: i32) -> (i32, i32) {
    %c0_i32 = arith.constant 0 : i32
    %c0_i32_0 = arith.constant 0 : i32
    return %arg0, %c0_i32 : i32, i32
  }
  func.func @transform_4(%arg0: i32) -> (i32, i32) {
    %c0_i32 = arith.constant 0 : i32
    %c0_i32_0 = arith.constant 0 : i32
    %c0_i32_1 = arith.constant 0 : i32
    return %c0_i32, %c0_i32_0 : i32, i32
  }
  func.func @transform_5(%arg0: i32) -> (i32, i32, i32) {
    %c0_i32 = arith.constant 0 : i32
    %c0_i32_0 = arith.constant 0 : i32
    %c0_i32_1 = arith.constant 0 : i32
    return %c0_i32, %arg0, %c0_i32_0 : i32, i32, i32
  }
  func.func @transform_6(%arg0: i32) -> (i32, i32, i32) {
    %c0_i32 = arith.constant 0 : i32
    %c0_i32_0 = arith.constant 0 : i32
    %c0_i32_1 = arith.constant 0 : i32
    return %c0_i32, %arg0, %c0_i32_0 : i32, i32, i32
  }
  func.func @transform_7(%arg0: i32) -> (i32, i32, i32) {
    %c0_i32 = arith.constant 0 : i32
    %c0_i32_0 = arith.constant 0 : i32
    %c0_i32_1 = arith.constant 0 : i32
    return %c0_i32, %arg0, %c0_i32_0 : i32, i32, i32
  }
}

module attributes {stable_mosaic.version = 14 : i64} {
  func.func @_attn_kernel(%arg0: i32, %arg1: i32, %arg2: memref<1x1024x64xbf16, #tpu.memory_space<vmem>>, %arg3: memref<1x2048x64xbf16, #tpu.memory_space<vmem>>, %arg4: memref<1x2048x64xbf16, #tpu.memory_space<vmem>>, %arg5: memref<1x1024x64xbf16, #tpu.memory_space<vmem>>) attributes {dimension_semantics = [#tpu.dimension_semantics<arbitrary>, #tpu.dimension_semantics<arbitrary>], iteration_bounds = array<i64: 16, 2>, scalar_prefetch = 0 : i64, scratch_operands = 0 : i64, tpu.core_type = #tpu.core_type<tc>, window_params = [{transform_indices = @transform_0, window_bounds = array<i64: 1, 1024, 64>}, {transform_indices = @transform_1, window_bounds = array<i64: 1, 2048, 64>}, {transform_indices = @transform_2, window_bounds = array<i64: 1, 2048, 64>}, {transform_indices = @transform_3, window_bounds = array<i64: 1, 1024, 64>}]} {
    %get3A = arith.constant 0 : index
    %get3A_0 = arith.constant 0 : index
    %get3A_1 = arith.constant 0 : index
    %get3A_2 = vector.load %arg2[%get3A, %get3A_0, %get3A_1] : memref<1x1024x64xbf16, #tpu.memory_space<vmem>>, vector<1x1024x64xbf16>
    %get3A_3 = vector.shape_cast %get3A_2 : vector<1x1024x64xbf16> to vector<1024x64xbf16>
    %broadcast_in_dim3A = arith.constant -1.000000e+30 : f32
    %broadcast_in_dim3A_4 = vector.broadcast %broadcast_in_dim3A : f32 to vector<1024x1xf32>
    %broadcast_in_dim3A_5 = arith.constant 0.000000e+00 : f32
    %broadcast_in_dim3A_6 = vector.broadcast %broadcast_in_dim3A_5 : f32 to vector<1024x1xf32>
    %broadcast_in_dim3A_7 = arith.constant 0.000000e+00 : f32
    %broadcast_in_dim3A_8 = vector.broadcast %broadcast_in_dim3A_7 : f32 to vector<1024x64xf32>
    %while3A = arith.constant 0 : i32
    %while3A_9 = arith.subi %arg1, %while3A : i32
    %while3A_10 = arith.addi %while3A, %while3A_9 : i32
    %while3A_11 = arith.constant 1 : i32
    %while3A_12 = arith.divsi %while3A_9, %while3A_11 : i32
    %while3A_13 = arith.muli %while3A_12, %while3A_11 : i32
    %while3A_14 = arith.addi %while3A, %while3A_13 : i32
    %while3A_15 = arith.constant 1 : i32
    %while3A_16:3 = scf.for %while3A_55 = %while3A to %while3A_14 step %while3A_15 iter_args(%while3A_56 = %broadcast_in_dim3A_4, %while3A_57 = %broadcast_in_dim3A_6, %while3A_58 = %broadcast_in_dim3A_8) -> (vector<1024x1xf32>, vector<1024x1xf32>, vector<1024x64xf32>)  : i32 {
      %mul3A_59 = arith.constant 1024 : i32
      %mul3A_60 = arith.muli %while3A_55, %mul3A_59 : i32
      %get3A_61 = arith.constant 0 : index
      %get3A_62 = arith.index_cast %mul3A_60 : i32 to index
      %get3A_63 = arith.constant 0 : index
      %get3A_64 = vector.load %arg3[%get3A_61, %get3A_62, %get3A_63] : memref<1x2048x64xbf16, #tpu.memory_space<vmem>>, vector<1x1024x64xbf16>
      %get3A_65 = vector.shape_cast %get3A_64 : vector<1x1024x64xbf16> to vector<1024x64xbf16>
      %mul3A_66 = arith.constant 1024 : i32
      %mul3A_67 = arith.muli %while3A_55, %mul3A_66 : i32
      %get3A_68 = arith.constant 0 : index
      %get3A_69 = arith.index_cast %mul3A_67 : i32 to index
      %get3A_70 = arith.constant 0 : index
      %get3A_71 = vector.load %arg4[%get3A_68, %get3A_69, %get3A_70] : memref<1x2048x64xbf16, #tpu.memory_space<vmem>>, vector<1x1024x64xbf16>
      %get3A_72 = vector.shape_cast %get3A_71 : vector<1x1024x64xbf16> to vector<1024x64xbf16>
      %dot_general3A_73 = arith.constant dense<0.000000e+00> : vector<1024x1024xf32>
      %dot_general3A_74 = tpu.matmul %get3A_3, %get3A_65, %dot_general3A_73 {dimension_numbers = #tpu.dot_dimension_numbers<[1], [1], [0], [0], [0, 0, 1, 0], [], []>, transpose_lhs_hint = false} : vector<1024x64xbf16>, vector<1024x64xbf16>, vector<1024x1024xf32> -> vector<1024x1024xf32>
      %reduce_max3A_75 = arith.constant dense<0xFF800000> : vector<1024xf32>
      %reduce_max3A_76 = vector.multi_reduction <maximumf>, %dot_general3A_74, %reduce_max3A_75 [1] : vector<1024x1024xf32> to vector<1024xf32>
      %broadcast_in_dim3A_77 = vector.shape_cast %reduce_max3A_76 : vector<1024xf32> to vector<1024x1xf32>
      %max3A_78 = arith.maximumf %while3A_56, %broadcast_in_dim3A_77 : vector<1024x1xf32>
      %sub3A_79 = vector.broadcast %max3A_78 : vector<1024x1xf32> to vector<1024x1024xf32>
      %sub3A_80 = arith.subf %dot_general3A_74, %sub3A_79 : vector<1024x1024xf32>
      %exp3A_81 = math.exp %sub3A_80 : vector<1024x1024xf32>
      %sub3A_82 = arith.subf %while3A_56, %max3A_78 : vector<1024x1xf32>
      %exp3A_83 = math.exp %sub3A_82 : vector<1024x1xf32>
      %mul3A_84 = arith.mulf %while3A_57, %exp3A_83 : vector<1024x1xf32>
      %reduce_sum3A_85 = arith.constant dense<0.000000e+00> : vector<1024xf32>
      %reduce_sum3A_86 = vector.multi_reduction <add>, %exp3A_81, %reduce_sum3A_85 [1] : vector<1024x1024xf32> to vector<1024xf32>
      %broadcast_in_dim3A_87 = vector.shape_cast %reduce_sum3A_86 : vector<1024xf32> to vector<1024x1xf32>
      %add3A_88 = arith.addf %mul3A_84, %broadcast_in_dim3A_87 : vector<1024x1xf32>
      %mul3A_89 = vector.broadcast %exp3A_83 : vector<1024x1xf32> to vector<1024x64xf32>
      %mul3A_90 = arith.mulf %while3A_58, %mul3A_89 : vector<1024x64xf32>
      %convert_element_type3A_91 = arith.truncf %exp3A_81 : vector<1024x1024xf32> to vector<1024x1024xbf16>
      %dot_general3A_92 = arith.constant dense<0.000000e+00> : vector<1024x64xf32>
      %dot_general3A_93 = tpu.matmul %convert_element_type3A_91, %get3A_72, %dot_general3A_92 {dimension_numbers = #tpu.dot_dimension_numbers<[1], [0], [0], [1], [0, 0, 1, 1], [], []>, transpose_lhs_hint = false} : vector<1024x1024xbf16>, vector<1024x64xbf16>, vector<1024x64xf32> -> vector<1024x64xf32>
      %add3A_94 = arith.addf %mul3A_90, %dot_general3A_93 : vector<1024x64xf32>
      scf.yield %max3A_78, %add3A_88, %add3A_94 : vector<1024x1xf32>, vector<1024x1xf32>, vector<1024x64xf32>
    }
    %while3A_17 = arith.constant 1 : i32
    %while3A_18:3 = scf.for %while3A_55 = %while3A_14 to %while3A_10 step %while3A_17 iter_args(%while3A_56 = %while3A_16#0, %while3A_57 = %while3A_16#1, %while3A_58 = %while3A_16#2) -> (vector<1024x1xf32>, vector<1024x1xf32>, vector<1024x64xf32>)  : i32 {
      %mul3A_59 = arith.constant 1024 : i32
      %mul3A_60 = arith.muli %while3A_55, %mul3A_59 : i32
      %get3A_61 = arith.constant 0 : index
      %get3A_62 = arith.index_cast %mul3A_60 : i32 to index
      %get3A_63 = arith.constant 0 : index
      %get3A_64 = vector.load %arg3[%get3A_61, %get3A_62, %get3A_63] : memref<1x2048x64xbf16, #tpu.memory_space<vmem>>, vector<1x1024x64xbf16>
      %get3A_65 = vector.shape_cast %get3A_64 : vector<1x1024x64xbf16> to vector<1024x64xbf16>
      %mul3A_66 = arith.constant 1024 : i32
      %mul3A_67 = arith.muli %while3A_55, %mul3A_66 : i32
      %get3A_68 = arith.constant 0 : index
      %get3A_69 = arith.index_cast %mul3A_67 : i32 to index
      %get3A_70 = arith.constant 0 : index
      %get3A_71 = vector.load %arg4[%get3A_68, %get3A_69, %get3A_70] : memref<1x2048x64xbf16, #tpu.memory_space<vmem>>, vector<1x1024x64xbf16>
      %get3A_72 = vector.shape_cast %get3A_71 : vector<1x1024x64xbf16> to vector<1024x64xbf16>
      %dot_general3A_73 = arith.constant dense<0.000000e+00> : vector<1024x1024xf32>
      %dot_general3A_74 = tpu.matmul %get3A_3, %get3A_65, %dot_general3A_73 {dimension_numbers = #tpu.dot_dimension_numbers<[1], [1], [0], [0], [0, 0, 1, 0], [], []>, transpose_lhs_hint = false} : vector<1024x64xbf16>, vector<1024x64xbf16>, vector<1024x1024xf32> -> vector<1024x1024xf32>
      %reduce_max3A_75 = arith.constant dense<0xFF800000> : vector<1024xf32>
      %reduce_max3A_76 = vector.multi_reduction <maximumf>, %dot_general3A_74, %reduce_max3A_75 [1] : vector<1024x1024xf32> to vector<1024xf32>
      %broadcast_in_dim3A_77 = vector.shape_cast %reduce_max3A_76 : vector<1024xf32> to vector<1024x1xf32>
      %max3A_78 = arith.maximumf %while3A_56, %broadcast_in_dim3A_77 : vector<1024x1xf32>
      %sub3A_79 = vector.broadcast %max3A_78 : vector<1024x1xf32> to vector<1024x1024xf32>
      %sub3A_80 = arith.subf %dot_general3A_74, %sub3A_79 : vector<1024x1024xf32>
      %exp3A_81 = math.exp %sub3A_80 : vector<1024x1024xf32>
      %sub3A_82 = arith.subf %while3A_56, %max3A_78 : vector<1024x1xf32>
      %exp3A_83 = math.exp %sub3A_82 : vector<1024x1xf32>
      %mul3A_84 = arith.mulf %while3A_57, %exp3A_83 : vector<1024x1xf32>
      %reduce_sum3A_85 = arith.constant dense<0.000000e+00> : vector<1024xf32>
      %reduce_sum3A_86 = vector.multi_reduction <add>, %exp3A_81, %reduce_sum3A_85 [1] : vector<1024x1024xf32> to vector<1024xf32>
      %broadcast_in_dim3A_87 = vector.shape_cast %reduce_sum3A_86 : vector<1024xf32> to vector<1024x1xf32>
      %add3A_88 = arith.addf %mul3A_84, %broadcast_in_dim3A_87 : vector<1024x1xf32>
      %mul3A_89 = vector.broadcast %exp3A_83 : vector<1024x1xf32> to vector<1024x64xf32>
      %mul3A_90 = arith.mulf %while3A_58, %mul3A_89 : vector<1024x64xf32>
      %convert_element_type3A_91 = arith.truncf %exp3A_81 : vector<1024x1024xf32> to vector<1024x1024xbf16>
      %dot_general3A_92 = arith.constant dense<0.000000e+00> : vector<1024x64xf32>
      %dot_general3A_93 = tpu.matmul %convert_element_type3A_91, %get3A_72, %dot_general3A_92 {dimension_numbers = #tpu.dot_dimension_numbers<[1], [0], [0], [1], [0, 0, 1, 1], [], []>, transpose_lhs_hint = false} : vector<1024x1024xbf16>, vector<1024x64xbf16>, vector<1024x64xf32> -> vector<1024x64xf32>
      %add3A_94 = arith.addf %mul3A_90, %dot_general3A_93 : vector<1024x64xf32>
      scf.yield %max3A_78, %add3A_88, %add3A_94 : vector<1024x1xf32>, vector<1024x1xf32>, vector<1024x64xf32>
    }
    %mul3A = arith.constant 1024 : i32
    %mul3A_19 = arith.muli %arg1, %mul3A : i32
    %get3A_20 = arith.constant 0 : index
    %get3A_21 = arith.index_cast %mul3A_19 : i32 to index
    %get3A_22 = arith.constant 0 : index
    %get3A_23 = vector.load %arg3[%get3A_20, %get3A_21, %get3A_22] : memref<1x2048x64xbf16, #tpu.memory_space<vmem>>, vector<1x1024x64xbf16>
    %get3A_24 = vector.shape_cast %get3A_23 : vector<1x1024x64xbf16> to vector<1024x64xbf16>
    %mul3A_25 = arith.constant 1024 : i32
    %mul3A_26 = arith.muli %arg1, %mul3A_25 : i32
    %get3A_27 = arith.constant 0 : index
    %get3A_28 = arith.index_cast %mul3A_26 : i32 to index
    %get3A_29 = arith.constant 0 : index
    %get3A_30 = vector.load %arg4[%get3A_27, %get3A_28, %get3A_29] : memref<1x2048x64xbf16, #tpu.memory_space<vmem>>, vector<1x1024x64xbf16>
    %get3A_31 = vector.shape_cast %get3A_30 : vector<1x1024x64xbf16> to vector<1024x64xbf16>
    %dot_general3A = arith.constant dense<0.000000e+00> : vector<1024x1024xf32>
    %dot_general3A_32 = tpu.matmul %get3A_3, %get3A_24, %dot_general3A {dimension_numbers = #tpu.dot_dimension_numbers<[1], [1], [0], [0], [0, 0, 1, 0], [], []>, transpose_lhs_hint = false} : vector<1024x64xbf16>, vector<1024x64xbf16>, vector<1024x1024xf32> -> vector<1024x1024xf32>
    %iota3A = tpu.iota {dimensions = array<i32: 0>} : vector<1024x1024xi32>
    %iota3A_33 = tpu.iota {dimensions = array<i32: 1>} : vector<1024x1024xi32>
    %ge3A = arith.cmpi sge, %iota3A, %iota3A_33 : vector<1024x1024xi32>
    %jit3A = arith.constant -1.000000e+09 : f32
    %broadcast_in_dim3A_34 = vector.broadcast %jit3A : f32 to vector<1024x1024xf32>
    %select_n3A = arith.select %ge3A, %dot_general3A_32, %broadcast_in_dim3A_34 : vector<1024x1024xi1>, vector<1024x1024xf32>
    %reduce_max3A = arith.constant dense<0xFF800000> : vector<1024xf32>
    %reduce_max3A_35 = vector.multi_reduction <maximumf>, %select_n3A, %reduce_max3A [1] : vector<1024x1024xf32> to vector<1024xf32>
    %broadcast_in_dim3A_36 = vector.shape_cast %reduce_max3A_35 : vector<1024xf32> to vector<1024x1xf32>
    %max3A = arith.maximumf %while3A_18#0, %broadcast_in_dim3A_36 : vector<1024x1xf32>
    %sub3A = vector.broadcast %max3A : vector<1024x1xf32> to vector<1024x1024xf32>
    %sub3A_37 = arith.subf %select_n3A, %sub3A : vector<1024x1024xf32>
    %exp3A = math.exp %sub3A_37 : vector<1024x1024xf32>
    %sub3A_38 = arith.subf %while3A_18#0, %max3A : vector<1024x1xf32>
    %exp3A_39 = math.exp %sub3A_38 : vector<1024x1xf32>
    %mul3A_40 = arith.mulf %while3A_18#1, %exp3A_39 : vector<1024x1xf32>
    %reduce_sum3A = arith.constant dense<0.000000e+00> : vector<1024xf32>
    %reduce_sum3A_41 = vector.multi_reduction <add>, %exp3A, %reduce_sum3A [1] : vector<1024x1024xf32> to vector<1024xf32>
    %broadcast_in_dim3A_42 = vector.shape_cast %reduce_sum3A_41 : vector<1024xf32> to vector<1024x1xf32>
    %add3A = arith.addf %mul3A_40, %broadcast_in_dim3A_42 : vector<1024x1xf32>
    %mul3A_43 = vector.broadcast %exp3A_39 : vector<1024x1xf32> to vector<1024x64xf32>
    %mul3A_44 = arith.mulf %while3A_18#2, %mul3A_43 : vector<1024x64xf32>
    %convert_element_type3A = arith.truncf %exp3A : vector<1024x1024xf32> to vector<1024x1024xbf16>
    %dot_general3A_45 = arith.constant dense<0.000000e+00> : vector<1024x64xf32>
    %dot_general3A_46 = tpu.matmul %convert_element_type3A, %get3A_31, %dot_general3A_45 {dimension_numbers = #tpu.dot_dimension_numbers<[1], [0], [0], [1], [0, 0, 1, 1], [], []>, transpose_lhs_hint = false} : vector<1024x1024xbf16>, vector<1024x64xbf16>, vector<1024x64xf32> -> vector<1024x64xf32>
    %add3A_47 = arith.addf %mul3A_44, %dot_general3A_46 : vector<1024x64xf32>
    %div3A = vector.broadcast %add3A : vector<1024x1xf32> to vector<1024x64xf32>
    %div3A_48 = arith.divf %add3A_47, %div3A : vector<1024x64xf32>
    %convert_element_type3A_49 = arith.truncf %div3A_48 : vector<1024x64xf32> to vector<1024x64xbf16>
    %swap3A = arith.constant 0 : index
    %swap3A_50 = arith.constant 0 : index
    %swap3A_51 = arith.constant 0 : index
    %swap3A_52 = vector.load %arg5[%swap3A, %swap3A_50, %swap3A_51] : memref<1x1024x64xbf16, #tpu.memory_space<vmem>>, vector<1x1024x64xbf16>
    %swap3A_53 = vector.shape_cast %swap3A_52 : vector<1x1024x64xbf16> to vector<1024x64xbf16>
    %swap3A_54 = vector.shape_cast %convert_element_type3A_49 : vector<1024x64xbf16> to vector<1x1024x64xbf16>
    tpu.vector_store %arg5[%swap3A, %swap3A_50, %swap3A_51], %swap3A_54 {strides = array<i32>} : memref<1x1024x64xbf16, #tpu.memory_space<vmem>>, vector<1x1024x64xbf16>,
    return
  }
  func.func @transform_0(%arg0: i32, %arg1: i32) -> (i32, i32, i32) {
    %c0_i32 = arith.constant 0 : i32
    %c0_i32_0 = arith.constant 0 : i32
    return %arg0, %arg1, %c0_i32 : i32, i32, i32
  }
  func.func @transform_1(%arg0: i32, %arg1: i32) -> (i32, i32, i32) {
    %jit3A = arith.constant 2 : i32
    %div3A = arith.divsi %arg0, %jit3A : i32
    %sign3A = arith.constant 0 : i32
    %sign3A_0 = arith.cmpi sgt, %arg0, %sign3A : i32
    %sign3A_1 = arith.extui %sign3A_0 : i1 to i32
    %sign3A_2 = arith.constant 0 : i32
    %sign3A_3 = arith.cmpi slt, %arg0, %sign3A_2 : i32
    %sign3A_4 = arith.extui %sign3A_3 : i1 to i32
    %sign3A_5 = arith.subi %sign3A_1, %sign3A_4 : i32
    %sign3A_6 = arith.constant 0 : i32
    %sign3A_7 = arith.cmpi sgt, %jit3A, %sign3A_6 : i32
    %sign3A_8 = arith.extui %sign3A_7 : i1 to i32
    %sign3A_9 = arith.constant 0 : i32
    %sign3A_10 = arith.cmpi slt, %jit3A, %sign3A_9 : i32
    %sign3A_11 = arith.extui %sign3A_10 : i1 to i32
    %sign3A_12 = arith.subi %sign3A_8, %sign3A_11 : i32
    %ne3A = arith.cmpi ne, %sign3A_5, %sign3A_12 : i32
    %rem3A = arith.remsi %arg0, %jit3A : i32
    %ne3A_13 = arith.constant 0 : i32
    %ne3A_14 = arith.cmpi ne, %rem3A, %ne3A_13 : i32
    %and3A = arith.andi %ne3A, %ne3A_14 : i1
    %sub3A = arith.constant 1 : i32
    %sub3A_15 = arith.subi %div3A, %sub3A : i32
    %select_n3A = arith.select %and3A, %sub3A_15, %div3A : i32
    %c0_i32 = arith.constant 0 : i32
    %c0_i32_16 = arith.constant 0 : i32
    %c0_i32_17 = arith.constant 0 : i32
    return %select_n3A, %c0_i32, %c0_i32_16 : i32, i32, i32
  }
  func.func @transform_2(%arg0: i32, %arg1: i32) -> (i32, i32, i32) {
    %jit3A = arith.constant 2 : i32
    %div3A = arith.divsi %arg0, %jit3A : i32
    %sign3A = arith.constant 0 : i32
    %sign3A_0 = arith.cmpi sgt, %arg0, %sign3A : i32
    %sign3A_1 = arith.extui %sign3A_0 : i1 to i32
    %sign3A_2 = arith.constant 0 : i32
    %sign3A_3 = arith.cmpi slt, %arg0, %sign3A_2 : i32
    %sign3A_4 = arith.extui %sign3A_3 : i1 to i32
    %sign3A_5 = arith.subi %sign3A_1, %sign3A_4 : i32
    %sign3A_6 = arith.constant 0 : i32
    %sign3A_7 = arith.cmpi sgt, %jit3A, %sign3A_6 : i32
    %sign3A_8 = arith.extui %sign3A_7 : i1 to i32
    %sign3A_9 = arith.constant 0 : i32
    %sign3A_10 = arith.cmpi slt, %jit3A, %sign3A_9 : i32
    %sign3A_11 = arith.extui %sign3A_10 : i1 to i32
    %sign3A_12 = arith.subi %sign3A_8, %sign3A_11 : i32
    %ne3A = arith.cmpi ne, %sign3A_5, %sign3A_12 : i32
    %rem3A = arith.remsi %arg0, %jit3A : i32
    %ne3A_13 = arith.constant 0 : i32
    %ne3A_14 = arith.cmpi ne, %rem3A, %ne3A_13 : i32
    %and3A = arith.andi %ne3A, %ne3A_14 : i1
    %sub3A = arith.constant 1 : i32
    %sub3A_15 = arith.subi %div3A, %sub3A : i32
    %select_n3A = arith.select %and3A, %sub3A_15, %div3A : i32
    %c0_i32 = arith.constant 0 : i32
    %c0_i32_16 = arith.constant 0 : i32
    %c0_i32_17 = arith.constant 0 : i32
    return %select_n3A, %c0_i32, %c0_i32_16 : i32, i32, i32
  }
  func.func @transform_3(%arg0: i32, %arg1: i32) -> (i32, i32, i32) {
    %c0_i32 = arith.constant 0 : i32
    %c0_i32_0 = arith.constant 0 : i32
    return %arg0, %arg1, %c0_i32 : i32, i32, i32
  }
}

module attributes {stable_mosaic.version = 14 : i64} {
  func.func @_post_kernel(%arg0: i32, %arg1: memref<16x256x64xbf16, #tpu.memory_space<vmem>>, %arg2: memref<256x1024xf32, #tpu.memory_space<vmem>>, %arg3: memref<1024x1024xbf16, #tpu.memory_space<vmem>>, %arg4: memref<1x1024xf32, #tpu.memory_space<vmem>>, %arg5: memref<1024x8xf32, #tpu.memory_space<vmem>>, %arg6: memref<256x1024xf32, #tpu.memory_space<vmem>>, %arg7: memref<256x1024xf32, #tpu.memory_space<vmem>>, %arg8: memref<256x1xi32, #tpu.memory_space<vmem>>, %arg9: memref<256x1xi32, #tpu.memory_space<vmem>>, %arg10: memref<256x1xf32, #tpu.memory_space<vmem>>, %arg11: memref<256x1xf32, #tpu.memory_space<vmem>>) attributes {dimension_semantics = [#tpu.dimension_semantics<arbitrary>], iteration_bounds = array<i64: 8>, scalar_prefetch = 0 : i64, scratch_operands = 0 : i64, tpu.core_type = #tpu.core_type<tc>, window_params = [{transform_indices = @transform_0, window_bounds = array<i64: 16, 256, 64>}, {transform_indices = @transform_1, window_bounds = array<i64: 256, 1024>}, {pipeline_mode = #tpu.pipeline_mode<synchronous>, transform_indices = @transform_2, window_bounds = array<i64: 1024, 1024>}, {pipeline_mode = #tpu.pipeline_mode<synchronous>, transform_indices = @transform_3, window_bounds = array<i64: 1, 1024>}, {pipeline_mode = #tpu.pipeline_mode<synchronous>, transform_indices = @transform_4, window_bounds = array<i64: 1024, 8>}, {transform_indices = @transform_5, window_bounds = array<i64: 256, 1024>}, {transform_indices = @transform_6, window_bounds = array<i64: 256, 1024>}, {transform_indices = @transform_7, window_bounds = array<i64: 256, 1>}, {transform_indices = @transform_8, window_bounds = array<i64: 256, 1>}, {transform_indices = @transform_9, window_bounds = array<i64: 256, 1>}, {transform_indices = @transform_10, window_bounds = array<i64: 256, 1>}]} {
    %get3A = arith.constant 0 : index
    %get3A_0 = arith.constant 0 : index
    %get3A_1 = arith.constant 0 : index
    %get3A_2 = vector.load %arg1[%get3A, %get3A_0, %get3A_1] : memref<16x256x64xbf16, #tpu.memory_space<vmem>>, vector<1x256x64xbf16>
    %get3A_3 = vector.shape_cast %get3A_2 : vector<1x256x64xbf16> to vector<256x64xbf16>
    %get3A_4 = arith.constant 1 : index
    %get3A_5 = arith.constant 0 : index
    %get3A_6 = arith.constant 0 : index
    %get3A_7 = vector.load %arg1[%get3A_4, %get3A_5, %get3A_6] : memref<16x256x64xbf16, #tpu.memory_space<vmem>>, vector<1x256x64xbf16>
    %get3A_8 = vector.shape_cast %get3A_7 : vector<1x256x64xbf16> to vector<256x64xbf16>
    %get3A_9 = arith.constant 2 : index
    %get3A_10 = arith.constant 0 : index
    %get3A_11 = arith.constant 0 : index
    %get3A_12 = vector.load %arg1[%get3A_9, %get3A_10, %get3A_11] : memref<16x256x64xbf16, #tpu.memory_space<vmem>>, vector<1x256x64xbf16>
    %get3A_13 = vector.shape_cast %get3A_12 : vector<1x256x64xbf16> to vector<256x64xbf16>
    %get3A_14 = arith.constant 3 : index
    %get3A_15 = arith.constant 0 : index
    %get3A_16 = arith.constant 0 : index
    %get3A_17 = vector.load %arg1[%get3A_14, %get3A_15, %get3A_16] : memref<16x256x64xbf16, #tpu.memory_space<vmem>>, vector<1x256x64xbf16>
    %get3A_18 = vector.shape_cast %get3A_17 : vector<1x256x64xbf16> to vector<256x64xbf16>
    %get3A_19 = arith.constant 4 : index
    %get3A_20 = arith.constant 0 : index
    %get3A_21 = arith.constant 0 : index
    %get3A_22 = vector.load %arg1[%get3A_19, %get3A_20, %get3A_21] : memref<16x256x64xbf16, #tpu.memory_space<vmem>>, vector<1x256x64xbf16>
    %get3A_23 = vector.shape_cast %get3A_22 : vector<1x256x64xbf16> to vector<256x64xbf16>
    %get3A_24 = arith.constant 5 : index
    %get3A_25 = arith.constant 0 : index
    %get3A_26 = arith.constant 0 : index
    %get3A_27 = vector.load %arg1[%get3A_24, %get3A_25, %get3A_26] : memref<16x256x64xbf16, #tpu.memory_space<vmem>>, vector<1x256x64xbf16>
    %get3A_28 = vector.shape_cast %get3A_27 : vector<1x256x64xbf16> to vector<256x64xbf16>
    %get3A_29 = arith.constant 6 : index
    %get3A_30 = arith.constant 0 : index
    %get3A_31 = arith.constant 0 : index
    %get3A_32 = vector.load %arg1[%get3A_29, %get3A_30, %get3A_31] : memref<16x256x64xbf16, #tpu.memory_space<vmem>>, vector<1x256x64xbf16>
    %get3A_33 = vector.shape_cast %get3A_32 : vector<1x256x64xbf16> to vector<256x64xbf16>
    %get3A_34 = arith.constant 7 : index
    %get3A_35 = arith.constant 0 : index
    %get3A_36 = arith.constant 0 : index
    %get3A_37 = vector.load %arg1[%get3A_34, %get3A_35, %get3A_36] : memref<16x256x64xbf16, #tpu.memory_space<vmem>>, vector<1x256x64xbf16>
    %get3A_38 = vector.shape_cast %get3A_37 : vector<1x256x64xbf16> to vector<256x64xbf16>
    %get3A_39 = arith.constant 8 : index
    %get3A_40 = arith.constant 0 : index
    %get3A_41 = arith.constant 0 : index
    %get3A_42 = vector.load %arg1[%get3A_39, %get3A_40, %get3A_41] : memref<16x256x64xbf16, #tpu.memory_space<vmem>>, vector<1x256x64xbf16>
    %get3A_43 = vector.shape_cast %get3A_42 : vector<1x256x64xbf16> to vector<256x64xbf16>
    %get3A_44 = arith.constant 9 : index
    %get3A_45 = arith.constant 0 : index
    %get3A_46 = arith.constant 0 : index
    %get3A_47 = vector.load %arg1[%get3A_44, %get3A_45, %get3A_46] : memref<16x256x64xbf16, #tpu.memory_space<vmem>>, vector<1x256x64xbf16>
    %get3A_48 = vector.shape_cast %get3A_47 : vector<1x256x64xbf16> to vector<256x64xbf16>
    %get3A_49 = arith.constant 10 : index
    %get3A_50 = arith.constant 0 : index
    %get3A_51 = arith.constant 0 : index
    %get3A_52 = vector.load %arg1[%get3A_49, %get3A_50, %get3A_51] : memref<16x256x64xbf16, #tpu.memory_space<vmem>>, vector<1x256x64xbf16>
    %get3A_53 = vector.shape_cast %get3A_52 : vector<1x256x64xbf16> to vector<256x64xbf16>
    %get3A_54 = arith.constant 11 : index
    %get3A_55 = arith.constant 0 : index
    %get3A_56 = arith.constant 0 : index
    %get3A_57 = vector.load %arg1[%get3A_54, %get3A_55, %get3A_56] : memref<16x256x64xbf16, #tpu.memory_space<vmem>>, vector<1x256x64xbf16>
    %get3A_58 = vector.shape_cast %get3A_57 : vector<1x256x64xbf16> to vector<256x64xbf16>
    %get3A_59 = arith.constant 12 : index
    %get3A_60 = arith.constant 0 : index
    %get3A_61 = arith.constant 0 : index
    %get3A_62 = vector.load %arg1[%get3A_59, %get3A_60, %get3A_61] : memref<16x256x64xbf16, #tpu.memory_space<vmem>>, vector<1x256x64xbf16>
    %get3A_63 = vector.shape_cast %get3A_62 : vector<1x256x64xbf16> to vector<256x64xbf16>
    %get3A_64 = arith.constant 13 : index
    %get3A_65 = arith.constant 0 : index
    %get3A_66 = arith.constant 0 : index
    %get3A_67 = vector.load %arg1[%get3A_64, %get3A_65, %get3A_66] : memref<16x256x64xbf16, #tpu.memory_space<vmem>>, vector<1x256x64xbf16>
    %get3A_68 = vector.shape_cast %get3A_67 : vector<1x256x64xbf16> to vector<256x64xbf16>
    %get3A_69 = arith.constant 14 : index
    %get3A_70 = arith.constant 0 : index
    %get3A_71 = arith.constant 0 : index
    %get3A_72 = vector.load %arg1[%get3A_69, %get3A_70, %get3A_71] : memref<16x256x64xbf16, #tpu.memory_space<vmem>>, vector<1x256x64xbf16>
    %get3A_73 = vector.shape_cast %get3A_72 : vector<1x256x64xbf16> to vector<256x64xbf16>
    %get3A_74 = arith.constant 15 : index
    %get3A_75 = arith.constant 0 : index
    %get3A_76 = arith.constant 0 : index
    %get3A_77 = vector.load %arg1[%get3A_74, %get3A_75, %get3A_76] : memref<16x256x64xbf16, #tpu.memory_space<vmem>>, vector<1x256x64xbf16>
    %get3A_78 = vector.shape_cast %get3A_77 : vector<1x256x64xbf16> to vector<256x64xbf16>
    %concatenate3A = tpu.concatenate %get3A_3, %get3A_8, %get3A_13, %get3A_18, %get3A_23, %get3A_28, %get3A_33, %get3A_38, %get3A_43, %get3A_48, %get3A_53, %get3A_58, %get3A_63, %get3A_68, %get3A_73, %get3A_78 in 1 : vector<256x64xbf16>, vector<256x64xbf16>, vector<256x64xbf16>, vector<256x64xbf16>, vector<256x64xbf16>, vector<256x64xbf16>, vector<256x64xbf16>, vector<256x64xbf16>, vector<256x64xbf16>, vector<256x64xbf16>, vector<256x64xbf16>, vector<256x64xbf16>, vector<256x64xbf16>, vector<256x64xbf16>, vector<256x64xbf16>, vector<256x64xbf16> -> vector<256x1024xbf16>
    %get3A_79 = arith.constant 0 : index
    %get3A_80 = arith.constant 0 : index
    %get3A_81 = vector.load %arg3[%get3A_79, %get3A_80] : memref<1024x1024xbf16, #tpu.memory_space<vmem>>, vector<1024x1024xbf16>
    %dot_general3A = arith.constant dense<0.000000e+00> : vector<256x1024xf32>
    %dot_general3A_82 = tpu.matmul %concatenate3A, %get3A_81, %dot_general3A {dimension_numbers = #tpu.dot_dimension_numbers<[1], [0], [0], [1], [0, 0, 1, 1], [], []>, transpose_lhs_hint = false} : vector<256x1024xbf16>, vector<1024x1024xbf16>, vector<256x1024xf32> -> vector<256x1024xf32>
    %get3A_83 = arith.constant 0 : index
    %get3A_84 = arith.constant 0 : index
    %get3A_85 = vector.load %arg2[%get3A_83, %get3A_84] : memref<256x1024xf32, #tpu.memory_space<vmem>>, vector<256x1024xf32>
    %add3A = arith.addf %get3A_85, %dot_general3A_82 : vector<256x1024xf32>
    %swap3A = arith.constant 0 : index
    %swap3A_86 = arith.constant 0 : index
    %swap3A_87 = vector.load %arg6[%swap3A, %swap3A_86] : memref<256x1024xf32, #tpu.memory_space<vmem>>, vector<256x1024xf32>
    tpu.vector_store %arg6[%swap3A, %swap3A_86], %add3A {strides = array<i32>} : memref<256x1024xf32, #tpu.memory_space<vmem>>, vector<256x1024xf32>,
    %mul3A = arith.mulf %add3A, %add3A : vector<256x1024xf32>
    %reduce_sum3A = arith.constant dense<0.000000e+00> : vector<256xf32>
    %reduce_sum3A_88 = vector.multi_reduction <add>, %mul3A, %reduce_sum3A [1] : vector<256x1024xf32> to vector<256xf32>
    %broadcast_in_dim3A = vector.shape_cast %reduce_sum3A_88 : vector<256xf32> to vector<256x1xf32>
    %div3A = arith.constant 1.024000e+03 : f32
    %div3A_89 = vector.broadcast %div3A : f32 to vector<256x1xf32>
    %div3A_90 = arith.divf %broadcast_in_dim3A, %div3A_89 : vector<256x1xf32>
    %add3A_91 = arith.constant 9.99999997E-7 : f32
    %add3A_92 = vector.broadcast %add3A_91 : f32 to vector<256x1xf32>
    %add3A_93 = arith.addf %div3A_90, %add3A_92 : vector<256x1xf32>
    %rsqrt3A = math.rsqrt %add3A_93 : vector<256x1xf32>
    %mul3A_94 = vector.broadcast %rsqrt3A : vector<256x1xf32> to vector<256x1024xf32>
    %mul3A_95 = arith.mulf %add3A, %mul3A_94 : vector<256x1024xf32>
    %get3A_96 = arith.constant 0 : index
    %get3A_97 = arith.constant 0 : index
    %get3A_98 = vector.load %arg4[%get3A_96, %get3A_97] : memref<1x1024xf32, #tpu.memory_space<vmem>>, vector<1x1024xf32>
    %mul3A_99 = vector.broadcast %get3A_98 : vector<1x1024xf32> to vector<256x1024xf32>
    %mul3A_100 = arith.mulf %mul3A_95, %mul3A_99 : vector<256x1024xf32>
    %swap3A_101 = arith.constant 0 : index
    %swap3A_102 = arith.constant 0 : index
    %swap3A_103 = vector.load %arg7[%swap3A_101, %swap3A_102] : memref<256x1024xf32, #tpu.memory_space<vmem>>, vector<256x1024xf32>
    tpu.vector_store %arg7[%swap3A_101, %swap3A_102], %mul3A_100 {strides = array<i32>} : memref<256x1024xf32, #tpu.memory_space<vmem>>, vector<256x1024xf32>,
    %get3A_104 = arith.constant 0 : index
    %get3A_105 = arith.constant 0 : index
    %get3A_106 = vector.load %arg5[%get3A_104, %get3A_105] : memref<1024x8xf32, #tpu.memory_space<vmem>>, vector<1024x8xf32>
    %dot_general3A_107 = arith.constant dense<0.000000e+00> : vector<256x8xf32>
    %dot_general3A_108 = tpu.matmul %mul3A_100, %get3A_106, %dot_general3A_107 {dimension_numbers = #tpu.dot_dimension_numbers<[1], [0], [0], [1], [0, 0, 1, 1], [], []>, transpose_lhs_hint = false} : vector<256x1024xf32>, vector<1024x8xf32>, vector<256x8xf32> -> vector<256x8xf32>
    %reduce_max3A = arith.constant dense<0xFF800000> : vector<256xf32>
    %reduce_max3A_109 = vector.multi_reduction <maximumf>, %dot_general3A_108, %reduce_max3A [1] : vector<256x8xf32> to vector<256xf32>
    %broadcast_in_dim3A_110 = vector.shape_cast %reduce_max3A_109 : vector<256xf32> to vector<256x1xf32>
    %sub3A = vector.broadcast %broadcast_in_dim3A_110 : vector<256x1xf32> to vector<256x8xf32>
    %sub3A_111 = arith.subf %dot_general3A_108, %sub3A : vector<256x8xf32>
    %exp3A = math.exp %sub3A_111 : vector<256x8xf32>
    %reduce_sum3A_112 = arith.constant dense<0.000000e+00> : vector<256xf32>
    %reduce_sum3A_113 = vector.multi_reduction <add>, %exp3A, %reduce_sum3A_112 [1] : vector<256x8xf32> to vector<256xf32>
    %broadcast_in_dim3A_114 = vector.shape_cast %reduce_sum3A_113 : vector<256xf32> to vector<256x1xf32>
    %div3A_115 = vector.broadcast %broadcast_in_dim3A_114 : vector<256x1xf32> to vector<256x8xf32>
    %div3A_116 = arith.divf %exp3A, %div3A_115 : vector<256x8xf32>
    %iota3A = tpu.iota {dimensions = array<i32: 1>} : vector<256x8xi32>
    %reduce_max3A_117 = arith.constant dense<0xFF800000> : vector<256xf32>
    %reduce_max3A_118 = vector.multi_reduction <maximumf>, %div3A_116, %reduce_max3A_117 [1] : vector<256x8xf32> to vector<256xf32>
    %broadcast_in_dim3A_119 = vector.shape_cast %reduce_max3A_118 : vector<256xf32> to vector<256x1xf32>
    %eq3A = vector.broadcast %broadcast_in_dim3A_119 : vector<256x1xf32> to vector<256x8xf32>
    %eq3A_120 = arith.cmpf oeq, %div3A_116, %eq3A : vector<256x8xf32>
    %jit3A = arith.constant 8 : i32
    %broadcast_in_dim3A_121 = vector.broadcast %jit3A : i32 to vector<256x8xi32>
    %select_n3A = arith.select %eq3A_120, %iota3A, %broadcast_in_dim3A_121 : vector<256x8xi1>, vector<256x8xi32>
    %reduce_min3A = arith.constant dense<2147483647> : vector<256xi32>
    %reduce_min3A_122 = vector.multi_reduction <minsi>, %select_n3A, %reduce_min3A [1] : vector<256x8xi32> to vector<256xi32>
    %broadcast_in_dim3A_123 = vector.shape_cast %reduce_min3A_122 : vector<256xi32> to vector<256x1xi32>
    %eq3A_124 = vector.broadcast %broadcast_in_dim3A_123 : vector<256x1xi32> to vector<256x8xi32>
    %eq3A_125 = arith.cmpi eq, %iota3A, %eq3A_124 : vector<256x8xi32>
    %jit3A_126 = arith.constant -1.000000e+00 : f32
    %broadcast_in_dim3A_127 = vector.broadcast %jit3A_126 : f32 to vector<256x8xf32>
    %select_n3A_128 = arith.select %eq3A_125, %broadcast_in_dim3A_127, %div3A_116 : vector<256x8xi1>, vector<256x8xf32>
    %reduce_max3A_129 = arith.constant dense<0xFF800000> : vector<256xf32>
    %reduce_max3A_130 = vector.multi_reduction <maximumf>, %select_n3A_128, %reduce_max3A_129 [1] : vector<256x8xf32> to vector<256xf32>
    %broadcast_in_dim3A_131 = vector.shape_cast %reduce_max3A_130 : vector<256xf32> to vector<256x1xf32>
    %eq3A_132 = vector.broadcast %broadcast_in_dim3A_131 : vector<256x1xf32> to vector<256x8xf32>
    %eq3A_133 = arith.cmpf oeq, %select_n3A_128, %eq3A_132 : vector<256x8xf32>
    %jit3A_134 = arith.constant 8 : i32
    %broadcast_in_dim3A_135 = vector.broadcast %jit3A_134 : i32 to vector<256x8xi32>
    %select_n3A_136 = arith.select %eq3A_133, %iota3A, %broadcast_in_dim3A_135 : vector<256x8xi1>, vector<256x8xi32>
    %reduce_min3A_137 = arith.constant dense<2147483647> : vector<256xi32>
    %reduce_min3A_138 = vector.multi_reduction <minsi>, %select_n3A_136, %reduce_min3A_137 [1] : vector<256x8xi32> to vector<256xi32>
    %broadcast_in_dim3A_139 = vector.shape_cast %reduce_min3A_138 : vector<256xi32> to vector<256x1xi32>
    %add3A_140 = arith.addf %broadcast_in_dim3A_119, %broadcast_in_dim3A_131 : vector<256x1xf32>
    %swap3A_141 = arith.constant 0 : index
    %swap3A_142 = arith.constant 0 : index
    %swap3A_143 = vector.load %arg8[%swap3A_141, %swap3A_142] : memref<256x1xi32, #tpu.memory_space<vmem>>, vector<256x1xi32>
    tpu.vector_store %arg8[%swap3A_141, %swap3A_142], %broadcast_in_dim3A_123 {strides = array<i32>} : memref<256x1xi32, #tpu.memory_space<vmem>>, vector<256x1xi32>,
    %swap3A_144 = arith.constant 0 : index
    %swap3A_145 = arith.constant 0 : index
    %swap3A_146 = vector.load %arg9[%swap3A_144, %swap3A_145] : memref<256x1xi32, #tpu.memory_space<vmem>>, vector<256x1xi32>
    tpu.vector_store %arg9[%swap3A_144, %swap3A_145], %broadcast_in_dim3A_139 {strides = array<i32>} : memref<256x1xi32, #tpu.memory_space<vmem>>, vector<256x1xi32>,
    %div3A_147 = arith.divf %broadcast_in_dim3A_119, %add3A_140 : vector<256x1xf32>
    %swap3A_148 = arith.constant 0 : index
    %swap3A_149 = arith.constant 0 : index
    %swap3A_150 = vector.load %arg10[%swap3A_148, %swap3A_149] : memref<256x1xf32, #tpu.memory_space<vmem>>, vector<256x1xf32>
    tpu.vector_store %arg10[%swap3A_148, %swap3A_149], %div3A_147 {strides = array<i32>} : memref<256x1xf32, #tpu.memory_space<vmem>>, vector<256x1xf32>,
    %div3A_151 = arith.divf %broadcast_in_dim3A_131, %add3A_140 : vector<256x1xf32>
    %swap3A_152 = arith.constant 0 : index
    %swap3A_153 = arith.constant 0 : index
    %swap3A_154 = vector.load %arg11[%swap3A_152, %swap3A_153] : memref<256x1xf32, #tpu.memory_space<vmem>>, vector<256x1xf32>
    tpu.vector_store %arg11[%swap3A_152, %swap3A_153], %div3A_151 {strides = array<i32>} : memref<256x1xf32, #tpu.memory_space<vmem>>, vector<256x1xf32>,
    return
  }
  func.func @transform_0(%arg0: i32) -> (i32, i32, i32) {
    %c0_i32 = arith.constant 0 : i32
    %c0_i32_0 = arith.constant 0 : i32
    %c0_i32_1 = arith.constant 0 : i32
    return %c0_i32, %arg0, %c0_i32_0 : i32, i32, i32
  }
  func.func @transform_1(%arg0: i32) -> (i32, i32) {
    %c0_i32 = arith.constant 0 : i32
    %c0_i32_0 = arith.constant 0 : i32
    return %arg0, %c0_i32 : i32, i32
  }
  func.func @transform_2(%arg0: i32) -> (i32, i32) {
    %c0_i32 = arith.constant 0 : i32
    %c0_i32_0 = arith.constant 0 : i32
    %c0_i32_1 = arith.constant 0 : i32
    return %c0_i32, %c0_i32_0 : i32, i32
  }
  func.func @transform_3(%arg0: i32) -> (i32, i32) {
    %c0_i32 = arith.constant 0 : i32
    %c0_i32_0 = arith.constant 0 : i32
    %c0_i32_1 = arith.constant 0 : i32
    return %c0_i32, %c0_i32_0 : i32, i32
  }
  func.func @transform_4(%arg0: i32) -> (i32, i32) {
    %c0_i32 = arith.constant 0 : i32
    %c0_i32_0 = arith.constant 0 : i32
    %c0_i32_1 = arith.constant 0 : i32
    return %c0_i32, %c0_i32_0 : i32, i32
  }
  func.func @transform_5(%arg0: i32) -> (i32, i32) {
    %c0_i32 = arith.constant 0 : i32
    %c0_i32_0 = arith.constant 0 : i32
    return %arg0, %c0_i32 : i32, i32
  }
  func.func @transform_6(%arg0: i32) -> (i32, i32) {
    %c0_i32 = arith.constant 0 : i32
    %c0_i32_0 = arith.constant 0 : i32
    return %arg0, %c0_i32 : i32, i32
  }
  func.func @transform_7(%arg0: i32) -> (i32, i32) {
    %c0_i32 = arith.constant 0 : i32
    %c0_i32_0 = arith.constant 0 : i32
    return %arg0, %c0_i32 : i32, i32
  }
  func.func @transform_8(%arg0: i32) -> (i32, i32) {
    %c0_i32 = arith.constant 0 : i32
    %c0_i32_0 = arith.constant 0 : i32
    return %arg0, %c0_i32 : i32, i32
  }
  func.func @transform_9(%arg0: i32) -> (i32, i32) {
    %c0_i32 = arith.constant 0 : i32
    %c0_i32_0 = arith.constant 0 : i32
    return %arg0, %c0_i32 : i32, i32
  }
  func.func @transform_10(%arg0: i32) -> (i32, i32) {
    %c0_i32 = arith.constant 0 : i32
    %c0_i32_0 = arith.constant 0 : i32
    return %arg0, %c0_i32 : i32, i32
  }
}

module attributes {stable_mosaic.version = 14 : i64} {
  func.func @_route_kernel(%arg0: memref<4096x1xi32, #tpu.memory_space<vmem>>, %arg1: memref<4096x1xi32, #tpu.memory_space<vmem>>, %arg2: memref<24x1xi32, #tpu.memory_space<vmem>>, %arg3: memref<24x1xi32, #tpu.memory_space<vmem>>) attributes {dimension_semantics = [], scalar_prefetch = 0 : i64, scratch_operands = 0 : i64, tpu.core_type = #tpu.core_type<tc>} {
    %iota3A = tpu.iota {dimensions = array<i32: 0>} : vector<256x256xi32>
    %iota3A_0 = tpu.iota {dimensions = array<i32: 1>} : vector<256x256xi32>
    %gt3A = arith.cmpi sgt, %iota3A, %iota3A_0 : vector<256x256xi32>
    %jit3A = arith.constant 1.000000e+00 : f32
    %jit3A_1 = arith.constant 0.000000e+00 : f32
    %broadcast_in_dim3A = vector.broadcast %jit3A : f32 to vector<256x256xf32>
    %broadcast_in_dim3A_2 = vector.broadcast %jit3A_1 : f32 to vector<256x256xf32>
    %select_n3A = arith.select %gt3A, %broadcast_in_dim3A, %broadcast_in_dim3A_2 : vector<256x256xi1>, vector<256x256xf32>
    %convert_element_type3A = arith.truncf %select_n3A : vector<256x256xf32> to vector<256x256xbf16>
    %iota3A_3 = tpu.iota {dimensions = array<i32: 1>} : vector<256x8xi32>
    %broadcast_in_dim3A_4 = arith.constant 0.000000e+00 : f32
    %broadcast_in_dim3A_5 = vector.broadcast %broadcast_in_dim3A_4 : f32 to vector<1x8xf32>
    %scan3A = arith.constant 0 : i32
    %scan3A_6 = arith.constant 16 : i32
    %scan3A_7 = arith.addi %scan3A, %scan3A_6 : i32
    %scan3A_8 = arith.constant 1 : i32
    %scan3A_9 = scf.for %scan3A_50 = %scan3A to %scan3A_7 step %scan3A_8 iter_args(%scan3A_51 = %broadcast_in_dim3A_5) -> (vector<1x8xf32>)  : i32 {
      %mul3A_52 = arith.constant 256 : i32
      %mul3A_53 = arith.muli %scan3A_50, %mul3A_52 : i32
      %get3A = arith.index_cast %mul3A_53 : i32 to index
      %get3A_54 = arith.constant 0 : index
      %get3A_55 = vector.load %arg0[%get3A, %get3A_54] : memref<4096x1xi32, #tpu.memory_space<vmem>>, vector<256x1xi32>
      %eq3A = vector.broadcast %get3A_55 : vector<256x1xi32> to vector<256x8xi32>
      %eq3A_56 = arith.cmpi eq, %eq3A, %iota3A_3 : vector<256x8xi32>
      %convert_element_type3A_57 = arith.extui %eq3A_56 : vector<256x8xi1> to vector<256x8xi32>
      %convert_element_type3A_58 = arith.sitofp %convert_element_type3A_57 : vector<256x8xi32> to vector<256x8xf32>
      %reduce_sum3A_59 = arith.constant dense<0.000000e+00> : vector<8xf32>
      %reduce_sum3A_60 = vector.multi_reduction <add>, %convert_element_type3A_58, %reduce_sum3A_59 [0] : vector<256x8xf32> to vector<8xf32>
      %broadcast_in_dim3A_61 = vector.shape_cast %reduce_sum3A_60 : vector<8xf32> to vector<1x8xf32>
      %add3A = arith.addf %scan3A_51, %broadcast_in_dim3A_61 : vector<1x8xf32>
      scf.yield %add3A : vector<1x8xf32>
    }
    %scan3A_10 = arith.constant 16 : i32
    %div3A = arith.constant 2.560000e+02 : f32
    %div3A_11 = vector.broadcast %div3A : f32 to vector<1x8xf32>
    %div3A_12 = arith.divf %scan3A_9, %div3A_11 : vector<1x8xf32>
    %ceil3A = math.ceil %div3A_12 : vector<1x8xf32>
    %mul3A = arith.constant 2.560000e+02 : f32
    %mul3A_13 = vector.broadcast %mul3A : f32 to vector<1x8xf32>
    %mul3A_14 = arith.mulf %ceil3A, %mul3A_13 : vector<1x8xf32>
    %iota3A_15 = tpu.iota {dimensions = array<i32: 0>} : vector<8x8xi32>
    %iota3A_16 = tpu.iota {dimensions = array<i32: 1>} : vector<8x8xi32>
    %le3A = arith.cmpi sle, %iota3A_15, %iota3A_16 : vector<8x8xi32>
    %jit3A_17 = arith.constant 1.000000e+00 : f32
    %jit3A_18 = arith.constant 0.000000e+00 : f32
    %broadcast_in_dim3A_19 = vector.broadcast %jit3A_17 : f32 to vector<8x8xf32>
    %broadcast_in_dim3A_20 = vector.broadcast %jit3A_18 : f32 to vector<8x8xf32>
    %select_n3A_21 = arith.select %le3A, %broadcast_in_dim3A_19, %broadcast_in_dim3A_20 : vector<8x8xi1>, vector<8x8xf32>
    %dot_general3A = arith.constant dense<0.000000e+00> : vector<1x8xf32>
    %dot_general3A_22 = tpu.matmul %mul3A_14, %select_n3A_21, %dot_general3A {dimension_numbers = #tpu.dot_dimension_numbers<[1], [0], [0], [1], [0, 0, 1, 1], [], []>, transpose_lhs_hint = false} : vector<1x8xf32>, vector<8x8xf32>, vector<1x8xf32> -> vector<1x8xf32>
    %sub3A = arith.subf %dot_general3A_22, %mul3A_14 : vector<1x8xf32>
    %broadcast_in_dim3A_23 = arith.constant 0.000000e+00 : f32
    %broadcast_in_dim3A_24 = vector.broadcast %broadcast_in_dim3A_23 : f32 to vector<1x8xf32>
    %scan3A_25 = arith.constant 0 : i32
    %scan3A_26 = arith.constant 16 : i32
    %scan3A_27 = arith.addi %scan3A_25, %scan3A_26 : i32
    %scan3A_28 = arith.constant 1 : i32
    %scan3A_29 = scf.for %scan3A_50 = %scan3A_25 to %scan3A_27 step %scan3A_28 iter_args(%scan3A_51 = %broadcast_in_dim3A_24) -> (vector<1x8xf32>)  : i32 {
      %mul3A_52 = arith.constant 256 : i32
      %mul3A_53 = arith.muli %scan3A_50, %mul3A_52 : i32
      %get3A = arith.index_cast %mul3A_53 : i32 to index
      %get3A_54 = arith.constant 0 : index
      %get3A_55 = vector.load %arg0[%get3A, %get3A_54] : memref<4096x1xi32, #tpu.memory_space<vmem>>, vector<256x1xi32>
      %eq3A = vector.broadcast %get3A_55 : vector<256x1xi32> to vector<256x8xi32>
      %eq3A_56 = arith.cmpi eq, %eq3A, %iota3A_3 : vector<256x8xi32>
      %convert_element_type3A_57 = arith.extui %eq3A_56 : vector<256x8xi1> to vector<256x8xi32>
      %convert_element_type3A_58 = arith.sitofp %convert_element_type3A_57 : vector<256x8xi32> to vector<256x8xf32>
      %convert_element_type3A_59 = arith.truncf %convert_element_type3A_58 : vector<256x8xf32> to vector<256x8xbf16>
      %dot_general3A_60 = arith.constant dense<0.000000e+00> : vector<256x8xf32>
      %dot_general3A_61 = tpu.matmul %convert_element_type3A, %convert_element_type3A_59, %dot_general3A_60 {dimension_numbers = #tpu.dot_dimension_numbers<[1], [0], [0], [1], [0, 0, 1, 1], [], []>, transpose_lhs_hint = false} : vector<256x256xbf16>, vector<256x8xbf16>, vector<256x8xf32> -> vector<256x8xf32>
      %add3A = arith.addf %sub3A, %scan3A_51 : vector<1x8xf32>
      %add3A_62 = vector.broadcast %add3A : vector<1x8xf32> to vector<256x8xf32>
      %add3A_63 = arith.addf %add3A_62, %dot_general3A_61 : vector<256x8xf32>
      %mul3A_64 = arith.mulf %convert_element_type3A_58, %add3A_63 : vector<256x8xf32>
      %reduce_sum3A_65 = arith.constant dense<0.000000e+00> : vector<256xf32>
      %reduce_sum3A_66 = vector.multi_reduction <add>, %mul3A_64, %reduce_sum3A_65 [1] : vector<256x8xf32> to vector<256xf32>
      %broadcast_in_dim3A_67 = vector.shape_cast %reduce_sum3A_66 : vector<256xf32> to vector<256x1xf32>
      %convert_element_type3A_68 = arith.fptosi %broadcast_in_dim3A_67 : vector<256x1xf32> to vector<256x1xi32>
      %mul3A_69 = arith.constant 256 : i32
      %mul3A_70 = arith.muli %scan3A_50, %mul3A_69 : i32
      %swap3A_71 = arith.index_cast %mul3A_70 : i32 to index
      %swap3A_72 = arith.constant 0 : index
      %swap3A_73 = vector.load %arg1[%swap3A_71, %swap3A_72] : memref<4096x1xi32, #tpu.memory_space<vmem>>, vector<256x1xi32>
      tpu.vector_store %arg1[%swap3A_71, %swap3A_72], %convert_element_type3A_68 {strides = array<i32>} : memref<4096x1xi32, #tpu.memory_space<vmem>>, vector<256x1xi32>,
      %reduce_sum3A_74 = arith.constant dense<0.000000e+00> : vector<8xf32>
      %reduce_sum3A_75 = vector.multi_reduction <add>, %convert_element_type3A_58, %reduce_sum3A_74 [0] : vector<256x8xf32> to vector<8xf32>
      %broadcast_in_dim3A_76 = vector.shape_cast %reduce_sum3A_75 : vector<8xf32> to vector<1x8xf32>
      %add3A_77 = arith.addf %scan3A_51, %broadcast_in_dim3A_76 : vector<1x8xf32>
      scf.yield %add3A_77 : vector<1x8xf32>
    }
    %scan3A_30 = arith.constant 16 : i32
    %iota3A_31 = tpu.iota {dimensions = array<i32: 0>} : vector<24x1xi32>
    %mul3A_32 = arith.constant 256 : i32
    %mul3A_33 = vector.broadcast %mul3A_32 : i32 to vector<24x1xi32>
    %mul3A_34 = arith.muli %iota3A_31, %mul3A_33 : vector<24x1xi32>
    %convert_element_type3A_35 = arith.sitofp %mul3A_34 : vector<24x1xi32> to vector<24x1xf32>
    %ge3A = vector.broadcast %convert_element_type3A_35 : vector<24x1xf32> to vector<24x8xf32>
    %ge3A_36 = vector.broadcast %dot_general3A_22 : vector<1x8xf32> to vector<24x8xf32>
    %ge3A_37 = arith.cmpf oge, %ge3A, %ge3A_36 : vector<24x8xf32>
    %convert_element_type3A_38 = arith.extui %ge3A_37 : vector<24x8xi1> to vector<24x8xi32>
    %reduce_sum3A = arith.constant dense<0> : vector<24xi32>
    %reduce_sum3A_39 = vector.multi_reduction <add>, %convert_element_type3A_38, %reduce_sum3A [1] : vector<24x8xi32> to vector<24xi32>
    %broadcast_in_dim3A_40 = vector.shape_cast %reduce_sum3A_39 : vector<24xi32> to vector<24x1xi32>
    %min3A = arith.constant 7 : i32
    %min3A_41 = vector.broadcast %min3A : i32 to vector<24x1xi32>
    %min3A_42 = arith.minsi %broadcast_in_dim3A_40, %min3A_41 : vector<24x1xi32>
    %swap3A = arith.constant 0 : index
    %swap3A_43 = arith.constant 0 : index
    %swap3A_44 = vector.load %arg2[%swap3A, %swap3A_43] : memref<24x1xi32, #tpu.memory_space<vmem>>, vector<24x1xi32>
    tpu.vector_store %arg2[%swap3A, %swap3A_43], %min3A_42 {strides = array<i32>} : memref<24x1xi32, #tpu.memory_space<vmem>>, vector<24x1xi32>,
    %slice3A = vector.extract_strided_slice %dot_general3A_22 {offsets = [0, 7], sizes = [1, 1], strides = [1, 1]} : vector<1x8xf32> to vector<1x1xf32>
    %lt3A = vector.broadcast %slice3A : vector<1x1xf32> to vector<24x1xf32>
    %lt3A_45 = arith.cmpf olt, %convert_element_type3A_35, %lt3A : vector<24x1xf32>
    %convert_element_type3A_46 = arith.extui %lt3A_45 : vector<24x1xi1> to vector<24x1xi32>
    %swap3A_47 = arith.constant 0 : index
    %swap3A_48 = arith.constant 0 : index
    %swap3A_49 = vector.load %arg3[%swap3A_47, %swap3A_48] : memref<24x1xi32, #tpu.memory_space<vmem>>, vector<24x1xi32>
    tpu.vector_store %arg3[%swap3A_47, %swap3A_48], %convert_element_type3A_46 {strides = array<i32>} : memref<24x1xi32, #tpu.memory_space<vmem>>, vector<24x1xi32>,
    return
  }
}

module attributes {stable_mosaic.version = 14 : i64} {
  func.func @_moe_gemm_kernel(%arg0: i32, %arg1: memref<24xi32, #tpu.memory_space<smem>>, %arg2: memref<24xi32, #tpu.memory_space<smem>>, %arg3: memref<256x1024xf32, #tpu.memory_space<vmem>>, %arg4: memref<1x1024x2048xbf16, #tpu.memory_space<vmem>>, %arg5: memref<1x2048x1024xbf16, #tpu.memory_space<vmem>>, %arg6: memref<1x1024x2048xbf16, #tpu.memory_space<vmem>>, %arg7: memref<256x1024xf32, #tpu.memory_space<vmem>>) attributes {dimension_semantics = [#tpu.dimension_semantics<arbitrary>], iteration_bounds = array<i64: 24>, scalar_prefetch = 2 : i64, scratch_operands = 0 : i64, tpu.core_type = #tpu.core_type<tc>, window_params = [{transform_indices = @transform_0, window_bounds = array<i64: 256, 1024>}, {transform_indices = @transform_1, window_bounds = array<i64: 1, 1024, 2048>}, {transform_indices = @transform_2, window_bounds = array<i64: 1, 2048, 1024>}, {transform_indices = @transform_3, window_bounds = array<i64: 1, 1024, 2048>}, {transform_indices = @transform_4, window_bounds = array<i64: 256, 1024>}]} {
    %get3A = arith.index_cast %arg0 : i32 to index
    %get3A_0 = memref.load %arg2[%get3A] : memref<24xi32, #tpu.memory_space<smem>>
    %gt3A = arith.constant 0 : i32
    %gt3A_1 = arith.cmpi sgt, %get3A_0, %gt3A : i32
    %convert_element_type3A = arith.extui %gt3A_1 : i1 to i32
    %cond3A = arith.constant 0 : i32
    %cond3A_2 = arith.cmpi ne, %convert_element_type3A, %cond3A : i32
    scf.if %cond3A_2 {
      %get3A_3 = arith.constant 0 : index
      %get3A_4 = arith.constant 0 : index
      %get3A_5 = vector.load %arg3[%get3A_3, %get3A_4] : memref<256x1024xf32, #tpu.memory_space<vmem>>, vector<256x1024xf32>
      %convert_element_type3A_6 = arith.truncf %get3A_5 : vector<256x1024xf32> to vector<256x1024xbf16>
      %get3A_7 = arith.constant 0 : index
      %get3A_8 = arith.constant 0 : index
      %get3A_9 = arith.constant 0 : index
      %get3A_10 = vector.load %arg4[%get3A_7, %get3A_8, %get3A_9] : memref<1x1024x2048xbf16, #tpu.memory_space<vmem>>, vector<1x1024x2048xbf16>
      %get3A_11 = vector.shape_cast %get3A_10 : vector<1x1024x2048xbf16> to vector<1024x2048xbf16>
      %dot_general3A = arith.constant dense<0.000000e+00> : vector<256x2048xf32>
      %dot_general3A_12 = tpu.matmul %convert_element_type3A_6, %get3A_11, %dot_general3A {dimension_numbers = #tpu.dot_dimension_numbers<[1], [0], [0], [1], [0, 0, 1, 1], [], []>, transpose_lhs_hint = false} : vector<256x1024xbf16>, vector<1024x2048xbf16>, vector<256x2048xf32> -> vector<256x2048xf32>
      %get3A_13 = arith.constant 0 : index
      %get3A_14 = arith.constant 0 : index
      %get3A_15 = arith.constant 0 : index
      %get3A_16 = vector.load %arg6[%get3A_13, %get3A_14, %get3A_15] : memref<1x1024x2048xbf16, #tpu.memory_space<vmem>>, vector<1x1024x2048xbf16>
      %get3A_17 = vector.shape_cast %get3A_16 : vector<1x1024x2048xbf16> to vector<1024x2048xbf16>
      %dot_general3A_18 = arith.constant dense<0.000000e+00> : vector<256x2048xf32>
      %dot_general3A_19 = tpu.matmul %convert_element_type3A_6, %get3A_17, %dot_general3A_18 {dimension_numbers = #tpu.dot_dimension_numbers<[1], [0], [0], [1], [0, 0, 1, 1], [], []>, transpose_lhs_hint = false} : vector<256x1024xbf16>, vector<1024x2048xbf16>, vector<256x2048xf32> -> vector<256x2048xf32>
      %logistic3A = arith.negf %dot_general3A_12 : vector<256x2048xf32>
      %logistic3A_20 = math.exp %logistic3A : vector<256x2048xf32>
      %logistic3A_21 = arith.constant 1.000000e+00 : f32
      %logistic3A_22 = vector.broadcast %logistic3A_21 : f32 to vector<256x2048xf32>
      %logistic3A_23 = arith.addf %logistic3A_22, %logistic3A_20 : vector<256x2048xf32>
      %logistic3A_24 = arith.divf %logistic3A_22, %logistic3A_23 : vector<256x2048xf32>
      %mul3A = arith.mulf %dot_general3A_12, %logistic3A_24 : vector<256x2048xf32>
      %mul3A_25 = arith.mulf %mul3A, %dot_general3A_19 : vector<256x2048xf32>
      %convert_element_type3A_26 = arith.truncf %mul3A_25 : vector<256x2048xf32> to vector<256x2048xbf16>
      %get3A_27 = arith.constant 0 : index
      %get3A_28 = arith.constant 0 : index
      %get3A_29 = arith.constant 0 : index
      %get3A_30 = vector.load %arg5[%get3A_27, %get3A_28, %get3A_29] : memref<1x2048x1024xbf16, #tpu.memory_space<vmem>>, vector<1x2048x1024xbf16>
      %get3A_31 = vector.shape_cast %get3A_30 : vector<1x2048x1024xbf16> to vector<2048x1024xbf16>
      %dot_general3A_32 = arith.constant dense<0.000000e+00> : vector<256x1024xf32>
      %dot_general3A_33 = tpu.matmul %convert_element_type3A_26, %get3A_31, %dot_general3A_32 {dimension_numbers = #tpu.dot_dimension_numbers<[1], [0], [0], [1], [0, 0, 1, 1], [], []>, transpose_lhs_hint = false} : vector<256x2048xbf16>, vector<2048x1024xbf16>, vector<256x1024xf32> -> vector<256x1024xf32>
      %swap3A = arith.constant 0 : index
      %swap3A_34 = arith.constant 0 : index
      %swap3A_35 = vector.load %arg7[%swap3A, %swap3A_34] : memref<256x1024xf32, #tpu.memory_space<vmem>>, vector<256x1024xf32>
      tpu.vector_store %arg7[%swap3A, %swap3A_34], %dot_general3A_33 {strides = array<i32>} : memref<256x1024xf32, #tpu.memory_space<vmem>>, vector<256x1024xf32>,
    } else {
    }
    return
  }
  func.func @transform_0(%arg0: i32, %arg1: memref<24xi32, #tpu.memory_space<smem>>, %arg2: memref<24xi32, #tpu.memory_space<smem>>) -> (i32, i32) {
    %c0_i32 = arith.constant 0 : i32
    %c0_i32_0 = arith.constant 0 : i32
    return %arg0, %c0_i32 : i32, i32
  }
  func.func @transform_1(%arg0: i32, %arg1: memref<24xi32, #tpu.memory_space<smem>>, %arg2: memref<24xi32, #tpu.memory_space<smem>>) -> (i32, i32, i32) {
    %get3A = arith.index_cast %arg0 : i32 to index
    %get3A_0 = memref.load %arg1[%get3A] : memref<24xi32, #tpu.memory_space<smem>>
    %c0_i32 = arith.constant 0 : i32
    %c0_i32_1 = arith.constant 0 : i32
    %c0_i32_2 = arith.constant 0 : i32
    return %get3A_0, %c0_i32, %c0_i32_1 : i32, i32, i32
  }
  func.func @transform_2(%arg0: i32, %arg1: memref<24xi32, #tpu.memory_space<smem>>, %arg2: memref<24xi32, #tpu.memory_space<smem>>) -> (i32, i32, i32) {
    %get3A = arith.index_cast %arg0 : i32 to index
    %get3A_0 = memref.load %arg1[%get3A] : memref<24xi32, #tpu.memory_space<smem>>
    %c0_i32 = arith.constant 0 : i32
    %c0_i32_1 = arith.constant 0 : i32
    %c0_i32_2 = arith.constant 0 : i32
    return %get3A_0, %c0_i32, %c0_i32_1 : i32, i32, i32
  }
  func.func @transform_3(%arg0: i32, %arg1: memref<24xi32, #tpu.memory_space<smem>>, %arg2: memref<24xi32, #tpu.memory_space<smem>>) -> (i32, i32, i32) {
    %get3A = arith.index_cast %arg0 : i32 to index
    %get3A_0 = memref.load %arg1[%get3A] : memref<24xi32, #tpu.memory_space<smem>>
    %c0_i32 = arith.constant 0 : i32
    %c0_i32_1 = arith.constant 0 : i32
    %c0_i32_2 = arith.constant 0 : i32
    return %get3A_0, %c0_i32, %c0_i32_1 : i32, i32, i32
  }
  func.func @transform_4(%arg0: i32, %arg1: memref<24xi32, #tpu.memory_space<smem>>, %arg2: memref<24xi32, #tpu.memory_space<smem>>) -> (i32, i32) {
    %c0_i32 = arith.constant 0 : i32
    %c0_i32_0 = arith.constant 0 : i32
    return %arg0, %c0_i32 : i32, i32
  }
}

module attributes {stable_mosaic.version = 14 : i64} {
  func.func @_combine_kernel(%arg0: i32, %arg1: memref<256x1024xf32, #tpu.memory_space<vmem>>, %arg2: memref<256x1xf32, #tpu.memory_space<vmem>>, %arg3: memref<256x1xf32, #tpu.memory_space<vmem>>, %arg4: memref<256x1024xf32, #tpu.memory_space<vmem>>, %arg5: memref<256x1024xf32, #tpu.memory_space<vmem>>, %arg6: memref<256x1024xf32, #tpu.memory_space<vmem>>) attributes {dimension_semantics = [#tpu.dimension_semantics<arbitrary>], iteration_bounds = array<i64: 8>, scalar_prefetch = 0 : i64, scratch_operands = 0 : i64, tpu.core_type = #tpu.core_type<tc>, window_params = [{transform_indices = @transform_0, window_bounds = array<i64: 256, 1024>}, {transform_indices = @transform_1, window_bounds = array<i64: 256, 1>}, {transform_indices = @transform_2, window_bounds = array<i64: 256, 1>}, {transform_indices = @transform_3, window_bounds = array<i64: 256, 1024>}, {transform_indices = @transform_4, window_bounds = array<i64: 256, 1024>}, {transform_indices = @transform_5, window_bounds = array<i64: 256, 1024>}]} {
    %get3A = arith.constant 0 : index
    %get3A_0 = arith.constant 0 : index
    %get3A_1 = vector.load %arg1[%get3A, %get3A_0] : memref<256x1024xf32, #tpu.memory_space<vmem>>, vector<256x1024xf32>
    %get3A_2 = arith.constant 0 : index
    %get3A_3 = arith.constant 0 : index
    %get3A_4 = vector.load %arg2[%get3A_2, %get3A_3] : memref<256x1xf32, #tpu.memory_space<vmem>>, vector<256x1xf32>
    %get3A_5 = arith.constant 0 : index
    %get3A_6 = arith.constant 0 : index
    %get3A_7 = vector.load %arg4[%get3A_5, %get3A_6] : memref<256x1024xf32, #tpu.memory_space<vmem>>, vector<256x1024xf32>
    %mul3A = vector.broadcast %get3A_4 : vector<256x1xf32> to vector<256x1024xf32>
    %mul3A_8 = arith.mulf %mul3A, %get3A_7 : vector<256x1024xf32>
    %add3A = arith.addf %get3A_1, %mul3A_8 : vector<256x1024xf32>
    %get3A_9 = arith.constant 0 : index
    %get3A_10 = arith.constant 0 : index
    %get3A_11 = vector.load %arg3[%get3A_9, %get3A_10] : memref<256x1xf32, #tpu.memory_space<vmem>>, vector<256x1xf32>
    %get3A_12 = arith.constant 0 : index
    %get3A_13 = arith.constant 0 : index
    %get3A_14 = vector.load %arg5[%get3A_12, %get3A_13] : memref<256x1024xf32, #tpu.memory_space<vmem>>, vector<256x1024xf32>
    %mul3A_15 = vector.broadcast %get3A_11 : vector<256x1xf32> to vector<256x1024xf32>
    %mul3A_16 = arith.mulf %mul3A_15, %get3A_14 : vector<256x1024xf32>
    %add3A_17 = arith.addf %add3A, %mul3A_16 : vector<256x1024xf32>
    %swap3A = arith.constant 0 : index
    %swap3A_18 = arith.constant 0 : index
    %swap3A_19 = vector.load %arg6[%swap3A, %swap3A_18] : memref<256x1024xf32, #tpu.memory_space<vmem>>, vector<256x1024xf32>
    tpu.vector_store %arg6[%swap3A, %swap3A_18], %add3A_17 {strides = array<i32>} : memref<256x1024xf32, #tpu.memory_space<vmem>>, vector<256x1024xf32>,
    return
  }
  func.func @transform_0(%arg0: i32) -> (i32, i32) {
    %c0_i32 = arith.constant 0 : i32
    %c0_i32_0 = arith.constant 0 : i32
    return %arg0, %c0_i32 : i32, i32
  }
  func.func @transform_1(%arg0: i32) -> (i32, i32) {
    %c0_i32 = arith.constant 0 : i32
    %c0_i32_0 = arith.constant 0 : i32
    return %arg0, %c0_i32 : i32, i32
  }
  func.func @transform_2(%arg0: i32) -> (i32, i32) {
    %c0_i32 = arith.constant 0 : i32
    %c0_i32_0 = arith.constant 0 : i32
    return %arg0, %c0_i32 : i32, i32
  }
  func.func @transform_3(%arg0: i32) -> (i32, i32) {
    %c0_i32 = arith.constant 0 : i32
    %c0_i32_0 = arith.constant 0 : i32
    return %arg0, %c0_i32 : i32, i32
  }
  func.func @transform_4(%arg0: i32) -> (i32, i32) {
    %c0_i32 = arith.constant 0 : i32
    %c0_i32_0 = arith.constant 0 : i32
    return %arg0, %c0_i32 : i32, i32
  }
  func.func @transform_5(%arg0: i32) -> (i32, i32) {
    %c0_i32 = arith.constant 0 : i32
    %c0_i32_0 = arith.constant 0 : i32
    return %arg0, %c0_i32 : i32, i32
  }
}

</mosaic_0001>

<sc_bundles>
// kernel: kernel.10.cloned.1.call-start
scs
__scs_entry_jumppad:
0x0: {  	(pc) =	sbr.rel $0x88, $3  }
0x1: {  	(tag) =	ssettag $0x0;
	lr =	simm.s32 $0x1  }
0x2: {  	[smem:$0x3F94] =	sst lr;
	_ =	strace $0xD0000000  }
0x3: {  	_ = 	snop  }
0x4: {  	_ = 	snop  }
0x5: {  	_ = 	snop  }
0x6: {  	_ = 	snop  }
0x7: {  	_ = 	snop  }
__scs_overlays_trampoline_lowered:
0x8: {  	[smem:$0x3FA3] =	sst s0  }
0x9: {  	[smem:$0x3FA4] =	sst s1  }
0xa: {  	[smem:$0x3FA5] =	sst s2  }
0xb: {  	[smem:$0x3FA6] =	sst s3  }
0xc: {  	[smem:$0x3FA7] =	sst s4  }
0xd: {  	[smem:$0x3FA8] =	sst s5  }
0xe: {  	[smem:$0x3FA9] =	sst s6  }
0xf: {  	[smem:$0x3FAA] =	sst s7  }
0x10: {  	[smem:$0x3FAB] =	sst s8  }
0x11: {  	[smem:$0x3FAC] =	sst s9;
	s0 =	simm.s32 @!p0 $0x0  }
0x12: {  	s1 =	sld [smem:$0x3F92];
	s0 =	simm.s32 @p0 $0x1  }
0x13: {  	[smem:$0x3FAD] =	sst s0;
	s0 =	simm.s32 @!p1 $0x0  }
0x14: {  	s2 =	sld [smem:$0x3F91];
	s0 =	simm.s32 @p1 $0x1  }
0x15: {  	[smem:$0x3FAE] =	sst s0;
	s0 =	simm.s32 @!p2 $0x0  }
0x16: {  	s3 =	sld [smem:$0x3FDB];
	s0 =	simm.s32 @p2 $0x1  }
0x17: {  	s4 =	simm.s32 $0x1BF5;
	[smem:$0x3FB0] =	sst s0  }
0x18: {  	s0 =	sld [smem:$0x3F93];
	_ =	swait.ge [sflag:s4], $0x0  }
0x19: {  	s7 =	sld [smem:$0x3F94]  }
0x1a: {  	s8 =	sadd.s32 $0xFFFFE003, lr  }
0x1b: {  	s9 =	sadd.s32 $0xFFFFFEF7, lr;
	s5 =	simm.s32 $0xFFFFFFFF;
	p2 =	slt.u32 s8, $0xFFFFF086  }
0x1c: {  	p1 =	slt.u32 s9, $0xF7A;
	s5 =	simm.s32 @!p2 $0x0  }
0x1d: {  	s5 =	simm.s32 @p1 $0x1;
	p0 =	seq.s32 s7, s2  }
0x1e: {  	s7 =	smul.u32 @!p0 $0xF7A, s2;
	p2 =	seq.s32 @!p0 s5, $0x0  }
0x1f: {  	s9 =	smul.u32 $0xF7A, s1;
	s8 =	simm.s32 @!p0 $0x1BF5;
	p2 =	por !p2, p0  }
0x20: {  	[sflag:s8] =	ssyncset.s32 @!p0 $0xFFFFF086;
	s6 =	sadd.s32 @!p0 s3, s7;
	s7 =	simm.s32 @!p0 $0x108  }
0x21: {  	s3 =	sadd.s32 s3, s9;
	s6 =	sadd.s32 @!p0 $0x88, s6;
	s7 =	simm.s32 @p2 $0x1082  }
0x22: {  	[simem:s7], [sflag:s8] =	dma.local @!p0 [hbm:s6], $0xF7A  }
0x23: {  	s9 =	sor.u32 $0xD0000000, s2;
	s6 =	simm.s32 $0x108;
	_ =	swait.ge @!p0 [sflag:s8], $0x0  }
0x24: {  	s3 =	sadd.s32 $0x88, s3;
	s6 =	simm.s32 @!p1 $0x1082;
	[sflag:s4] =	ssyncset.s32 $0xFFFFF086  }
0x25: {  	[simem:s6], [sflag:s4] =	dma.local [hbm:s3], $0xF7A  }
0x26: {  	[smem:$0x3F94] =	sst s1;
	(tag) =	ssettag s2;
	_ =	strace s9  }
0x27: {  	s1 =	sld [smem:$0x3FA4]  }
0x28: {  	s2 =	sld [smem:$0x3FA5]  }
0x29: {  	s4 =	sld [smem:$0x3FA7]  }
0x2a: {  	p0 =	seq.s32 s5, $0x0;
	s5 =	sld [smem:$0x3FA8]  }
0x2b: {  	s6 =	sld [smem:$0x3FA9]  }
0x2c: {  	s7 =	sld [smem:$0x3FAA]  }
0x2d: {  	s3 =	simm.s32 $0x108;
	s8 =	sld [smem:$0x3FAB]  }
0x2e: {  	s3 =	simm.s32 @!p0 $0x1082;
	s9 =	sld [smem:$0x3FAC]  }
0x2f: {  	lr =	sadd.s32 s0, s3;
	s0 =	sld [smem:$0x3FA3]  }
0x30: {  	s3 =	sld [smem:$0x3FA6]  }
0x31: {  	[smem:$0x3FAF] =	sst s10  }
0x32: {  	s10 =	sld [smem:$0x3FAD];
	_ =	sdelay $0x3  }
0x33: {  	p0 =	seq.s32 s10, $0x1;
	s10 =	sld [smem:$0x3FAF];
	_ =	sdelay $0x3  }
0x34: {  	[smem:$0x3FAF] =	sst s10  }
0x35: {  	s10 =	sld [smem:$0x3FAE];
	_ =	sdelay $0x3  }
0x36: {  	p1 =	seq.s32 s10, $0x1;
	s10 =	sld [smem:$0x3FAF];
	_ =	sdelay $0x3  }
0x37: {  	[smem:$0x3FAF] =	sst s10  }
0x38: {  	s10 =	sld [smem:$0x3FB0]  }
0x39: {  	_ = 	snop;
	(pc) =	sbr.ind lr, $3  }
0x3a: {  	_ = 	snop  }
0x3b: {  	_ = 	snop  }
0x3c: {  	p2 =	seq.s32 s10, $0x1;
	s10 =	sld [smem:$0x3FAF]  }
0x3d: {  	_ =	shalt  }
0x3e: {  	_ =	shalt  }
0x3f: {  	_ =	shalt  }
0x40: {  	_ =	shalt  }
0x41: {  	_ =	shalt  }
0x42: {  	_ =	shalt  }
0x43: {  	_ =	shalt  }
0x44: {  	_ =	shalt  }
0x45: {  	_ =	shalt  }
0x46: {  	_ =	shalt  }
0x47: {  	_ =	shalt  }
0x48: {  	_ =	shalt  }
0x49: {  	_ =	shalt  }
0x4a: {  	_ =	shalt  }
0x4b: {  	_ =	shalt  }
0x4c: {  	_ =	shalt  }
0x4d: {  	_ =	shalt  }
0x4e: {  	_ =	shalt  }
0x4f: {  	_ =	shalt  }
0x50: {  	_ =	shalt  }
0x51: {  	_ =	shalt  }
0x52: {  	_ =	shalt  }
0x53: {  	_ =	shalt  }
0x54: {  	_ =	shalt  }
0x55: {  	_ =	shalt  }
0x56: {  	_ =	shalt  }
0x57: {  	_ =	shalt  }
0x58: {  	_ =	shalt  }
0x59: {  	_ =	shalt  }
0x5a: {  	_ =	shalt  }
0x5b: {  	_ =	shalt  }
0x5c: {  	_ =	shalt  }
0x5d: {  	_ =	shalt  }
0x5e: {  	_ =	shalt  }
0x5f: {  	_ =	shalt  }
0x60: {  	_ =	shalt  }
0x61: {  	_ =	shalt  }
0x62: {  	_ =	shalt  }
0x63: {  	_ =	shalt  }
0x64: {  	_ =	shalt  }
0x65: {  	_ =	shalt  }
0x66: {  	_ =	shalt  }
0x67: {  	_ =	shalt  }
0x68: {  	_ =	shalt  }
0x69: {  	_ =	shalt  }
0x6a: {  	_ =	shalt  }
0x6b: {  	_ =	shalt  }
0x6c: {  	_ =	shalt  }
0x6d: {  	_ =	shalt  }
0x6e: {  	_ =	shalt  }
0x6f: {  	_ =	shalt  }
0x70: {  	_ =	shalt  }
0x71: {  	_ =	shalt  }
0x72: {  	_ =	shalt  }
0x73: {  	_ =	shalt  }
0x74: {  	_ =	shalt  }
0x75: {  	_ =	shalt  }
0x76: {  	_ =	shalt  }
0x77: {  	_ =	shalt  }
0x78: {  	_ =	shalt  }
0x79: {  	_ =	shalt  }
0x7a: {  	_ =	shalt  }
0x7b: {  	_ =	shalt  }
0x7c: {  	_ =	shalt  }
0x7d: {  	_ =	shalt  }
0x7e: {  	_ =	shalt  }
0x7f: {  	_ =	shalt  }
0x80: {  	_ =	shalt  }
0x81: {  	_ =	shalt  }
0x82: {  	_ =	shalt  }
0x83: {  	_ =	shalt  }
0x84: {  	_ =	shalt  }
0x85: {  	_ =	shalt  }
0x86: {  	_ =	shalt  }
0x87: {  	_ =	shalt  }
.Lfunc_end0:
.L_simem_size_0:
called_computation_lowered:
.L_overlay_start_0:
0x88: {  	s2 =	sld [smem:$0x3FD9]  }
0x89: {  	s3 =	sld [smem:$0x3FFE];
	_ =	sdelay $0x1  }
0x8a: {  	s1 =	srdreg.scid  }
0x8b: {  	s0 =	sand.u32 $0x1, s1  }
0x8c: {  	s16 =	sshll.u32 s0, $0xA;
	s2 =	sadd.s32 s3, s2  }
0x8d: {  	s2 =	sadd.s32 s2, s16  }
0x8e: {  	[smem:$0x3FBB] =	sst s2  }
0x8f: {  	_ = 	snop  }
0x90: {  	(tm) =	ssettm $0x1  }
0x91: {  	s17 =	sld [smem:$0x3FFB];
	_ =	sdelay $0x3  }
0x92: {  	_ =	strace s17  }
0x93: {  	s2 =	sld [smem:$0x3FFC];
	_ =	sdelay $0x3  }
0x94: {  	_ =	strace s2  }
0x95: {  	s2 =	sld [smem:$0x3FFD];
	_ =	sdelay $0x3  }
0x96: {  	_ =	strace s2  }
0x97: {  	_ =	strace $0x8FFFFFFF  }
0x98: {  	s18 =	sld [smem:$0x3FDB];
	_ =	sdelay $0x1  }
0x99: {  	s19 =	simm.s32 $_scs_section_size  }
0x9a: {  	s4 =	simm.s32 $_size__tile_overlayer_lowered;
	s5 =	simm.s32 $_tile_overlayer_lowered  }
0x9b: {  	s22 =	simm.s32 $0x1BFF;
	s21 =	sshll.u32 s5, $0x1;
	s2 =	sadd.s32 s19, s18  }
0x9c: {  	s6 =	simm.s32 $0x0;
	s20 =	sshll.u32 s4, $0x1;
	s4 =	sadd.s32 s21, s2  }
0x9d: {  	[timem:s6], [sflag:s22] =	dma.local [hbm:s4], s20  }
0x9e: {  	_ =	swait.ge [sflag:s22], s20  }
0x9f: {  	s3 =	ssub.s32 $0x0, s20;
	[sflag:s22] =	ssyncset.done $0x0  }
0xa0: {  	[sflag:s22] =	ssyncadd.s32 s3;
	_ =	sdelay $0x1  }
0xa1: {  	s23 =	simm.s32 $0x1B8B  }
0xa2: {  	_ =	swait.ge [sflag:s23], $0x1  }
0xa3: {  	[sflag:s23] =	ssyncset.done $0x0  }
0xa4: {  	s25 =	simm.s32 $0x1B8E;
	s24 =	sld [smem:$0x3FFE];
	[sflag:s23] =	ssyncadd.s32 $0xFFFFFFFF  }
0xa5: {  	s26 =	simm.s32 $execute0_lowered;
	[smem:$0x3FD2] =	sst s25  }
0xa6: {  	s4 =	sshll.u32 s26, $0x1;
	_ =	strace $0x80000046;
	[dreg:$0x1] =	wrdreg $0xFFFFFFFF  }
0xa7: {  	s28 =	simm.s32 $_size_execute0_lowered;
	s2 =	sadd.s32 s2, s4;
	[dreg:$0x0] =	wrdreg $0x0  }
0xa8: {  	s4 =	sshll.u32 s28, $0x1;
	[dreg:$0x2] =	wrdreg s2  }
0xa9: {  	[dreg:$0x3] =	wrdreg s4  }
0xaa: {  	[dreg:$0x4] =	wrdreg $0xC0  }
0xab: {  	_ =	task [dreg:s6], $0x5FFFF  }
0xac: {  	[dreg:$0x1] =	wrdreg $0xFFFFFFFF  }
0xad: {  	[dreg:$0x0] =	wrdreg $0x60  }
0xae: {  	[dreg:$0x2] =	wrdreg s24  }
0xaf: {  	[dreg:$0x3] =	wrdreg $0x9  }
0xb0: {  	_ =	task.clear_ibuf [dreg:s6], $0x4FFFF;
	_ =	strace $0x90000046  }
0xb1: {  	s29 =	simm.s32 $0x9;
	_ =	strace $0x80000048  }
0xb2: {  	_ =	swait.ge [sflag:s29], $0x1  }
0xb3: {  	[sflag:s29] =	ssyncadd.s32 $0xFFFFFFFF  }
0xb4: {  	_ =	strace $0x90000048  }
0xb5: {  	_ =	sfence  }
0xb6: {  	s30 =	sld [smem:$0x0];
	_ =	sdelay $0x2  }
0xb7: {  	s31 =	sshll.u32 s1, $0xD;
	s1 =	sshrl.u32 s1, $0x2  }
0xb8: {  	s3 =	sand.u32 $0x4000, s31;
	s1 =	sadd.s32 s1, s30  }
0xb9: {  	s0 =	sor.u32 s3, s0;
	s1 =	sshll.u32 s1, $0x11  }
0xba: {  	s0 =	sor.u32 s1, s0  }
0xbb: {  	s0 =	sadd.s32 $0x8F2B, s0  }
0xbc: {  	[sflag:s0] =	ssyncadd.remote.s32 $0x1  }
0xbd: {  	_ =	sfence.sel $0xFFFF  }
0xbe: {  	[dreg:$0x0] =	wrdreg $0xFFFFFFFF;
	(pc) =	sbr.abs _section_cstart, $3  }
0xbf: {  	[dreg:$0x1] =	wrdreg $0xFFFFFFFF  }
0xc0: {  	_ =	task.clear_ibuf [dreg:s6], $0x2FFFF;
	_ =	strace $0x9FFFFFFF  }
0xc1: {  	(tm) =	ssettm $0x7FFFFFFF  }
tec
execute0_lowered:
.L_overlay_start_1:
0x0: {  	(tag) =	ssettag $0x1  }
0x1: {  	s0 =	rddreg [dreg:$0x0];
	s1 =	srdreg.scid  }
0x2: {  	s2 =	simm.s32 $0x0;
	s3 =	stileid.u32;
	s28 =	simm.s32 $0x3100  }
0x3: {  	s29 =	simm.s32 $0x3900;
	s30 =	simm.s32 $0x4100;
	s31 =	simm.s32 $0x4900  }
0x4: {  	s11 =	simm.s32 $0x6900;
	s12 =	simm.s32 $0x7100;
	s13 =	simm.s32 $0x7900  }
0x5: {  	s1 =	sand.u32 $0x1, s1;
	[smem:$0x7FF] =	sst s2;
	s3 =	sshll.u32 s3, $0x8  }
0x6: {  	s5 =	sadd.s32 $0x51C00, s0;
	s6 =	sadd.s32 $0x1C00, s0;
	s4 =	sshll.u32 s1, $0x7  }
0x7: {  	_ =	strace $0x80000047;
	s1 =	ssub.s32 $0x2, s1;
	s4 =	sor.u32 s4, s3  }
0x8: {  	s3 =	sadd.s32 $0x51E00, s0;
	s8 =	sshrl.u32 s1, $0x1;
	s7 =	sshll.u32 s4, $0x7  }
0x9: {  	s9 =	sshrl.u32 s4, $0x3;
	s10 =	sor.u32 $0x20, s4;
	s1 =	ssub.s32 s1, s8  }
0xa: {  	s18 =	sor.u32 $0x40, s4;
	s4 =	sor.u32 $0x60, s4;
	s8 =	simm.s32 $0x5100  }
0xb: {  	s7 =	sand.u32 $0x3C000, s7;
	s14 =	sadd.s32 s5, s9;
	s15 =	sshll.u32 s10, $0x7  }
0xc: {  	s17 =	sshrl.u32 s10, $0x3;
	s20 =	sshll.u32 s18, $0x7;
	s22 =	sshrl.u32 s18, $0x3  }
0xd: {  	s23 =	sshll.u32 s4, $0x7;
	s26 =	sshrl.u32 s4, $0x3;
	s4 =	sadd.s32 $0x51F00, s0  }
0xe: {  	s9 =	simm.s32 $0x2;
	s10 =	simm.s32 $0x6100;
	s18 =	simm.s32 $0xA100  }
0xf: {  	s7 =	sadd.s32 s6, s7;
	[dreg:$0x3] =	wrdreg s14;
	s16 =	sand.u32 $0x3D000, s15  }
0x10: {  	s19 =	sadd.s32 s5, s17;
	s21 =	sand.u32 $0x3E000, s20;
	s24 =	sadd.s32 s5, s22  }
0x11: {  	s25 =	sand.u32 $0x3F000, s23;
	s22 =	simm.s32 $0x1100;
	s23 =	simm.s32 $0x1900  }
0x12: {  	s14 =	simm.s32 $0x80;
	s15 =	simm.s32 $0x8900;
	[dreg:$0x2] =	wrdreg s7  }
0x13: {  	s17 =	simm.s32 $0x9900;
	s7 =	sadd.s32 s6, s16;
	[dreg:$0x5] =	wrdreg s19  }
0x14: {  	[dreg:$0x7] =	wrdreg s24;
	s19 =	simm.s32 $0x1;
	s24 =	simm.s32 $0x2100  }
0x15: {  	s16 =	simm.s32 $0x9100;
	[dreg:$0x4] =	wrdreg s7;
	s7 =	sadd.s32 s6, s21  }
0x16: {  	s6 =	sadd.s32 s6, s25;
	s25 =	simm.s32 $0x100;
	[dreg:$0x6] =	wrdreg s7  }
0x17: {  	v2 =	vlaneseq.u32;
	s21 =	simm.s32 $0x900;
	[dreg:$0x8] =	wrdreg s6;
	s7 =	sadd.s32 s5, s26  }
0x18: {  	vm0 =	vmmov $0xffff;
	v1 =	vshrl.u32 v2, $0x3;
	s5 =	sadd.s32 $0x52000, s0;
	s6 =	sadd.s32 $0x52100, s0;
	s26 =	simm.s32 $0x2900  }
0x19: {  	v0 =	vand.u32 $0x7, v2;
	v2 =	vor.u32 $0x8, v2;
	v1 =	vmul.u32 $0x8, v1;
	[dreg:$0x9] =	wrdreg s7;
	s7 =	smax.u32 s1, $0x1;
	s1 =	simm.s32 $0x5900  }
.LBB2_1:
0x1a: {  	s20 =	rddreg [dreg:$0x2]  }
0x1b: {  	[tilespmem:s25], [sflag:$0x2] =	stream.linear.gather [hbm4b:s20+s2], $0x8000, $0x38;
	[tilespmem:$0x10100] =	vst v63  }
0x1c: {  	_ =	swait.ge [sflag:s9], $0x8000  }
0x1d: {  	[sflag:s9] =	ssyncset.done $0x0  }
0x1e: {  	s0 =	rddreg [dreg:$0x3];
	[sflag:s9] =	ssyncadd.s32 $0xFFFF8000  }
0x1f: {  	[tilespmem:s2], [sflag:$0x2] =	stream.linear.gather [hbm4b:s0+s2], $0x20, $0x38;
	[tilespmem:$0x10100] =	vst v63  }
0x20: {  	_ =	swait.ge [sflag:s9], $0x20  }
0x21: {  	[sflag:s9] =	ssyncset.done $0x0  }
0x22: {  	[sflag:s9] =	ssyncadd.s32 $0xFFFFFFE0  }
0x23: {  	v3 =	vld [tilespmem:$0x0];
	_ =	sdelay $0x4  }
0x24: {  	v4 =	vshll.u32 v3, $0x3  }
0x25: {  	v3 =	vand.u32 $0x7, v3;
	v4 =	vand.u32 $0xFFFFFFC0, v4  }
0x26: {  	v3 =	vor.u32 v3, v4  }
0x27: {  	v4 =	vperm.xlane v3, v0;
	_ =	sdelay $0x1  }
0x28: {  	v4 =	vadd.s32 v1, v4;
	_ =	sdelay $0x4  }
0x29: {  	[hbm4b:s3+s2] =	stream.indirect_vreg.scatter [tilespmem:s25], [sflag:$0x1], $0x80, v4, vm0, $0xb8;
	[tilespmem:$0x10100] =	vst v63  }
0x2a: {  	v3 =	vperm.xlane v3, v2  }
0x2b: {  	[hbm4b:s4+s2] =	stream.indirect_vreg.scatter [tilespmem:s21], [sflag:$0x1], $0x80, v4, vm0, $0xb8;
	[tilespmem:$0x10100] =	vst v63  }
0x2c: {  	v3 =	vadd.s32 v1, v3  }
0x2d: {  	[hbm4b:s5+s2] =	stream.indirect_vreg.scatter [tilespmem:s22], [sflag:$0x1], $0x80, v4, vm0, $0xb8;
	[tilespmem:$0x10100] =	vst v63  }
0x2e: {  	_ = 	snop  }
0x2f: {  	[hbm4b:s6+s2] =	stream.indirect_vreg.scatter [tilespmem:s23], [sflag:$0x1], $0x80, v4, vm0, $0xb8;
	[tilespmem:$0x10100] =	vst v63  }
0x30: {  	_ = 	snop  }
0x31: {  	[hbm4b:s3+s2] =	stream.indirect_vreg.scatter [tilespmem:s24], [sflag:$0x1], $0x80, v3, vm0, $0xb8;
	[tilespmem:$0x10100] =	vst v63  }
0x32: {  	_ = 	snop  }
0x33: {  	[hbm4b:s4+s2] =	stream.indirect_vreg.scatter [tilespmem:s26], [sflag:$0x1], $0x80, v3, vm0, $0xb8;
	[tilespmem:$0x10100] =	vst v63  }
0x34: {  	_ = 	snop  }
0x35: {  	[hbm4b:s5+s2] =	stream.indirect_vreg.scatter [tilespmem:s28], [sflag:$0x1], $0x80, v3, vm0, $0xb8;
	[tilespmem:$0x10100] =	vst v63  }
0x36: {  	_ = 	snop  }
0x37: {  	[hbm4b:s6+s2] =	stream.indirect_vreg.scatter [tilespmem:s29], [sflag:$0x1], $0x80, v3, vm0, $0xb8;
	[tilespmem:$0x10100] =	vst v63  }
0x38: {  	v3 =	vld [tilespmem:$0x10];
	_ =	sdelay $0x4  }
0x39: {  	v57 =	vshll.u32 v3, $0x3  }
0x3a: {  	v3 =	vand.u32 $0x7, v3;
	v4 =	vand.u32 $0xFFFFFFC0, v57  }
0x3b: {  	v3 =	vor.u32 v3, v4  }
0x3c: {  	v4 =	vperm.xlane v3, v0;
	_ =	sdelay $0x1  }
0x3d: {  	v4 =	vadd.s32 v1, v4;
	_ =	sdelay $0x4  }
0x3e: {  	[hbm4b:s3+s2] =	stream.indirect_vreg.scatter [tilespmem:s30], [sflag:$0x1], $0x80, v4, vm0, $0xb8;
	[tilespmem:$0x10100] =	vst v63  }
0x3f: {  	v3 =	vperm.xlane v3, v2  }
0x40: {  	[hbm4b:s4+s2] =	stream.indirect_vreg.scatter [tilespmem:s31], [sflag:$0x1], $0x80, v4, vm0, $0xb8;
	[tilespmem:$0x10100] =	vst v63  }
0x41: {  	v3 =	vadd.s32 v1, v3  }
0x42: {  	[hbm4b:s5+s2] =	stream.indirect_vreg.scatter [tilespmem:s8], [sflag:$0x1], $0x80, v4, vm0, $0xb8;
	[tilespmem:$0x10100] =	vst v63  }
0x43: {  	_ = 	snop  }
0x44: {  	[hbm4b:s6+s2] =	stream.indirect_vreg.scatter [tilespmem:s1], [sflag:$0x1], $0x80, v4, vm0, $0xb8;
	[tilespmem:$0x10100] =	vst v63  }
0x45: {  	_ = 	snop  }
0x46: {  	[hbm4b:s3+s2] =	stream.indirect_vreg.scatter [tilespmem:s10], [sflag:$0x1], $0x80, v3, vm0, $0xb8;
	[tilespmem:$0x10100] =	vst v63  }
0x47: {  	_ = 	snop  }
0x48: {  	[hbm4b:s4+s2] =	stream.indirect_vreg.scatter [tilespmem:s11], [sflag:$0x1], $0x80, v3, vm0, $0xb8;
	[tilespmem:$0x10100] =	vst v63  }
0x49: {  	_ = 	snop  }
0x4a: {  	[hbm4b:s5+s2] =	stream.indirect_vreg.scatter [tilespmem:s12], [sflag:$0x1], $0x80, v3, vm0, $0xb8;
	[tilespmem:$0x10100] =	vst v63  }
0x4b: {  	_ = 	snop  }
0x4c: {  	[hbm4b:s6+s2] =	stream.indirect_vreg.scatter [tilespmem:s13], [sflag:$0x1], $0x80, v3, vm0, $0xb8;
	[tilespmem:$0x10100] =	vst v63  }
0x4d: {  	s0 =	simm.s32 $0x8100;
	s20 =	rddreg [dreg:$0x4]  }
0x4e: {  	[tilespmem:s0], [sflag:$0x2] =	stream.linear.gather [hbm4b:s20+s2], $0x8000, $0x38;
	[tilespmem:$0x10100] =	vst v63  }
0x4f: {  	_ =	swait.ge [sflag:s9], $0x8000  }
0x50: {  	[sflag:s9] =	ssyncset.done $0x0  }
0x51: {  	s20 =	rddreg [dreg:$0x5];
	[sflag:s9] =	ssyncadd.s32 $0xFFFF8000  }
0x52: {  	[tilespmem:s14], [sflag:$0x2] =	stream.linear.gather [hbm4b:s20+s2], $0x20, $0x38;
	[tilespmem:$0x10100] =	vst v63  }
0x53: {  	_ =	swait.ge [sflag:s9], $0x20  }
0x54: {  	[sflag:s9] =	ssyncset.done $0x0  }
0x55: {  	[sflag:s9] =	ssyncadd.s32 $0xFFFFFFE0  }
0x56: {  	v3 =	vld [tilespmem:$0x80];
	_ =	sdelay $0x4  }
0x57: {  	v58 =	vshll.u32 v3, $0x3  }
0x58: {  	v3 =	vand.u32 $0x7, v3;
	v4 =	vand.u32 $0xFFFFFFC0, v58  }
0x59: {  	v3 =	vor.u32 v3, v4  }
0x5a: {  	v4 =	vperm.xlane v3, v0;
	_ =	sdelay $0x1  }
0x5b: {  	v4 =	vadd.s32 v1, v4;
	_ =	sdelay $0x4  }
0x5c: {  	[hbm4b:s3+s2] =	stream.indirect_vreg.scatter [tilespmem:s0], [sflag:$0x1], $0x80, v4, vm0, $0xb8;
	[tilespmem:$0x10100] =	vst v63  }
0x5d: {  	v3 =	vperm.xlane v3, v2  }
0x5e: {  	[hbm4b:s4+s2] =	stream.indirect_vreg.scatter [tilespmem:s15], [sflag:$0x1], $0x80, v4, vm0, $0xb8;
	[tilespmem:$0x10100] =	vst v63  }
0x5f: {  	v3 =	vadd.s32 v1, v3  }
0x60: {  	[hbm4b:s5+s2] =	stream.indirect_vreg.scatter [tilespmem:s16], [sflag:$0x1], $0x80, v4, vm0, $0xb8;
	[tilespmem:$0x10100] =	vst v63  }
0x61: {  	_ = 	snop  }
0x62: {  	[hbm4b:s6+s2] =	stream.indirect_vreg.scatter [tilespmem:s17], [sflag:$0x1], $0x80, v4, vm0, $0xb8;
	[tilespmem:$0x10100] =	vst v63  }
0x63: {  	_ = 	snop  }
0x64: {  	[hbm4b:s3+s2] =	stream.indirect_vreg.scatter [tilespmem:s18], [sflag:$0x1], $0x80, v3, vm0, $0xb8;
	[tilespmem:$0x10100] =	vst v63  }
0x65: {  	s20 =	simm.s32 $0xA900  }
0x66: {  	[hbm4b:s4+s2] =	stream.indirect_vreg.scatter [tilespmem:s20], [sflag:$0x1], $0x80, v3, vm0, $0xb8;
	[tilespmem:$0x10100] =	vst v63  }
0x67: {  	s20 =	simm.s32 $0xB100  }
0x68: {  	[hbm4b:s5+s2] =	stream.indirect_vreg.scatter [tilespmem:s20], [sflag:$0x1], $0x80, v3, vm0, $0xb8;
	[tilespmem:$0x10100] =	vst v63  }
0x69: {  	s20 =	simm.s32 $0xB900  }
0x6a: {  	[hbm4b:s6+s2] =	stream.indirect_vreg.scatter [tilespmem:s20], [sflag:$0x1], $0x80, v3, vm0, $0xb8;
	[tilespmem:$0x10100] =	vst v63  }
0x6b: {  	v3 =	vld [tilespmem:$0x90];
	_ =	sdelay $0x4  }
0x6c: {  	v59 =	vshll.u32 v3, $0x3  }
0x6d: {  	v3 =	vand.u32 $0x7, v3;
	v4 =	vand.u32 $0xFFFFFFC0, v59  }
0x6e: {  	v3 =	vor.u32 v3, v4  }
0x6f: {  	v4 =	vperm.xlane v3, v0;
	_ =	sdelay $0x1  }
0x70: {  	v4 =	vadd.s32 v1, v4;
	_ =	sdelay $0x3  }
0x71: {  	s20 =	simm.s32 $0xC100  }
0x72: {  	[hbm4b:s3+s2] =	stream.indirect_vreg.scatter [tilespmem:s20], [sflag:$0x1], $0x80, v4, vm0, $0xb8;
	[tilespmem:$0x10100] =	vst v63  }
0x73: {  	v3 =	vperm.xlane v3, v2;
	s20 =	simm.s32 $0xC900  }
0x74: {  	[hbm4b:s4+s2] =	stream.indirect_vreg.scatter [tilespmem:s20], [sflag:$0x1], $0x80, v4, vm0, $0xb8;
	[tilespmem:$0x10100] =	vst v63  }
0x75: {  	v3 =	vadd.s32 v1, v3;
	s20 =	simm.s32 $0xD100  }
0x76: {  	[hbm4b:s5+s2] =	stream.indirect_vreg.scatter [tilespmem:s20], [sflag:$0x1], $0x80, v4, vm0, $0xb8;
	[tilespmem:$0x10100] =	vst v63  }
0x77: {  	s20 =	simm.s32 $0xD900  }
0x78: {  	[hbm4b:s6+s2] =	stream.indirect_vreg.scatter [tilespmem:s20], [sflag:$0x1], $0x80, v4, vm0, $0xb8;
	[tilespmem:$0x10100] =	vst v63  }
0x79: {  	s20 =	simm.s32 $0xE100  }
0x7a: {  	[hbm4b:s3+s2] =	stream.indirect_vreg.scatter [tilespmem:s20], [sflag:$0x1], $0x80, v3, vm0, $0xb8;
	[tilespmem:$0x10100] =	vst v63  }
0x7b: {  	s20 =	simm.s32 $0xE900  }
0x7c: {  	[hbm4b:s4+s2] =	stream.indirect_vreg.scatter [tilespmem:s20], [sflag:$0x1], $0x80, v3, vm0, $0xb8;
	[tilespmem:$0x10100] =	vst v63  }
0x7d: {  	s20 =	simm.s32 $0xF100  }
0x7e: {  	[hbm4b:s5+s2] =	stream.indirect_vreg.scatter [tilespmem:s20], [sflag:$0x1], $0x80, v3, vm0, $0xb8;
	[tilespmem:$0x10100] =	vst v63  }
0x7f: {  	s20 =	simm.s32 $0xF900  }
0x80: {  	[hbm4b:s6+s2] =	stream.indirect_vreg.scatter [tilespmem:s20], [sflag:$0x1], $0x80, v3, vm0, $0xb8;
	[tilespmem:$0x10100] =	vst v63  }
0x81: {  	_ =	swait.ge [sflag:s19], $0x8000  }
0x82: {  	[sflag:s19] =	ssyncset.done $0x0  }
0x83: {  	s20 =	rddreg [dreg:$0x6];
	[sflag:s19] =	ssyncadd.s32 $0xFFFF8000  }
0x84: {  	[tilespmem:s25], [sflag:$0x2] =	stream.linear.gather [hbm4b:s20+s2], $0x8000, $0x38;
	[tilespmem:$0x10100] =	vst v63  }
0x85: {  	_ =	swait.ge [sflag:s9], $0x8000  }
0x86: {  	[sflag:s9] =	ssyncset.done $0x0  }
0x87: {  	s20 =	rddreg [dreg:$0x7];
	[sflag:s9] =	ssyncadd.s32 $0xFFFF8000  }
0x88: {  	[tilespmem:s2], [sflag:$0x2] =	stream.linear.gather [hbm4b:s20+s2], $0x20, $0x38;
	[tilespmem:$0x10100] =	vst v63  }
0x89: {  	_ =	swait.ge [sflag:s9], $0x20  }
0x8a: {  	[sflag:s9] =	ssyncset.done $0x0  }
0x8b: {  	[sflag:s9] =	ssyncadd.s32 $0xFFFFFFE0  }
0x8c: {  	v3 =	vld [tilespmem:$0x0];
	_ =	sdelay $0x4  }
0x8d: {  	v60 =	vshll.u32 v3, $0x3  }
0x8e: {  	v3 =	vand.u32 $0x7, v3;
	v4 =	vand.u32 $0xFFFFFFC0, v60  }
0x8f: {  	v3 =	vor.u32 v3, v4  }
0x90: {  	v4 =	vperm.xlane v3, v0;
	_ =	sdelay $0x1  }
0x91: {  	v4 =	vadd.s32 v1, v4;
	_ =	sdelay $0x4  }
0x92: {  	[hbm4b:s3+s2] =	stream.indirect_vreg.scatter [tilespmem:s25], [sflag:$0x1], $0x80, v4, vm0, $0xb8;
	[tilespmem:$0x10100] =	vst v63  }
0x93: {  	v3 =	vperm.xlane v3, v2  }
0x94: {  	[hbm4b:s4+s2] =	stream.indirect_vreg.scatter [tilespmem:s21], [sflag:$0x1], $0x80, v4, vm0, $0xb8;
	[tilespmem:$0x10100] =	vst v63  }
0x95: {  	v3 =	vadd.s32 v1, v3  }
0x96: {  	[hbm4b:s5+s2] =	stream.indirect_vreg.scatter [tilespmem:s22], [sflag:$0x1], $0x80, v4, vm0, $0xb8;
	[tilespmem:$0x10100] =	vst v63  }
0x97: {  	_ = 	snop  }
0x98: {  	[hbm4b:s6+s2] =	stream.indirect_vreg.scatter [tilespmem:s23], [sflag:$0x1], $0x80, v4, vm0, $0xb8;
	[tilespmem:$0x10100] =	vst v63  }
0x99: {  	_ = 	snop  }
0x9a: {  	[hbm4b:s3+s2] =	stream.indirect_vreg.scatter [tilespmem:s24], [sflag:$0x1], $0x80, v3, vm0, $0xb8;
	[tilespmem:$0x10100] =	vst v63  }
0x9b: {  	_ = 	snop  }
0x9c: {  	[hbm4b:s4+s2] =	stream.indirect_vreg.scatter [tilespmem:s26], [sflag:$0x1], $0x80, v3, vm0, $0xb8;
	[tilespmem:$0x10100] =	vst v63  }
0x9d: {  	_ = 	snop  }
0x9e: {  	[hbm4b:s5+s2] =	stream.indirect_vreg.scatter [tilespmem:s28], [sflag:$0x1], $0x80, v3, vm0, $0xb8;
	[tilespmem:$0x10100] =	vst v63  }
0x9f: {  	_ = 	snop  }
0xa0: {  	[hbm4b:s6+s2] =	stream.indirect_vreg.scatter [tilespmem:s29], [sflag:$0x1], $0x80, v3, vm0, $0xb8;
	[tilespmem:$0x10100] =	vst v63  }
0xa1: {  	v3 =	vld [tilespmem:$0x10];
	_ =	sdelay $0x4  }
0xa2: {  	v61 =	vshll.u32 v3, $0x3  }
0xa3: {  	v3 =	vand.u32 $0x7, v3;
	v4 =	vand.u32 $0xFFFFFFC0, v61  }
0xa4: {  	v3 =	vor.u32 v3, v4  }
0xa5: {  	v4 =	vperm.xlane v3, v0;
	_ =	sdelay $0x1  }
0xa6: {  	v4 =	vadd.s32 v1, v4;
	_ =	sdelay $0x4  }
0xa7: {  	[hbm4b:s3+s2] =	stream.indirect_vreg.scatter [tilespmem:s30], [sflag:$0x1], $0x80, v4, vm0, $0xb8;
	[tilespmem:$0x10100] =	vst v63  }
0xa8: {  	v3 =	vperm.xlane v3, v2  }
0xa9: {  	[hbm4b:s4+s2] =	stream.indirect_vreg.scatter [tilespmem:s31], [sflag:$0x1], $0x80, v4, vm0, $0xb8;
	[tilespmem:$0x10100] =	vst v63  }
0xaa: {  	v3 =	vadd.s32 v1, v3  }
0xab: {  	[hbm4b:s5+s2] =	stream.indirect_vreg.scatter [tilespmem:s8], [sflag:$0x1], $0x80, v4, vm0, $0xb8;
	[tilespmem:$0x10100] =	vst v63  }
0xac: {  	_ = 	snop  }
0xad: {  	[hbm4b:s6+s2] =	stream.indirect_vreg.scatter [tilespmem:s1], [sflag:$0x1], $0x80, v4, vm0, $0xb8;
	[tilespmem:$0x10100] =	vst v63  }
0xae: {  	_ = 	snop  }
0xaf: {  	[hbm4b:s3+s2] =	stream.indirect_vreg.scatter [tilespmem:s10], [sflag:$0x1], $0x80, v3, vm0, $0xb8;
	[tilespmem:$0x10100] =	vst v63  }
0xb0: {  	_ = 	snop  }
0xb1: {  	[hbm4b:s4+s2] =	stream.indirect_vreg.scatter [tilespmem:s11], [sflag:$0x1], $0x80, v3, vm0, $0xb8;
	[tilespmem:$0x10100] =	vst v63  }
0xb2: {  	_ = 	snop  }
0xb3: {  	[hbm4b:s5+s2] =	stream.indirect_vreg.scatter [tilespmem:s12], [sflag:$0x1], $0x80, v3, vm0, $0xb8;
	[tilespmem:$0x10100] =	vst v63  }
0xb4: {  	_ = 	snop  }
0xb5: {  	[hbm4b:s6+s2] =	stream.indirect_vreg.scatter [tilespmem:s13], [sflag:$0x1], $0x80, v3, vm0, $0xb8;
	[tilespmem:$0x10100] =	vst v63  }
0xb6: {  	_ =	swait.ge [sflag:s19], $0x8000  }
0xb7: {  	[sflag:s19] =	ssyncset.done $0x0  }
0xb8: {  	s20 =	rddreg [dreg:$0x8];
	[sflag:s19] =	ssyncadd.s32 $0xFFFF8000  }
0xb9: {  	[tilespmem:s0], [sflag:$0x2] =	stream.linear.gather [hbm4b:s20+s2], $0x8000, $0x38;
	[tilespmem:$0x10100] =	vst v63  }
0xba: {  	_ =	swait.ge [sflag:s9], $0x8000  }
0xbb: {  	[sflag:s9] =	ssyncset.done $0x0  }
0xbc: {  	s20 =	rddreg [dreg:$0x9];
	[sflag:s9] =	ssyncadd.s32 $0xFFFF8000  }
0xbd: {  	[tilespmem:s14], [sflag:$0x2] =	stream.linear.gather [hbm4b:s20+s2], $0x20, $0x38;
	[tilespmem:$0x10100] =	vst v63  }
0xbe: {  	_ =	swait.ge [sflag:s9], $0x20  }
0xbf: {  	[sflag:s9] =	ssyncset.done $0x0  }
0xc0: {  	[sflag:s9] =	ssyncadd.s32 $0xFFFFFFE0  }
0xc1: {  	v3 =	vld [tilespmem:$0x80];
	_ =	sdelay $0x4  }
0xc2: {  	v62 =	vshll.u32 v3, $0x3  }
0xc3: {  	v3 =	vand.u32 $0x7, v3;
	v4 =	vand.u32 $0xFFFFFFC0, v62  }
0xc4: {  	v3 =	vor.u32 v3, v4  }
0xc5: {  	v4 =	vperm.xlane v3, v0;
	_ =	sdelay $0x1  }
0xc6: {  	v4 =	vadd.s32 v1, v4;
	_ =	sdelay $0x4  }
0xc7: {  	[hbm4b:s3+s2] =	stream.indirect_vreg.scatter [tilespmem:s0], [sflag:$0x1], $0x80, v4, vm0, $0xb8;
	[tilespmem:$0x10100] =	vst v63  }
0xc8: {  	v3 =	vperm.xlane v3, v2  }
0xc9: {  	[hbm4b:s4+s2] =	stream.indirect_vreg.scatter [tilespmem:s15], [sflag:$0x1], $0x80, v4, vm0, $0xb8;
	[tilespmem:$0x10100] =	vst v63  }
0xca: {  	v3 =	vadd.s32 v1, v3  }
0xcb: {  	[hbm4b:s5+s2] =	stream.indirect_vreg.scatter [tilespmem:s16], [sflag:$0x1], $0x80, v4, vm0, $0xb8;
	[tilespmem:$0x10100] =	vst v63  }
0xcc: {  	_ = 	snop  }
0xcd: {  	[hbm4b:s6+s2] =	stream.indirect_vreg.scatter [tilespmem:s17], [sflag:$0x1], $0x80, v4, vm0, $0xb8;
	[tilespmem:$0x10100] =	vst v63  }
0xce: {  	_ = 	snop  }
0xcf: {  	[hbm4b:s3+s2] =	stream.indirect_vreg.scatter [tilespmem:s18], [sflag:$0x1], $0x80, v3, vm0, $0xb8;
	[tilespmem:$0x10100] =	vst v63  }
0xd0: {  	s20 =	simm.s32 $0xA900  }
0xd1: {  	[hbm4b:s4+s2] =	stream.indirect_vreg.scatter [tilespmem:s20], [sflag:$0x1], $0x80, v3, vm0, $0xb8;
	[tilespmem:$0x10100] =	vst v63  }
0xd2: {  	s20 =	simm.s32 $0xB100  }
0xd3: {  	[hbm4b:s5+s2] =	stream.indirect_vreg.scatter [tilespmem:s20], [sflag:$0x1], $0x80, v3, vm0, $0xb8;
	[tilespmem:$0x10100] =	vst v63  }
0xd4: {  	s20 =	simm.s32 $0xB900  }
0xd5: {  	[hbm4b:s6+s2] =	stream.indirect_vreg.scatter [tilespmem:s20], [sflag:$0x1], $0x80, v3, vm0, $0xb8;
	[tilespmem:$0x10100] =	vst v63  }
0xd6: {  	v3 =	vld [tilespmem:$0x90];
	_ =	sdelay $0x4  }
0xd7: {  	v63 =	vshll.u32 v3, $0x3  }
0xd8: {  	v3 =	vand.u32 $0x7, v3;
	v4 =	vand.u32 $0xFFFFFFC0, v63  }
0xd9: {  	v3 =	vor.u32 v3, v4  }
0xda: {  	v4 =	vperm.xlane v3, v0;
	_ =	sdelay $0x1  }
0xdb: {  	v4 =	vadd.s32 v1, v4;
	_ =	sdelay $0x3  }
0xdc: {  	s20 =	simm.s32 $0xC100  }
0xdd: {  	[hbm4b:s3+s2] =	stream.indirect_vreg.scatter [tilespmem:s20], [sflag:$0x1], $0x80, v4, vm0, $0xb8;
	[tilespmem:$0x10100] =	vst v63  }
0xde: {  	v3 =	vperm.xlane v3, v2;
	s20 =	simm.s32 $0xC900  }
0xdf: {  	[hbm4b:s4+s2] =	stream.indirect_vreg.scatter [tilespmem:s20], [sflag:$0x1], $0x80, v4, vm0, $0xb8;
	[tilespmem:$0x10100] =	vst v63  }
0xe0: {  	v3 =	vadd.s32 v1, v3;
	s20 =	simm.s32 $0xD100  }
0xe1: {  	[hbm4b:s5+s2] =	stream.indirect_vreg.scatter [tilespmem:s20], [sflag:$0x1], $0x80, v4, vm0, $0xb8;
	[tilespmem:$0x10100] =	vst v63  }
0xe2: {  	s20 =	simm.s32 $0xD900  }
0xe3: {  	[hbm4b:s6+s2] =	stream.indirect_vreg.scatter [tilespmem:s20], [sflag:$0x1], $0x80, v4, vm0, $0xb8;
	[tilespmem:$0x10100] =	vst v63  }
0xe4: {  	s20 =	simm.s32 $0xE100  }
0xe5: {  	[hbm4b:s3+s2] =	stream.indirect_vreg.scatter [tilespmem:s20], [sflag:$0x1], $0x80, v3, vm0, $0xb8;
	[tilespmem:$0x10100] =	vst v63  }
0xe6: {  	s20 =	simm.s32 $0xE900  }
0xe7: {  	[hbm4b:s4+s2] =	stream.indirect_vreg.scatter [tilespmem:s20], [sflag:$0x1], $0x80, v3, vm0, $0xb8;
	[tilespmem:$0x10100] =	vst v63  }
0xe8: {  	s20 =	simm.s32 $0xF100  }
0xe9: {  	[hbm4b:s5+s2] =	stream.indirect_vreg.scatter [tilespmem:s20], [sflag:$0x1], $0x80, v3, vm0, $0xb8;
	[tilespmem:$0x10100] =	vst v63  }
0xea: {  	s20 =	simm.s32 $0xF900  }
0xeb: {  	[hbm4b:s6+s2] =	stream.indirect_vreg.scatter [tilespmem:s20], [sflag:$0x1], $0x80, v3, vm0, $0xb8;
	[tilespmem:$0x10100] =	vst v63  }
0xec: {  	p0 =	sne.s32 s7, $0x1;
	_ =	swait.ge [sflag:s19], $0x8000  }
.Ltmp0:
0xed: {  	[sflag:s19] =	ssyncset.done $0x0;
	(pc) =	sbr.rel @p0 .LBB2_1-.Ltmp0, $4  }
0xee: {  	[sflag:s19] =	ssyncadd.s32 $0xFFFF8000  }
0xef: {  	_ =	swait.ge [sflag:s19], $0x8000  }
0xf0: {  	[sflag:s19] =	ssyncset.done $0x0  }
0xf1: {  	s7 =	sadd.s32 $0xFFFFFFFF, s7;
	[sflag:s19] =	ssyncadd.s32 $0xFFFF8000  }
0xf2: {  	_ =	sfence.sel $0x180000  }
0xf3: {  	[bflag:$0x0] =	sbarrier.arrive $0xFFFF  }
0xf4: {  	_ =	strace $0x90000047  }
0xf5: {  	s0 =	stileid.u32;
	[bflag:$0x2] =	sbarrier.arrive $0xFFFF  }
0xf6: {  	p0 =	sne.s32 s0, $0x0;
	s0 =	rddreg [dreg:$0x1]  }
0xf7: {  	s0 =	sadd.s32 @!p0 $0x100000, s0  }
0xf8: {  	[sflag:s0] =	ssyncadd.tile.s32 @!p0 $0x1;
	_ =	shalt  }
.Lfunc_end2:
_tile_overlayer_lowered:
.L_overlay_start_2:
0xf9: {  	(tag) =	ssettag $0x2  }
0xfa: {  	s0 =	rddreg [dreg:$0x0];
	s2 =	stileid.u32  }
0xfb: {  	s1 =	rddreg [dreg:$0x1];
	p0 =	sne.s32 s2, $0x0  }
0xfc: {  	s3 =	rddreg [dreg:$0x2];
	[bflag:$0x3] =	sbarrier.arrive $0xFFFF;
	s2 =	simm.s32 @!p0 $0x1C02  }
0xfd: {  	[timem:s3], [sflag:s2] =	dma.local @!p0 [hbm:s0], s1  }
0xfe: {  	s0 =	simm.s32 @!p0 $0x2  }
0xff: {  	_ =	swait.ge @!p0 [sflag:s0], s1  }
0x100: {  	s1 =	ssub.s32 @!p0 $0x0, s1;
	[sflag:s0] =	ssyncset.done @!p0 $0x0  }
0x101: {  	[sflag:s0] =	ssyncadd.s32 @!p0 s1  }
0x102: {  	[bflag:$0x3] =	sbarrier.arrive $0xFFFF  }
0x103: {  	_ =	shalt  }

// kernel: kernel.13.cloned.1.call-start
scs
__scs_entry_jumppad:
0x0: {  	(pc) =	sbr.rel $0x88, $3  }
0x1: {  	(tag) =	ssettag $0x0;
	lr =	simm.s32 $0x1  }
0x2: {  	[smem:$0x3F94] =	sst lr;
	_ =	strace $0xD0000000  }
0x3: {  	_ = 	snop  }
0x4: {  	_ = 	snop  }
0x5: {  	_ = 	snop  }
0x6: {  	_ = 	snop  }
0x7: {  	_ = 	snop  }
__scs_overlays_trampoline_lowered:
0x8: {  	[smem:$0x3FA3] =	sst s0  }
0x9: {  	[smem:$0x3FA4] =	sst s1  }
0xa: {  	[smem:$0x3FA5] =	sst s2  }
0xb: {  	[smem:$0x3FA6] =	sst s3  }
0xc: {  	[smem:$0x3FA7] =	sst s4  }
0xd: {  	[smem:$0x3FA8] =	sst s5  }
0xe: {  	[smem:$0x3FA9] =	sst s6  }
0xf: {  	[smem:$0x3FAA] =	sst s7  }
0x10: {  	[smem:$0x3FAB] =	sst s8  }
0x11: {  	[smem:$0x3FAC] =	sst s9;
	s0 =	simm.s32 @!p0 $0x0  }
0x12: {  	s1 =	sld [smem:$0x3F92];
	s0 =	simm.s32 @p0 $0x1  }
0x13: {  	[smem:$0x3FAD] =	sst s0;
	s0 =	simm.s32 @!p1 $0x0  }
0x14: {  	s2 =	sld [smem:$0x3F91];
	s0 =	simm.s32 @p1 $0x1  }
0x15: {  	[smem:$0x3FAE] =	sst s0;
	s0 =	simm.s32 @!p2 $0x0  }
0x16: {  	s3 =	sld [smem:$0x3FDB];
	s0 =	simm.s32 @p2 $0x1  }
0x17: {  	s4 =	simm.s32 $0x1BF5;
	[smem:$0x3FB0] =	sst s0  }
0x18: {  	s0 =	sld [smem:$0x3F93];
	_ =	swait.ge [sflag:s4], $0x0  }
0x19: {  	s7 =	sld [smem:$0x3F94]  }
0x1a: {  	s8 =	sadd.s32 $0xFFFFE003, lr  }
0x1b: {  	s9 =	sadd.s32 $0xFFFFFEF7, lr;
	s5 =	simm.s32 $0xFFFFFFFF;
	p2 =	slt.u32 s8, $0xFFFFF086  }
0x1c: {  	p1 =	slt.u32 s9, $0xF7A;
	s5 =	simm.s32 @!p2 $0x0  }
0x1d: {  	s5 =	simm.s32 @p1 $0x1;
	p0 =	seq.s32 s7, s2  }
0x1e: {  	s7 =	smul.u32 @!p0 $0xF7A, s2;
	p2 =	seq.s32 @!p0 s5, $0x0  }
0x1f: {  	s9 =	smul.u32 $0xF7A, s1;
	s8 =	simm.s32 @!p0 $0x1BF5;
	p2 =	por !p2, p0  }
0x20: {  	[sflag:s8] =	ssyncset.s32 @!p0 $0xFFFFF086;
	s6 =	sadd.s32 @!p0 s3, s7;
	s7 =	simm.s32 @!p0 $0x108  }
0x21: {  	s3 =	sadd.s32 s3, s9;
	s6 =	sadd.s32 @!p0 $0x88, s6;
	s7 =	simm.s32 @p2 $0x1082  }
0x22: {  	[simem:s7], [sflag:s8] =	dma.local @!p0 [hbm:s6], $0xF7A  }
0x23: {  	s9 =	sor.u32 $0xD0000000, s2;
	s6 =	simm.s32 $0x108;
	_ =	swait.ge @!p0 [sflag:s8], $0x0  }
0x24: {  	s3 =	sadd.s32 $0x88, s3;
	s6 =	simm.s32 @!p1 $0x1082;
	[sflag:s4] =	ssyncset.s32 $0xFFFFF086  }
0x25: {  	[simem:s6], [sflag:s4] =	dma.local [hbm:s3], $0xF7A  }
0x26: {  	[smem:$0x3F94] =	sst s1;
	(tag) =	ssettag s2;
	_ =	strace s9  }
0x27: {  	s1 =	sld [smem:$0x3FA4]  }
0x28: {  	s2 =	sld [smem:$0x3FA5]  }
0x29: {  	s4 =	sld [smem:$0x3FA7]  }
0x2a: {  	p0 =	seq.s32 s5, $0x0;
	s5 =	sld [smem:$0x3FA8]  }
0x2b: {  	s6 =	sld [smem:$0x3FA9]  }
0x2c: {  	s7 =	sld [smem:$0x3FAA]  }
0x2d: {  	s3 =	simm.s32 $0x108;
	s8 =	sld [smem:$0x3FAB]  }
0x2e: {  	s3 =	simm.s32 @!p0 $0x1082;
	s9 =	sld [smem:$0x3FAC]  }
0x2f: {  	lr =	sadd.s32 s0, s3;
	s0 =	sld [smem:$0x3FA3]  }
0x30: {  	s3 =	sld [smem:$0x3FA6]  }
0x31: {  	[smem:$0x3FAF] =	sst s10  }
0x32: {  	s10 =	sld [smem:$0x3FAD];
	_ =	sdelay $0x3  }
0x33: {  	p0 =	seq.s32 s10, $0x1;
	s10 =	sld [smem:$0x3FAF];
	_ =	sdelay $0x3  }
0x34: {  	[smem:$0x3FAF] =	sst s10  }
0x35: {  	s10 =	sld [smem:$0x3FAE];
	_ =	sdelay $0x3  }
0x36: {  	p1 =	seq.s32 s10, $0x1;
	s10 =	sld [smem:$0x3FAF];
	_ =	sdelay $0x3  }
0x37: {  	[smem:$0x3FAF] =	sst s10  }
0x38: {  	s10 =	sld [smem:$0x3FB0]  }
0x39: {  	_ = 	snop;
	(pc) =	sbr.ind lr, $3  }
0x3a: {  	_ = 	snop  }
0x3b: {  	_ = 	snop  }
0x3c: {  	p2 =	seq.s32 s10, $0x1;
	s10 =	sld [smem:$0x3FAF]  }
0x3d: {  	_ =	shalt  }
0x3e: {  	_ =	shalt  }
0x3f: {  	_ =	shalt  }
0x40: {  	_ =	shalt  }
0x41: {  	_ =	shalt  }
0x42: {  	_ =	shalt  }
0x43: {  	_ =	shalt  }
0x44: {  	_ =	shalt  }
0x45: {  	_ =	shalt  }
0x46: {  	_ =	shalt  }
0x47: {  	_ =	shalt  }
0x48: {  	_ =	shalt  }
0x49: {  	_ =	shalt  }
0x4a: {  	_ =	shalt  }
0x4b: {  	_ =	shalt  }
0x4c: {  	_ =	shalt  }
0x4d: {  	_ =	shalt  }
0x4e: {  	_ =	shalt  }
0x4f: {  	_ =	shalt  }
0x50: {  	_ =	shalt  }
0x51: {  	_ =	shalt  }
0x52: {  	_ =	shalt  }
0x53: {  	_ =	shalt  }
0x54: {  	_ =	shalt  }
0x55: {  	_ =	shalt  }
0x56: {  	_ =	shalt  }
0x57: {  	_ =	shalt  }
0x58: {  	_ =	shalt  }
0x59: {  	_ =	shalt  }
0x5a: {  	_ =	shalt  }
0x5b: {  	_ =	shalt  }
0x5c: {  	_ =	shalt  }
0x5d: {  	_ =	shalt  }
0x5e: {  	_ =	shalt  }
0x5f: {  	_ =	shalt  }
0x60: {  	_ =	shalt  }
0x61: {  	_ =	shalt  }
0x62: {  	_ =	shalt  }
0x63: {  	_ =	shalt  }
0x64: {  	_ =	shalt  }
0x65: {  	_ =	shalt  }
0x66: {  	_ =	shalt  }
0x67: {  	_ =	shalt  }
0x68: {  	_ =	shalt  }
0x69: {  	_ =	shalt  }
0x6a: {  	_ =	shalt  }
0x6b: {  	_ =	shalt  }
0x6c: {  	_ =	shalt  }
0x6d: {  	_ =	shalt  }
0x6e: {  	_ =	shalt  }
0x6f: {  	_ =	shalt  }
0x70: {  	_ =	shalt  }
0x71: {  	_ =	shalt  }
0x72: {  	_ =	shalt  }
0x73: {  	_ =	shalt  }
0x74: {  	_ =	shalt  }
0x75: {  	_ =	shalt  }
0x76: {  	_ =	shalt  }
0x77: {  	_ =	shalt  }
0x78: {  	_ =	shalt  }
0x79: {  	_ =	shalt  }
0x7a: {  	_ =	shalt  }
0x7b: {  	_ =	shalt  }
0x7c: {  	_ =	shalt  }
0x7d: {  	_ =	shalt  }
0x7e: {  	_ =	shalt  }
0x7f: {  	_ =	shalt  }
0x80: {  	_ =	shalt  }
0x81: {  	_ =	shalt  }
0x82: {  	_ =	shalt  }
0x83: {  	_ =	shalt  }
0x84: {  	_ =	shalt  }
0x85: {  	_ =	shalt  }
0x86: {  	_ =	shalt  }
0x87: {  	_ =	shalt  }
.Lfunc_end0:
.L_simem_size_0:
called_computation.1_lowered:
.L_overlay_start_0:
0x88: {  	s2 =	sld [smem:$0x3FD9]  }
0x89: {  	s3 =	sld [smem:$0x3FFE];
	_ =	sdelay $0x1  }
0x8a: {  	s1 =	srdreg.scid  }
0x8b: {  	s0 =	sand.u32 $0x1, s1  }
0x8c: {  	s16 =	sshll.u32 s0, $0xA;
	s2 =	sadd.s32 s3, s2  }
0x8d: {  	s2 =	sadd.s32 s2, s16  }
0x8e: {  	[smem:$0x3FBB] =	sst s2  }
0x8f: {  	_ = 	snop  }
0x90: {  	(tm) =	ssettm $0x1  }
0x91: {  	s17 =	sld [smem:$0x3FFB];
	_ =	sdelay $0x3  }
0x92: {  	_ =	strace s17  }
0x93: {  	s2 =	sld [smem:$0x3FFC];
	_ =	sdelay $0x3  }
0x94: {  	_ =	strace s2  }
0x95: {  	s2 =	sld [smem:$0x3FFD];
	_ =	sdelay $0x3  }
0x96: {  	_ =	strace s2  }
0x97: {  	_ =	strace $0x8FFFFFFF  }
0x98: {  	s18 =	sld [smem:$0x3FDB];
	_ =	sdelay $0x1  }
0x99: {  	s19 =	simm.s32 $_scs_section_size  }
0x9a: {  	s4 =	simm.s32 $_size__tile_overlayer_lowered;
	s5 =	simm.s32 $_tile_overlayer_lowered  }
0x9b: {  	s22 =	simm.s32 $0x1BFF;
	s21 =	sshll.u32 s5, $0x1;
	s2 =	sadd.s32 s19, s18  }
0x9c: {  	s6 =	simm.s32 $0x0;
	s20 =	sshll.u32 s4, $0x1;
	s4 =	sadd.s32 s21, s2  }
0x9d: {  	[timem:s6], [sflag:s22] =	dma.local [hbm:s4], s20  }
0x9e: {  	_ =	swait.ge [sflag:s22], s20  }
0x9f: {  	s3 =	ssub.s32 $0x0, s20;
	[sflag:s22] =	ssyncset.done $0x0  }
0xa0: {  	[sflag:s22] =	ssyncadd.s32 s3;
	_ =	sdelay $0x1  }
0xa1: {  	s23 =	simm.s32 $0x1B8B  }
0xa2: {  	_ =	swait.ge [sflag:s23], $0x1  }
0xa3: {  	[sflag:s23] =	ssyncset.done $0x0  }
0xa4: {  	s25 =	simm.s32 $0x1B8E;
	s24 =	sld [smem:$0x3FFE];
	[sflag:s23] =	ssyncadd.s32 $0xFFFFFFFF  }
0xa5: {  	s26 =	simm.s32 $execute0_lowered;
	[smem:$0x3FD2] =	sst s25  }
0xa6: {  	s4 =	sshll.u32 s26, $0x1;
	_ =	strace $0x80000049;
	[dreg:$0x1] =	wrdreg $0xFFFFFFFF  }
0xa7: {  	s28 =	simm.s32 $_size_execute0_lowered;
	s2 =	sadd.s32 s2, s4;
	[dreg:$0x0] =	wrdreg $0x0  }
0xa8: {  	s4 =	sshll.u32 s28, $0x1;
	[dreg:$0x2] =	wrdreg s2  }
0xa9: {  	[dreg:$0x3] =	wrdreg s4  }
0xaa: {  	[dreg:$0x4] =	wrdreg $0xC0  }
0xab: {  	_ =	task [dreg:s6], $0x5FFFF  }
0xac: {  	[dreg:$0x1] =	wrdreg $0xFFFFFFFF  }
0xad: {  	[dreg:$0x0] =	wrdreg $0x60  }
0xae: {  	[dreg:$0x2] =	wrdreg s24  }
0xaf: {  	[dreg:$0x3] =	wrdreg $0x9  }
0xb0: {  	_ =	task.clear_ibuf [dreg:s6], $0x4FFFF;
	_ =	strace $0x90000049  }
0xb1: {  	s29 =	simm.s32 $0x9;
	_ =	strace $0x8000004B  }
0xb2: {  	_ =	swait.ge [sflag:s29], $0x1  }
0xb3: {  	[sflag:s29] =	ssyncadd.s32 $0xFFFFFFFF  }
0xb4: {  	_ =	strace $0x9000004B  }
0xb5: {  	_ =	sfence  }
0xb6: {  	s30 =	sld [smem:$0x0];
	_ =	sdelay $0x2  }
0xb7: {  	s31 =	sshll.u32 s1, $0xD;
	s1 =	sshrl.u32 s1, $0x2  }
0xb8: {  	s3 =	sand.u32 $0x4000, s31;
	s1 =	sadd.s32 s1, s30  }
0xb9: {  	s0 =	sor.u32 s3, s0;
	s1 =	sshll.u32 s1, $0x11  }
0xba: {  	s0 =	sor.u32 s1, s0  }
0xbb: {  	s0 =	sadd.s32 $0x8F2B, s0  }
0xbc: {  	[sflag:s0] =	ssyncadd.remote.s32 $0x1  }
0xbd: {  	_ =	sfence.sel $0xFFFF  }
0xbe: {  	[dreg:$0x0] =	wrdreg $0xFFFFFFFF;
	(pc) =	sbr.abs _section_cstart, $3  }
0xbf: {  	[dreg:$0x1] =	wrdreg $0xFFFFFFFF  }
0xc0: {  	_ =	task.clear_ibuf [dreg:s6], $0x2FFFF;
	_ =	strace $0x9FFFFFFF  }
0xc1: {  	(tm) =	ssettm $0x7FFFFFFF  }
tec
execute0_lowered:
.L_overlay_start_1:
0x0: {  	(tag) =	ssettag $0x1  }
0x1: {  	s0 =	rddreg [dreg:$0x0];
	s2 =	simm.s32 $0x0;
	s1 =	srdreg.scid  }
0x2: {  	s3 =	stileid.u32;
	s19 =	simm.s32 $0x1;
	s28 =	simm.s32 $0x3100  }
0x3: {  	s29 =	simm.s32 $0x3900;
	s30 =	simm.s32 $0x4100;
	s31 =	simm.s32 $0x4900  }
0x4: {  	s12 =	simm.s32 $0x7100;
	s13 =	simm.s32 $0x7900;
	s14 =	simm.s32 $0x80  }
0x5: {  	s15 =	simm.s32 $0x8900;
	s16 =	simm.s32 $0x9100;
	s17 =	simm.s32 $0x9900  }
0x6: {  	s18 =	simm.s32 $0xA100;
	[smem:$0x7FF] =	sst s2;
	s1 =	sand.u32 $0x1, s1  }
0x7: {  	s3 =	sshll.u32 s3, $0x7;
	s5 =	sadd.s32 $0x412000, s0;
	s6 =	sadd.s32 $0x111E00, s0  }
0x8: {  	s9 =	sadd.s32 $0x1C00, s0;
	s20 =	sadd.s32 $0x51C00, s0;
	s4 =	sshll.u32 s1, $0x6  }
0x9: {  	_ =	strace $0x8000004A;
	s1 =	ssub.s32 $0x2, s1;
	s4 =	sor.u32 s4, s3  }
0xa: {  	s3 =	sadd.s32 $0x412200, s0;
	s24 =	sshrl.u32 s1, $0x1;
	s7 =	sor.u32 $0x20, s4  }
0xb: {  	s8 =	sshrl.u32 s4, $0x3;
	s4 =	sshll.u32 s4, $0x7;
	s1 =	ssub.s32 s1, s24  }
0xc: {  	s24 =	simm.s32 $0x2100;
	s10 =	sadd.s32 s5, s8;
	s11 =	sshrl.u32 s7, $0x3  }
0xd: {  	s21 =	sadd.s32 s9, s4;
	s22 =	sadd.s32 s6, s8;
	s7 =	sshll.u32 s7, $0x7  }
0xe: {  	s26 =	sadd.s32 s20, s4;
	s4 =	sadd.s32 $0x412300, s0;
	[dreg:$0x2] =	wrdreg s10  }
0xf: {  	s8 =	simm.s32 $0x2;
	s5 =	sadd.s32 s5, s11;
	[dreg:$0x4] =	wrdreg s21  }
0x10: {  	[dreg:$0x5] =	wrdreg s22;
	s23 =	sadd.s32 s9, s7;
	s25 =	sadd.s32 s6, s11  }
0x11: {  	[dreg:$0x8] =	wrdreg s26;
	s7 =	sadd.s32 s20, s7;
	s6 =	sadd.s32 $0x412500, s0  }
0x12: {  	s26 =	simm.s32 $0x100;
	s21 =	simm.s32 $0x900;
	[dreg:$0x3] =	wrdreg s5  }
0x13: {  	s22 =	simm.s32 $0x1100;
	s9 =	simm.s32 $0x5100;
	[dreg:$0x6] =	wrdreg s23  }
0x14: {  	v2 =	vlaneseq.u32;
	s10 =	simm.s32 $0x6100;
	s11 =	simm.s32 $0x6900;
	[dreg:$0x7] =	wrdreg s25  }
0x15: {  	vm0 =	vmmov $0xffff;
	v1 =	vshrl.u32 v2, $0x3;
	s5 =	sadd.s32 $0x412400, s0;
	[dreg:$0x9] =	wrdreg s7;
	s7 =	smax.u32 s1, $0x1  }
0x16: {  	v0 =	vand.u32 $0x7, v2;
	v2 =	vor.u32 $0x8, v2;
	v1 =	vmul.u32 $0x8, v1;
	s23 =	simm.s32 $0x1900;
	s25 =	simm.s32 $0x2900;
	s0 =	simm.s32 $0x8100  }
.LBB2_1:
0x17: {  	s20 =	rddreg [dreg:$0x2]  }
0x18: {  	[tilespmem:s2], [sflag:$0x2] =	stream.linear.gather [hbm4b:s20+s2], $0x20, $0x38;
	[tilespmem:$0x10100] =	vst v63  }
0x19: {  	_ =	swait.ge [sflag:s8], $0x20  }
0x1a: {  	[sflag:s8] =	ssyncset.done $0x0  }
0x1b: {  	[sflag:s8] =	ssyncadd.s32 $0xFFFFFFE0  }
0x1c: {  	v3 =	vld [tilespmem:$0x0];
	_ =	sdelay $0x4  }
0x1d: {  	v4 =	vshll.u32 v3, $0x3  }
0x1e: {  	v3 =	vand.u32 $0x7, v3;
	v4 =	vand.u32 $0xFFFFFFC0, v4  }
0x1f: {  	v3 =	vor.u32 v3, v4  }
0x20: {  	v4 =	vperm.xlane v3, v0;
	_ =	sdelay $0x1  }
0x21: {  	v4 =	vadd.s32 v1, v4;
	_ =	sdelay $0x4  }
0x22: {  	[tilespmem:s26], [sflag:$0x1] =	stream.indirect_vreg.gather [hbm4b:s3+s2], $0x80, v4, vm0, $0xb8;
	[tilespmem:$0x10100] =	vst v63  }
0x23: {  	v3 =	vperm.xlane v3, v2  }
0x24: {  	[tilespmem:s21], [sflag:$0x1] =	stream.indirect_vreg.gather [hbm4b:s4+s2], $0x80, v4, vm0, $0xb8;
	[tilespmem:$0x10100] =	vst v63  }
0x25: {  	v3 =	vadd.s32 v1, v3  }
0x26: {  	[tilespmem:s22], [sflag:$0x1] =	stream.indirect_vreg.gather [hbm4b:s5+s2], $0x80, v4, vm0, $0xb8;
	[tilespmem:$0x10100] =	vst v63  }
0x27: {  	_ = 	snop  }
0x28: {  	[tilespmem:s23], [sflag:$0x1] =	stream.indirect_vreg.gather [hbm4b:s6+s2], $0x80, v4, vm0, $0xb8;
	[tilespmem:$0x10100] =	vst v63  }
0x29: {  	_ = 	snop  }
0x2a: {  	[tilespmem:s24], [sflag:$0x1] =	stream.indirect_vreg.gather [hbm4b:s3+s2], $0x80, v3, vm0, $0xb8;
	[tilespmem:$0x10100] =	vst v63  }
0x2b: {  	_ = 	snop  }
0x2c: {  	[tilespmem:s25], [sflag:$0x1] =	stream.indirect_vreg.gather [hbm4b:s4+s2], $0x80, v3, vm0, $0xb8;
	[tilespmem:$0x10100] =	vst v63  }
0x2d: {  	_ = 	snop  }
0x2e: {  	[tilespmem:s28], [sflag:$0x1] =	stream.indirect_vreg.gather [hbm4b:s5+s2], $0x80, v3, vm0, $0xb8;
	[tilespmem:$0x10100] =	vst v63  }
0x2f: {  	_ = 	snop  }
0x30: {  	[tilespmem:s29], [sflag:$0x1] =	stream.indirect_vreg.gather [hbm4b:s6+s2], $0x80, v3, vm0, $0xb8;
	[tilespmem:$0x10100] =	vst v63  }
0x31: {  	v3 =	vld [tilespmem:$0x10];
	_ =	sdelay $0x4  }
0x32: {  	v57 =	vshll.u32 v3, $0x3  }
0x33: {  	v3 =	vand.u32 $0x7, v3;
	v4 =	vand.u32 $0xFFFFFFC0, v57  }
0x34: {  	v3 =	vor.u32 v3, v4  }
0x35: {  	v4 =	vperm.xlane v3, v0;
	_ =	sdelay $0x1  }
0x36: {  	v4 =	vadd.s32 v1, v4;
	_ =	sdelay $0x4  }
0x37: {  	[tilespmem:s30], [sflag:$0x1] =	stream.indirect_vreg.gather [hbm4b:s3+s2], $0x80, v4, vm0, $0xb8;
	[tilespmem:$0x10100] =	vst v63  }
0x38: {  	v3 =	vperm.xlane v3, v2  }
0x39: {  	[tilespmem:s31], [sflag:$0x1] =	stream.indirect_vreg.gather [hbm4b:s4+s2], $0x80, v4, vm0, $0xb8;
	[tilespmem:$0x10100] =	vst v63  }
0x3a: {  	v3 =	vadd.s32 v1, v3  }
0x3b: {  	[tilespmem:s9], [sflag:$0x1] =	stream.indirect_vreg.gather [hbm4b:s5+s2], $0x80, v4, vm0, $0xb8;
	[tilespmem:$0x10100] =	vst v63  }
0x3c: {  	s1 =	simm.s32 $0x5900  }
0x3d: {  	[tilespmem:s1], [sflag:$0x1] =	stream.indirect_vreg.gather [hbm4b:s6+s2], $0x80, v4, vm0, $0xb8;
	[tilespmem:$0x10100] =	vst v63  }
0x3e: {  	_ = 	snop  }
0x3f: {  	[tilespmem:s10], [sflag:$0x1] =	stream.indirect_vreg.gather [hbm4b:s3+s2], $0x80, v3, vm0, $0xb8;
	[tilespmem:$0x10100] =	vst v63  }
0x40: {  	_ = 	snop  }
0x41: {  	[tilespmem:s11], [sflag:$0x1] =	stream.indirect_vreg.gather [hbm4b:s4+s2], $0x80, v3, vm0, $0xb8;
	[tilespmem:$0x10100] =	vst v63  }
0x42: {  	_ = 	snop  }
0x43: {  	[tilespmem:s12], [sflag:$0x1] =	stream.indirect_vreg.gather [hbm4b:s5+s2], $0x80, v3, vm0, $0xb8;
	[tilespmem:$0x10100] =	vst v63  }
0x44: {  	_ = 	snop  }
0x45: {  	[tilespmem:s13], [sflag:$0x1] =	stream.indirect_vreg.gather [hbm4b:s6+s2], $0x80, v3, vm0, $0xb8;
	[tilespmem:$0x10100] =	vst v63  }
0x46: {  	s20 =	rddreg [dreg:$0x3]  }
0x47: {  	[tilespmem:s14], [sflag:$0x2] =	stream.linear.gather [hbm4b:s20+s2], $0x20, $0x38;
	[tilespmem:$0x10100] =	vst v63  }
0x48: {  	_ =	swait.ge [sflag:s8], $0x20  }
0x49: {  	[sflag:s8] =	ssyncset.done $0x0  }
0x4a: {  	[sflag:s8] =	ssyncadd.s32 $0xFFFFFFE0  }
0x4b: {  	v3 =	vld [tilespmem:$0x80];
	_ =	sdelay $0x4  }
0x4c: {  	v58 =	vshll.u32 v3, $0x3  }
0x4d: {  	v3 =	vand.u32 $0x7, v3;
	v4 =	vand.u32 $0xFFFFFFC0, v58  }
0x4e: {  	v3 =	vor.u32 v3, v4  }
0x4f: {  	v4 =	vperm.xlane v3, v0;
	_ =	sdelay $0x1  }
0x50: {  	v4 =	vadd.s32 v1, v4;
	_ =	sdelay $0x4  }
0x51: {  	[tilespmem:s0], [sflag:$0x1] =	stream.indirect_vreg.gather [hbm4b:s3+s2], $0x80, v4, vm0, $0xb8;
	[tilespmem:$0x10100] =	vst v63  }
0x52: {  	v3 =	vperm.xlane v3, v2  }
0x53: {  	[tilespmem:s15], [sflag:$0x1] =	stream.indirect_vreg.gather [hbm4b:s4+s2], $0x80, v4, vm0, $0xb8;
	[tilespmem:$0x10100] =	vst v63  }
0x54: {  	v3 =	vadd.s32 v1, v3  }
0x55: {  	[tilespmem:s16], [sflag:$0x1] =	stream.indirect_vreg.gather [hbm4b:s5+s2], $0x80, v4, vm0, $0xb8;
	[tilespmem:$0x10100] =	vst v63  }
0x56: {  	_ = 	snop  }
0x57: {  	[tilespmem:s17], [sflag:$0x1] =	stream.indirect_vreg.gather [hbm4b:s6+s2], $0x80, v4, vm0, $0xb8;
	[tilespmem:$0x10100] =	vst v63  }
0x58: {  	_ = 	snop  }
0x59: {  	[tilespmem:s18], [sflag:$0x1] =	stream.indirect_vreg.gather [hbm4b:s3+s2], $0x80, v3, vm0, $0xb8;
	[tilespmem:$0x10100] =	vst v63  }
0x5a: {  	s20 =	simm.s32 $0xA900  }
0x5b: {  	[tilespmem:s20], [sflag:$0x1] =	stream.indirect_vreg.gather [hbm4b:s4+s2], $0x80, v3, vm0, $0xb8;
	[tilespmem:$0x10100] =	vst v63  }
0x5c: {  	s20 =	simm.s32 $0xB100  }
0x5d: {  	[tilespmem:s20], [sflag:$0x1] =	stream.indirect_vreg.gather [hbm4b:s5+s2], $0x80, v3, vm0, $0xb8;
	[tilespmem:$0x10100] =	vst v63  }
0x5e: {  	s20 =	simm.s32 $0xB900  }
0x5f: {  	[tilespmem:s20], [sflag:$0x1] =	stream.indirect_vreg.gather [hbm4b:s6+s2], $0x80, v3, vm0, $0xb8;
	[tilespmem:$0x10100] =	vst v63  }
0x60: {  	v3 =	vld [tilespmem:$0x90];
	_ =	sdelay $0x4  }
0x61: {  	v59 =	vshll.u32 v3, $0x3  }
0x62: {  	v3 =	vand.u32 $0x7, v3;
	v4 =	vand.u32 $0xFFFFFFC0, v59  }
0x63: {  	v3 =	vor.u32 v3, v4  }
0x64: {  	v4 =	vperm.xlane v3, v0;
	_ =	sdelay $0x1  }
0x65: {  	v4 =	vadd.s32 v1, v4;
	_ =	sdelay $0x3  }
0x66: {  	s20 =	simm.s32 $0xC100  }
0x67: {  	[tilespmem:s20], [sflag:$0x1] =	stream.indirect_vreg.gather [hbm4b:s3+s2], $0x80, v4, vm0, $0xb8;
	[tilespmem:$0x10100] =	vst v63  }
0x68: {  	v3 =	vperm.xlane v3, v2;
	s20 =	simm.s32 $0xC900  }
0x69: {  	[tilespmem:s20], [sflag:$0x1] =	stream.indirect_vreg.gather [hbm4b:s4+s2], $0x80, v4, vm0, $0xb8;
	[tilespmem:$0x10100] =	vst v63  }
0x6a: {  	v3 =	vadd.s32 v1, v3;
	s20 =	simm.s32 $0xD100  }
0x6b: {  	[tilespmem:s20], [sflag:$0x1] =	stream.indirect_vreg.gather [hbm4b:s5+s2], $0x80, v4, vm0, $0xb8;
	[tilespmem:$0x10100] =	vst v63  }
0x6c: {  	s20 =	simm.s32 $0xD900  }
0x6d: {  	[tilespmem:s20], [sflag:$0x1] =	stream.indirect_vreg.gather [hbm4b:s6+s2], $0x80, v4, vm0, $0xb8;
	[tilespmem:$0x10100] =	vst v63  }
0x6e: {  	s20 =	simm.s32 $0xE100  }
0x6f: {  	[tilespmem:s20], [sflag:$0x1] =	stream.indirect_vreg.gather [hbm4b:s3+s2], $0x80, v3, vm0, $0xb8;
	[tilespmem:$0x10100] =	vst v63  }
0x70: {  	s20 =	simm.s32 $0xE900  }
0x71: {  	[tilespmem:s20], [sflag:$0x1] =	stream.indirect_vreg.gather [hbm4b:s4+s2], $0x80, v3, vm0, $0xb8;
	[tilespmem:$0x10100] =	vst v63  }
0x72: {  	s20 =	simm.s32 $0xF100  }
0x73: {  	[tilespmem:s20], [sflag:$0x1] =	stream.indirect_vreg.gather [hbm4b:s5+s2], $0x80, v3, vm0, $0xb8;
	[tilespmem:$0x10100] =	vst v63  }
0x74: {  	s20 =	simm.s32 $0xF900  }
0x75: {  	[tilespmem:s20], [sflag:$0x1] =	stream.indirect_vreg.gather [hbm4b:s6+s2], $0x80, v3, vm0, $0xb8;
	[tilespmem:$0x10100] =	vst v63  }
0x76: {  	_ =	swait.ge [sflag:s19], $0x8000  }
0x77: {  	[sflag:s19] =	ssyncset.done $0x0  }
0x78: {  	s20 =	rddreg [dreg:$0x4];
	[sflag:s19] =	ssyncadd.s32 $0xFFFF8000  }
0x79: {  	[hbm4b:s20+s2] =	stream.linear.scatter [tilespmem:s26], [sflag:$0x2], $0x8000, $0x38;
	[tilespmem:$0x10100] =	vst v63  }
0x7a: {  	_ =	swait.ge [sflag:s8], $0x8000  }
0x7b: {  	[sflag:s8] =	ssyncset.done $0x0  }
0x7c: {  	s20 =	rddreg [dreg:$0x5];
	[sflag:s8] =	ssyncadd.s32 $0xFFFF8000  }
0x7d: {  	[tilespmem:s2], [sflag:$0x2] =	stream.linear.gather [hbm4b:s20+s2], $0x20, $0x38;
	[tilespmem:$0x10100] =	vst v63  }
0x7e: {  	_ =	swait.ge [sflag:s8], $0x20  }
0x7f: {  	[sflag:s8] =	ssyncset.done $0x0  }
0x80: {  	[sflag:s8] =	ssyncadd.s32 $0xFFFFFFE0  }
0x81: {  	v3 =	vld [tilespmem:$0x0];
	_ =	sdelay $0x4  }
0x82: {  	v60 =	vshll.u32 v3, $0x3  }
0x83: {  	v3 =	vand.u32 $0x7, v3;
	v4 =	vand.u32 $0xFFFFFFC0, v60  }
0x84: {  	v3 =	vor.u32 v3, v4  }
0x85: {  	v4 =	vperm.xlane v3, v0;
	_ =	sdelay $0x1  }
0x86: {  	v4 =	vadd.s32 v1, v4;
	_ =	sdelay $0x4  }
0x87: {  	[tilespmem:s26], [sflag:$0x1] =	stream.indirect_vreg.gather [hbm4b:s3+s2], $0x80, v4, vm0, $0xb8;
	[tilespmem:$0x10100] =	vst v63  }
0x88: {  	v3 =	vperm.xlane v3, v2  }
0x89: {  	[tilespmem:s21], [sflag:$0x1] =	stream.indirect_vreg.gather [hbm4b:s4+s2], $0x80, v4, vm0, $0xb8;
	[tilespmem:$0x10100] =	vst v63  }
0x8a: {  	v3 =	vadd.s32 v1, v3  }
0x8b: {  	[tilespmem:s22], [sflag:$0x1] =	stream.indirect_vreg.gather [hbm4b:s5+s2], $0x80, v4, vm0, $0xb8;
	[tilespmem:$0x10100] =	vst v63  }
0x8c: {  	_ = 	snop  }
0x8d: {  	[tilespmem:s23], [sflag:$0x1] =	stream.indirect_vreg.gather [hbm4b:s6+s2], $0x80, v4, vm0, $0xb8;
	[tilespmem:$0x10100] =	vst v63  }
0x8e: {  	_ = 	snop  }
0x8f: {  	[tilespmem:s24], [sflag:$0x1] =	stream.indirect_vreg.gather [hbm4b:s3+s2], $0x80, v3, vm0, $0xb8;
	[tilespmem:$0x10100] =	vst v63  }
0x90: {  	_ = 	snop  }
0x91: {  	[tilespmem:s25], [sflag:$0x1] =	stream.indirect_vreg.gather [hbm4b:s4+s2], $0x80, v3, vm0, $0xb8;
	[tilespmem:$0x10100] =	vst v63  }
0x92: {  	_ = 	snop  }
0x93: {  	[tilespmem:s28], [sflag:$0x1] =	stream.indirect_vreg.gather [hbm4b:s5+s2], $0x80, v3, vm0, $0xb8;
	[tilespmem:$0x10100] =	vst v63  }
0x94: {  	_ = 	snop  }
0x95: {  	[tilespmem:s29], [sflag:$0x1] =	stream.indirect_vreg.gather [hbm4b:s6+s2], $0x80, v3, vm0, $0xb8;
	[tilespmem:$0x10100] =	vst v63  }
0x96: {  	v3 =	vld [tilespmem:$0x10];
	_ =	sdelay $0x4  }
0x97: {  	v61 =	vshll.u32 v3, $0x3  }
0x98: {  	v3 =	vand.u32 $0x7, v3;
	v4 =	vand.u32 $0xFFFFFFC0, v61  }
0x99: {  	v3 =	vor.u32 v3, v4  }
0x9a: {  	v4 =	vperm.xlane v3, v0;
	_ =	sdelay $0x1  }
0x9b: {  	v4 =	vadd.s32 v1, v4;
	_ =	sdelay $0x4  }
0x9c: {  	[tilespmem:s30], [sflag:$0x1] =	stream.indirect_vreg.gather [hbm4b:s3+s2], $0x80, v4, vm0, $0xb8;
	[tilespmem:$0x10100] =	vst v63  }
0x9d: {  	v3 =	vperm.xlane v3, v2  }
0x9e: {  	[tilespmem:s31], [sflag:$0x1] =	stream.indirect_vreg.gather [hbm4b:s4+s2], $0x80, v4, vm0, $0xb8;
	[tilespmem:$0x10100] =	vst v63  }
0x9f: {  	v3 =	vadd.s32 v1, v3  }
0xa0: {  	[tilespmem:s9], [sflag:$0x1] =	stream.indirect_vreg.gather [hbm4b:s5+s2], $0x80, v4, vm0, $0xb8;
	[tilespmem:$0x10100] =	vst v63  }
0xa1: {  	_ = 	snop  }
0xa2: {  	[tilespmem:s1], [sflag:$0x1] =	stream.indirect_vreg.gather [hbm4b:s6+s2], $0x80, v4, vm0, $0xb8;
	[tilespmem:$0x10100] =	vst v63  }
0xa3: {  	_ = 	snop  }
0xa4: {  	[tilespmem:s10], [sflag:$0x1] =	stream.indirect_vreg.gather [hbm4b:s3+s2], $0x80, v3, vm0, $0xb8;
	[tilespmem:$0x10100] =	vst v63  }
0xa5: {  	_ = 	snop  }
0xa6: {  	[tilespmem:s11], [sflag:$0x1] =	stream.indirect_vreg.gather [hbm4b:s4+s2], $0x80, v3, vm0, $0xb8;
	[tilespmem:$0x10100] =	vst v63  }
0xa7: {  	_ = 	snop  }
0xa8: {  	[tilespmem:s12], [sflag:$0x1] =	stream.indirect_vreg.gather [hbm4b:s5+s2], $0x80, v3, vm0, $0xb8;
	[tilespmem:$0x10100] =	vst v63  }
0xa9: {  	_ = 	snop  }
0xaa: {  	[tilespmem:s13], [sflag:$0x1] =	stream.indirect_vreg.gather [hbm4b:s6+s2], $0x80, v3, vm0, $0xb8;
	[tilespmem:$0x10100] =	vst v63  }
0xab: {  	_ =	swait.ge [sflag:s19], $0x8000  }
0xac: {  	[sflag:s19] =	ssyncset.done $0x0  }
0xad: {  	s1 =	rddreg [dreg:$0x6];
	[sflag:s19] =	ssyncadd.s32 $0xFFFF8000  }
0xae: {  	[hbm4b:s1+s2] =	stream.linear.scatter [tilespmem:s0], [sflag:$0x2], $0x8000, $0x38;
	[tilespmem:$0x10100] =	vst v63  }
0xaf: {  	_ =	swait.ge [sflag:s8], $0x8000  }
0xb0: {  	[sflag:s8] =	ssyncset.done $0x0  }
0xb1: {  	s1 =	rddreg [dreg:$0x7];
	[sflag:s8] =	ssyncadd.s32 $0xFFFF8000  }
0xb2: {  	[tilespmem:s14], [sflag:$0x2] =	stream.linear.gather [hbm4b:s1+s2], $0x20, $0x38;
	[tilespmem:$0x10100] =	vst v63  }
0xb3: {  	_ =	swait.ge [sflag:s8], $0x20  }
0xb4: {  	[sflag:s8] =	ssyncset.done $0x0  }
0xb5: {  	[sflag:s8] =	ssyncadd.s32 $0xFFFFFFE0  }
0xb6: {  	v3 =	vld [tilespmem:$0x80];
	_ =	sdelay $0x4  }
0xb7: {  	v62 =	vshll.u32 v3, $0x3  }
0xb8: {  	v3 =	vand.u32 $0x7, v3;
	v4 =	vand.u32 $0xFFFFFFC0, v62  }
0xb9: {  	v3 =	vor.u32 v3, v4  }
0xba: {  	v4 =	vperm.xlane v3, v0;
	_ =	sdelay $0x1  }
0xbb: {  	v4 =	vadd.s32 v1, v4;
	_ =	sdelay $0x4  }
0xbc: {  	[tilespmem:s0], [sflag:$0x1] =	stream.indirect_vreg.gather [hbm4b:s3+s2], $0x80, v4, vm0, $0xb8;
	[tilespmem:$0x10100] =	vst v63  }
0xbd: {  	v3 =	vperm.xlane v3, v2  }
0xbe: {  	[tilespmem:s15], [sflag:$0x1] =	stream.indirect_vreg.gather [hbm4b:s4+s2], $0x80, v4, vm0, $0xb8;
	[tilespmem:$0x10100] =	vst v63  }
0xbf: {  	v3 =	vadd.s32 v1, v3  }
0xc0: {  	[tilespmem:s16], [sflag:$0x1] =	stream.indirect_vreg.gather [hbm4b:s5+s2], $0x80, v4, vm0, $0xb8;
	[tilespmem:$0x10100] =	vst v63  }
0xc1: {  	_ = 	snop  }
0xc2: {  	[tilespmem:s17], [sflag:$0x1] =	stream.indirect_vreg.gather [hbm4b:s6+s2], $0x80, v4, vm0, $0xb8;
	[tilespmem:$0x10100] =	vst v63  }
0xc3: {  	_ = 	snop  }
0xc4: {  	[tilespmem:s18], [sflag:$0x1] =	stream.indirect_vreg.gather [hbm4b:s3+s2], $0x80, v3, vm0, $0xb8;
	[tilespmem:$0x10100] =	vst v63  }
0xc5: {  	s20 =	simm.s32 $0xA900  }
0xc6: {  	[tilespmem:s20], [sflag:$0x1] =	stream.indirect_vreg.gather [hbm4b:s4+s2], $0x80, v3, vm0, $0xb8;
	[tilespmem:$0x10100] =	vst v63  }
0xc7: {  	s20 =	simm.s32 $0xB100  }
0xc8: {  	[tilespmem:s20], [sflag:$0x1] =	stream.indirect_vreg.gather [hbm4b:s5+s2], $0x80, v3, vm0, $0xb8;
	[tilespmem:$0x10100] =	vst v63  }
0xc9: {  	s20 =	simm.s32 $0xB900  }
0xca: {  	[tilespmem:s20], [sflag:$0x1] =	stream.indirect_vreg.gather [hbm4b:s6+s2], $0x80, v3, vm0, $0xb8;
	[tilespmem:$0x10100] =	vst v63  }
0xcb: {  	v3 =	vld [tilespmem:$0x90];
	_ =	sdelay $0x4  }
0xcc: {  	v63 =	vshll.u32 v3, $0x3  }
0xcd: {  	v3 =	vand.u32 $0x7, v3;
	v4 =	vand.u32 $0xFFFFFFC0, v63  }
0xce: {  	v3 =	vor.u32 v3, v4  }
0xcf: {  	v4 =	vperm.xlane v3, v0;
	_ =	sdelay $0x1  }
0xd0: {  	v4 =	vadd.s32 v1, v4;
	_ =	sdelay $0x3  }
0xd1: {  	s20 =	simm.s32 $0xC100  }
0xd2: {  	[tilespmem:s20], [sflag:$0x1] =	stream.indirect_vreg.gather [hbm4b:s3+s2], $0x80, v4, vm0, $0xb8;
	[tilespmem:$0x10100] =	vst v63  }
0xd3: {  	v3 =	vperm.xlane v3, v2;
	s20 =	simm.s32 $0xC900  }
0xd4: {  	[tilespmem:s20], [sflag:$0x1] =	stream.indirect_vreg.gather [hbm4b:s4+s2], $0x80, v4, vm0, $0xb8;
	[tilespmem:$0x10100] =	vst v63  }
0xd5: {  	v3 =	vadd.s32 v1, v3;
	s20 =	simm.s32 $0xD100  }
0xd6: {  	[tilespmem:s20], [sflag:$0x1] =	stream.indirect_vreg.gather [hbm4b:s5+s2], $0x80, v4, vm0, $0xb8;
	[tilespmem:$0x10100] =	vst v63  }
0xd7: {  	s20 =	simm.s32 $0xD900  }
0xd8: {  	[tilespmem:s20], [sflag:$0x1] =	stream.indirect_vreg.gather [hbm4b:s6+s2], $0x80, v4, vm0, $0xb8;
	[tilespmem:$0x10100] =	vst v63  }
0xd9: {  	s20 =	simm.s32 $0xE100  }
0xda: {  	[tilespmem:s20], [sflag:$0x1] =	stream.indirect_vreg.gather [hbm4b:s3+s2], $0x80, v3, vm0, $0xb8;
	[tilespmem:$0x10100] =	vst v63  }
0xdb: {  	s20 =	simm.s32 $0xE900  }
0xdc: {  	[tilespmem:s20], [sflag:$0x1] =	stream.indirect_vreg.gather [hbm4b:s4+s2], $0x80, v3, vm0, $0xb8;
	[tilespmem:$0x10100] =	vst v63  }
0xdd: {  	s20 =	simm.s32 $0xF100  }
0xde: {  	[tilespmem:s20], [sflag:$0x1] =	stream.indirect_vreg.gather [hbm4b:s5+s2], $0x80, v3, vm0, $0xb8;
	[tilespmem:$0x10100] =	vst v63  }
0xdf: {  	s20 =	simm.s32 $0xF900  }
0xe0: {  	[tilespmem:s20], [sflag:$0x1] =	stream.indirect_vreg.gather [hbm4b:s6+s2], $0x80, v3, vm0, $0xb8;
	[tilespmem:$0x10100] =	vst v63  }
0xe1: {  	_ =	swait.ge [sflag:s19], $0x8000  }
0xe2: {  	[sflag:s19] =	ssyncset.done $0x0  }
0xe3: {  	s1 =	rddreg [dreg:$0x8];
	[sflag:s19] =	ssyncadd.s32 $0xFFFF8000  }
0xe4: {  	[hbm4b:s1+s2] =	stream.linear.scatter [tilespmem:s26], [sflag:$0x2], $0x8000, $0x38;
	[tilespmem:$0x10100] =	vst v63  }
0xe5: {  	_ =	swait.ge [sflag:s8], $0x8000  }
0xe6: {  	[sflag:s8] =	ssyncset.done $0x0  }
0xe7: {  	[sflag:s8] =	ssyncadd.s32 $0xFFFF8000  }
0xe8: {  	_ =	swait.ge [sflag:s19], $0x8000  }
0xe9: {  	p0 =	sne.s32 s7, $0x1;
	[sflag:s19] =	ssyncset.done $0x0  }
.Ltmp0:
0xea: {  	s1 =	rddreg [dreg:$0x9];
	[sflag:s19] =	ssyncadd.s32 $0xFFFF8000;
	(pc) =	sbr.rel @p0 .LBB2_1-.Ltmp0, $4  }
0xeb: {  	[hbm4b:s1+s2] =	stream.linear.scatter [tilespmem:s0], [sflag:$0x2], $0x8000, $0x38;
	[tilespmem:$0x10100] =	vst v63  }
0xec: {  	_ =	swait.ge [sflag:s8], $0x8000  }
0xed: {  	[sflag:s8] =	ssyncset.done $0x0  }
0xee: {  	s7 =	sadd.s32 $0xFFFFFFFF, s7;
	[sflag:s8] =	ssyncadd.s32 $0xFFFF8000  }
0xef: {  	_ =	sfence.sel $0x180000  }
0xf0: {  	[bflag:$0x0] =	sbarrier.arrive $0xFFFF  }
0xf1: {  	_ =	strace $0x9000004A  }
0xf2: {  	s0 =	stileid.u32;
	[bflag:$0x2] =	sbarrier.arrive $0xFFFF  }
0xf3: {  	p0 =	sne.s32 s0, $0x0;
	s0 =	rddreg [dreg:$0x1]  }
0xf4: {  	s0 =	sadd.s32 @!p0 $0x100000, s0  }
0xf5: {  	[sflag:s0] =	ssyncadd.tile.s32 @!p0 $0x1;
	_ =	shalt  }
.Lfunc_end2:
_tile_overlayer_lowered:
.L_overlay_start_2:
0xf6: {  	(tag) =	ssettag $0x2  }
0xf7: {  	s0 =	rddreg [dreg:$0x0];
	s2 =	stileid.u32  }
0xf8: {  	s1 =	rddreg [dreg:$0x1];
	p0 =	sne.s32 s2, $0x0  }
0xf9: {  	s3 =	rddreg [dreg:$0x2];
	[bflag:$0x3] =	sbarrier.arrive $0xFFFF;
	s2 =	simm.s32 @!p0 $0x1C02  }
0xfa: {  	[timem:s3], [sflag:s2] =	dma.local @!p0 [hbm:s0], s1  }
0xfb: {  	s0 =	simm.s32 @!p0 $0x2  }
0xfc: {  	_ =	swait.ge @!p0 [sflag:s0], s1  }
0xfd: {  	s1 =	ssub.s32 @!p0 $0x0, s1;
	[sflag:s0] =	ssyncset.done @!p0 $0x0  }
0xfe: {  	[sflag:s0] =	ssyncadd.s32 @!p0 s1  }
0xff: {  	[bflag:$0x3] =	sbarrier.arrive $0xFFFF  }
0x100: {  	_ =	shalt  }

</sc_bundles>
